<compile_context>
chip_gen: v7x
topology: tpu7x:2x2x1
jax: 0.10.2.dev20260603
libtpu: 0.0.44.dev20260713+nightly
codegen_flags: <defaults>
</compile_context>

<pallas_src>
import jax
import jax.numpy as jnp
from jax import lax
from jax.experimental import pallas as pl
from jax.experimental.pallas import tpu as pltpu
from jax.experimental.pallas import tpu_sc as plsc

VOCAB = 100000
HIDDEN = 768
SEG_NUM = 3
B, L = 1024, 200
N = B * L

_INFO = plsc.get_sparse_core_info()
NC, NS, LANES = _INFO.num_cores, _INFO.num_subcores, _INFO.num_lanes
NW = NC * NS
PER_W = N // NW
CHUNK = 16
NCHUNKS = PER_W // CHUNK
CBLKS = HIDDEN // LANES
NSLOTS = 3


def _body(token_hbm, segment_hbm, token_tab, pos_tab, seg_tab, out_hbm,
          tok_idx, seg_idx, seg_v,
          buf_a0, buf_a1, buf_a2, buf_b0, buf_b1, buf_b2, out0, out1, out2,
          sem_g0, sem_g1, sem_g2, sem_w0, sem_w1, sem_w2):
    wid = lax.axis_index("s") * NC + lax.axis_index("c")
    base = wid * PER_W
    bufs_a = (buf_a0, buf_a1, buf_a2)
    bufs_b = (buf_b0, buf_b1, buf_b2)
    outs = (out0, out1, out2)
    sems_g = (sem_g0, sem_g1, sem_g2)
    sems_w = (sem_w0, sem_w1, sem_w2)

    pltpu.sync_copy(token_hbm.at[pl.ds(base, PER_W)], tok_idx)
    pltpu.sync_copy(segment_hbm.at[pl.ds(base, PER_W)], seg_idx)
    pltpu.sync_copy(seg_tab, seg_v)

    def delta_step(j, _):
        sl = pl.ds(j * LANES, LANES)
        r0 = seg_v[0, sl]
        r1 = seg_v[1, sl]
        r2 = seg_v[2, sl]
        seg_v[2, sl] = r2 - r1
        seg_v[1, sl] = r1 - r0
        return 0

    lax.fori_loop(0, CBLKS, delta_step, 0)

    def fire_gathers(chunk, p):
        idx = tok_idx.at[pl.ds(chunk * CHUNK, CHUNK)]
        pltpu.async_copy(token_tab.at[idx], bufs_a[p], sems_g[p])
        pltpu.async_copy(pos_tab.at[idx], bufs_b[p], sems_g[p])

    for p in range(NSLOTS):
        fire_gathers(p, p)

    def process(chunk, p):
        pltpu.make_async_copy(token_tab.at[pl.ds(0, CHUNK)], bufs_a[p],
                              sems_g[p]).wait()
        pltpu.make_async_copy(token_tab.at[pl.ds(0, CHUNK)], bufs_b[p],
                              sems_g[p]).wait()
        @pl.when(chunk >= NSLOTS)
        def _():
            pltpu.make_async_copy(out_hbm.at[pl.ds(base, CHUNK)], outs[p],
                                  sems_w[p]).wait()

        svec = seg_idx[pl.ds(chunk * CHUNK, LANES)]
        m1 = (svec >= 1).astype(jnp.float32)
        m2 = (svec >= 2).astype(jnp.float32)

        def col_step(j, _):
            sl = pl.ds(j * LANES, LANES)
            s0 = seg_v[0, sl]
            d1 = seg_v[1, sl]
            d2 = seg_v[2, sl]
            for r in range(CHUNK):
                m1b = jnp.broadcast_to(m1[r], (LANES,))
                m2b = jnp.broadcast_to(m2[r], (LANES,))
                seg_row = s0 + m1b * d1 + m2b * d2
                outs[p][r, sl] = bufs_a[p][r, sl] + bufs_b[p][r, sl] + seg_row
            return 0

        lax.fori_loop(0, CBLKS, col_step, 0)

        @pl.when(chunk + NSLOTS < NCHUNKS)
        def _():
            fire_gathers(chunk + NSLOTS, p)

        pltpu.async_copy(outs[p], out_hbm.at[pl.ds(base + chunk * CHUNK, CHUNK)],
                         sems_w[p])

    def trip_step(i, _):
        process(NSLOTS * i, 0)
        process(NSLOTS * i + 1, 1)
        process(NSLOTS * i + 2, 2)
        return 0

    lax.fori_loop(0, NCHUNKS // NSLOTS, trip_step, 0)
    process(NCHUNKS - 1, 0)

    for p in range(NSLOTS):
        pltpu.make_async_copy(out_hbm.at[pl.ds(base, CHUNK)], outs[p],
                              sems_w[p]).wait()


@jax.jit
def _run(token_flat, segment_flat, token_table, pos_table, seg_table):
    mesh = plsc.VectorSubcoreMesh(core_axis_name="c", subcore_axis_name="s")
    kern = pl.kernel(
        _body,
        out_type=jax.ShapeDtypeStruct((N, HIDDEN), jnp.float32),
        mesh=mesh,
        compiler_params=pltpu.CompilerParams(needs_layout_passes=False),
        scratch_types=[
            pltpu.VMEM((PER_W,), jnp.int32),
            pltpu.VMEM((PER_W,), jnp.int32),
            pltpu.VMEM((8, HIDDEN), jnp.float32),
            pltpu.VMEM((CHUNK, HIDDEN), jnp.float32),
            pltpu.VMEM((CHUNK, HIDDEN), jnp.float32),
            pltpu.VMEM((CHUNK, HIDDEN), jnp.float32),
            pltpu.VMEM((CHUNK, HIDDEN), jnp.float32),
            pltpu.VMEM((CHUNK, HIDDEN), jnp.float32),
            pltpu.VMEM((CHUNK, HIDDEN), jnp.float32),
            pltpu.VMEM((CHUNK, HIDDEN), jnp.float32),
            pltpu.VMEM((CHUNK, HIDDEN), jnp.float32),
            pltpu.VMEM((CHUNK, HIDDEN), jnp.float32),
            pltpu.SemaphoreType.DMA,
            pltpu.SemaphoreType.DMA,
            pltpu.SemaphoreType.DMA,
            pltpu.SemaphoreType.DMA,
            pltpu.SemaphoreType.DMA,
            pltpu.SemaphoreType.DMA,
        ],
    )
    return kern(token_flat, segment_flat, token_table, pos_table, seg_table)


def kernel(token, segment, token_table, pos_table, seg_table):
    token_flat = token.reshape(N).astype(jnp.int32)
    segment_flat = segment.reshape(N).astype(jnp.int32)
    seg_pad = jnp.concatenate(
        [seg_table, jnp.zeros((8 - SEG_NUM, HIDDEN), jnp.float32)], axis=0)
    out = _run(token_flat, segment_flat, token_table, pos_table, seg_pad)
    return out.reshape(B, L, HIDDEN)

# --- scband reference (transcript-rebuilt; emitter-appended) ---
"""Pipeline reference for scband-bert-embedding-17128329577092 (READ-ONLY COPY).

The authoritative reference and input builder live on the scoring server;
editing this copy changes nothing except your own understanding.
"""

import jax, jax.numpy as jnp
import numpy as np

VOCAB = 100000
HIDDEN = 768
SEG_NUM = 3
B, L = 1024, 200


def setup_inputs(seed: int = 0) -> dict:
    key = jax.random.key(seed)
    k1, k2, k3, k4, k5 = jax.random.split(key, 5)
    token = jax.random.randint(k1, (B, L), 0, VOCAB, dtype=jnp.int64 if jax.config.jax_enable_x64 else jnp.int32)
    segment = jax.random.randint(k2, (B, L), 0, SEG_NUM, dtype=jnp.int64 if jax.config.jax_enable_x64 else jnp.int32)
    # Learned parameters. NOTE: in the original torch code,
    # `self.pos_embedding.from_pretrained(...)` discards its return value, so the
    # position table remains randomly initialized -> we model it as a random table.
    token_table = jax.random.normal(k3, (VOCAB, HIDDEN), dtype=jnp.float32) * 0.02
    # padding_idx=0 row zeroed (nn.Embedding with padding_idx zeros that row at init)
    token_table = token_table.at[0].set(0.0)
    pos_table = jax.random.normal(k4, (VOCAB, HIDDEN), dtype=jnp.float32) * 0.02
    seg_table = jax.random.normal(k5, (SEG_NUM, HIDDEN), dtype=jnp.float32) * 0.02
    return {"token": token, "segment": segment, "token_table": token_table, "pos_table": pos_table, "seg_table": seg_table}


def reference(token, segment, token_table, pos_table, seg_table):
    # token embedding lookup
    token_emb = jnp.take(token_table, token, axis=0)
    # position embedding is (unusually) indexed by the token ids, per original code
    pos_emb = jnp.take(pos_table, token, axis=0)
    seg_emb = jnp.take(seg_table, segment, axis=0)
    bert_input = token_emb + pos_emb + seg_emb
    # dropout is identity in eval / deterministic reference
    return bert_input

if __name__ == "__main__":
    import jax
    _d = setup_inputs()
    print(jax.jit(kernel)(*tuple(_d.values())))

</pallas_src>

<mosaic_0001>
#map = affine_map<(d0, d1) -> (0)>
#map1 = affine_map<(d0, d1) -> (0, 0)>
module attributes {stable_mosaic.version = 14 : i64} {
  func.func @_body(%arg0: i32, %arg1: i32, %arg2: memref<204800xi32, #tpu.memory_space<hbm>>, %arg3: memref<204800xi32, #tpu.memory_space<hbm>>, %arg4: memref<100000x768xf32, #tpu.memory_space<hbm>>, %arg5: memref<100000x768xf32, #tpu.memory_space<hbm>>, %arg6: memref<8x768xf32, #tpu.memory_space<hbm>>, %arg7: memref<204800x768xf32, #tpu.memory_space<hbm>>, %arg8: memref<6400xi32, #tpu.memory_space<vmem>>, %arg9: memref<6400xi32, #tpu.memory_space<vmem>>, %arg10: memref<8x768xf32, #tpu.memory_space<vmem>>, %arg11: memref<16x768xf32, #tpu.memory_space<vmem>>, %arg12: memref<16x768xf32, #tpu.memory_space<vmem>>, %arg13: memref<16x768xf32, #tpu.memory_space<vmem>>, %arg14: memref<16x768xf32, #tpu.memory_space<vmem>>, %arg15: memref<16x768xf32, #tpu.memory_space<vmem>>, %arg16: memref<16x768xf32, #tpu.memory_space<vmem>>, %arg17: memref<16x768xf32, #tpu.memory_space<vmem>>, %arg18: memref<16x768xf32, #tpu.memory_space<vmem>>, %arg19: memref<16x768xf32, #tpu.memory_space<vmem>>, %arg20: memref<!tpu.dma_semaphore, #tpu.memory_space<semaphore_mem>>, %arg21: memref<!tpu.dma_semaphore, #tpu.memory_space<semaphore_mem>>, %arg22: memref<!tpu.dma_semaphore, #tpu.memory_space<semaphore_mem>>, %arg23: memref<!tpu.dma_semaphore, #tpu.memory_space<semaphore_mem>>, %arg24: memref<!tpu.dma_semaphore, #tpu.memory_space<semaphore_mem>>, %arg25: memref<!tpu.dma_semaphore, #tpu.memory_space<semaphore_mem>>) attributes {dimension_semantics = [#tpu.dimension_semantics<core_parallel>, #tpu.dimension_semantics<subcore_parallel>], iteration_bounds = array<i64: 2, 16>, scalar_prefetch = 0 : i64, scratch_operands = 18 : i64, tpu.core_type = #tpu.core_type<sc_vector_subcore>, window_params = [{transform_indices = #map}, {transform_indices = #map}, {transform_indices = #map1}, {transform_indices = #map1}, {transform_indices = #map1}, {transform_indices = #map1}]} {
    %mul3A = arith.constant 2 : i32
    %mul3A_0 = arith.muli %arg1, %mul3A : i32
    %add3A = arith.addi %mul3A_0, %arg0 : i32
    %mul3A_1 = arith.constant 6400 : i32
    %mul3A_2 = arith.muli %add3A, %mul3A_1 : i32
    "tpu.region"() ({
      %run_scoped3A = tpu.sem_alloc : memref<!tpu.dma_semaphore, #tpu.memory_space<semaphore_mem>>
      %dma_start3A_94 = tpu.memref_slice %arg2[%mul3A_2] : memref<204800xi32, #tpu.memory_space<hbm>> -> memref<6400xi32, #tpu.memory_space<hbm>>
      %dma_start3A_95 = tpu.memref_slice %arg2[%mul3A_2] : memref<204800xi32, #tpu.memory_space<hbm>> -> memref<6400xi32, #tpu.memory_space<hbm>>
      tpu.enqueue_dma source(%dma_start3A_95 : memref<6400xi32, #tpu.memory_space<hbm>>) target(%arg8 : memref<6400xi32, #tpu.memory_space<vmem>>) target_semaphore(%run_scoped3A : memref<!tpu.dma_semaphore, #tpu.memory_space<semaphore_mem>>)
      %dma_wait3A_96 = tpu.memref_slice %arg2[%mul3A_2] : memref<204800xi32, #tpu.memory_space<hbm>> -> memref<6400xi32, #tpu.memory_space<hbm>>
      %dma_wait3A_97 = tpu.memref_slice %arg2[%mul3A_2] : memref<204800xi32, #tpu.memory_space<hbm>> -> memref<6400xi32, #tpu.memory_space<hbm>>
      tpu.wait_dma2 semaphore(%run_scoped3A : memref<!tpu.dma_semaphore, #tpu.memory_space<semaphore_mem>>) src(%dma_wait3A_97 : memref<6400xi32, #tpu.memory_space<hbm>>) dst(%arg8 : memref<6400xi32, #tpu.memory_space<vmem>>)
      tpu.yield
    }) : () -> ()
    "tpu.region"() ({
      %run_scoped3A = tpu.sem_alloc : memref<!tpu.dma_semaphore, #tpu.memory_space<semaphore_mem>>
      %dma_start3A_94 = tpu.memref_slice %arg3[%mul3A_2] : memref<204800xi32, #tpu.memory_space<hbm>> -> memref<6400xi32, #tpu.memory_space<hbm>>
      %dma_start3A_95 = tpu.memref_slice %arg3[%mul3A_2] : memref<204800xi32, #tpu.memory_space<hbm>> -> memref<6400xi32, #tpu.memory_space<hbm>>
      tpu.enqueue_dma source(%dma_start3A_95 : memref<6400xi32, #tpu.memory_space<hbm>>) target(%arg9 : memref<6400xi32, #tpu.memory_space<vmem>>) target_semaphore(%run_scoped3A : memref<!tpu.dma_semaphore, #tpu.memory_space<semaphore_mem>>)
      %dma_wait3A_96 = tpu.memref_slice %arg3[%mul3A_2] : memref<204800xi32, #tpu.memory_space<hbm>> -> memref<6400xi32, #tpu.memory_space<hbm>>
      %dma_wait3A_97 = tpu.memref_slice %arg3[%mul3A_2] : memref<204800xi32, #tpu.memory_space<hbm>> -> memref<6400xi32, #tpu.memory_space<hbm>>
      tpu.wait_dma2 semaphore(%run_scoped3A : memref<!tpu.dma_semaphore, #tpu.memory_space<semaphore_mem>>) src(%dma_wait3A_97 : memref<6400xi32, #tpu.memory_space<hbm>>) dst(%arg9 : memref<6400xi32, #tpu.memory_space<vmem>>)
      tpu.yield
    }) : () -> ()
    "tpu.region"() ({
      %run_scoped3A = tpu.sem_alloc : memref<!tpu.dma_semaphore, #tpu.memory_space<semaphore_mem>>
      tpu.enqueue_dma source(%arg6 : memref<8x768xf32, #tpu.memory_space<hbm>>) target(%arg10 : memref<8x768xf32, #tpu.memory_space<vmem>>) target_semaphore(%run_scoped3A : memref<!tpu.dma_semaphore, #tpu.memory_space<semaphore_mem>>)
      tpu.wait_dma2 semaphore(%run_scoped3A : memref<!tpu.dma_semaphore, #tpu.memory_space<semaphore_mem>>) src(%arg6 : memref<8x768xf32, #tpu.memory_space<hbm>>) dst(%arg10 : memref<8x768xf32, #tpu.memory_space<vmem>>)
      tpu.yield
    }) : () -> ()
    %scan3A = arith.constant 0 : i32
    %scan3A_3 = arith.constant 0 : i32
    %scan3A_4 = arith.constant 48 : i32
    %scan3A_5 = arith.addi %scan3A_3, %scan3A_4 : i32
    %scan3A_6 = arith.constant 1 : i32
    %scan3A_7 = scf.for %scan3A_94 = %scan3A_3 to %scan3A_5 step %scan3A_6 iter_args(%scan3A_95 = %scan3A) -> (i32)  : i32 {
      %mul3A_96 = arith.constant 16 : i32
      %mul3A_97 = arith.muli %scan3A_94, %mul3A_96 : i32
      %get3A_98 = arith.constant 0 : i32
      %get3A_99 = arith.index_cast %get3A_98 : i32 to index
      %get3A_100 = arith.index_cast %mul3A_97 : i32 to index
      %get3A_101 = tpu.vector_load %arg10[%get3A_99, %get3A_100] {strides = array<i32>} : memref<8x768xf32, #tpu.memory_space<vmem>>, vector<16xf32>,
      %get3A_102 = arith.constant 1 : i32
      %get3A_103 = arith.index_cast %get3A_102 : i32 to index
      %get3A_104 = arith.index_cast %mul3A_97 : i32 to index
      %get3A_105 = tpu.vector_load %arg10[%get3A_103, %get3A_104] {strides = array<i32>} : memref<8x768xf32, #tpu.memory_space<vmem>>, vector<16xf32>,
      %get3A_106 = arith.constant 2 : i32
      %get3A_107 = arith.index_cast %get3A_106 : i32 to index
      %get3A_108 = arith.index_cast %mul3A_97 : i32 to index
      %get3A_109 = tpu.vector_load %arg10[%get3A_107, %get3A_108] {strides = array<i32>} : memref<8x768xf32, #tpu.memory_space<vmem>>, vector<16xf32>,
      %sub3A = arith.subf %get3A_109, %get3A_105 : vector<16xf32>
      %swap3A = arith.constant 2 : i32
      %swap3A_110 = arith.index_cast %swap3A : i32 to index
      %swap3A_111 = arith.index_cast %mul3A_97 : i32 to index
      %swap3A_112 = tpu.vector_load %arg10[%swap3A_110, %swap3A_111] {strides = array<i32>} : memref<8x768xf32, #tpu.memory_space<vmem>>, vector<16xf32>,
      tpu.vector_store %arg10[%swap3A_110, %swap3A_111], %sub3A {strides = array<i32>} : memref<8x768xf32, #tpu.memory_space<vmem>>, vector<16xf32>,
      %sub3A_113 = arith.subf %get3A_105, %get3A_101 : vector<16xf32>
      %swap3A_114 = arith.constant 1 : i32
      %swap3A_115 = arith.index_cast %swap3A_114 : i32 to index
      %swap3A_116 = arith.index_cast %mul3A_97 : i32 to index
      %swap3A_117 = tpu.vector_load %arg10[%swap3A_115, %swap3A_116] {strides = array<i32>} : memref<8x768xf32, #tpu.memory_space<vmem>>, vector<16xf32>,
      tpu.vector_store %arg10[%swap3A_115, %swap3A_116], %sub3A_113 {strides = array<i32>} : memref<8x768xf32, #tpu.memory_space<vmem>>, vector<16xf32>,
      %scan3A_118 = arith.constant 0 : i32
      scf.yield %scan3A_118 : i32
    }
    %scan3A_8 = arith.constant 48 : i32
    %dma_start3A = arith.constant 0 : i32
    %dma_start3A_9 = tpu.memref_slice %arg8[%dma_start3A] : memref<6400xi32, #tpu.memory_space<vmem>> -> memref<16xi32, #tpu.memory_space<vmem>>
    %dma_start3A_10 = arith.constant 0 : i32
    %dma_start3A_11 = arith.constant 0 : i32
    %dma_start3A_12 = tpu.memref_slice %arg4[%dma_start3A_10, %dma_start3A_11] : memref<100000x768xf32, #tpu.memory_space<hbm>> -> memref<100000x768xf32, #tpu.memory_space<hbm>>
    tpu.enqueue_indirect_dma source(%dma_start3A_12 : memref<100000x768xf32, #tpu.memory_space<hbm>>) target(%arg11 : memref<16x768xf32, #tpu.memory_space<vmem>>) offsets(%dma_start3A_9 : memref<16xi32, #tpu.memory_space<vmem>>) semaphore(%arg20 : memref<!tpu.dma_semaphore, #tpu.memory_space<semaphore_mem>>)
    %dma_start3A_13 = arith.constant 0 : i32
    %dma_start3A_14 = tpu.memref_slice %arg8[%dma_start3A_13] : memref<6400xi32, #tpu.memory_space<vmem>> -> memref<16xi32, #tpu.memory_space<vmem>>
    %dma_start3A_15 = arith.constant 0 : i32
    %dma_start3A_16 = arith.constant 0 : i32
    %dma_start3A_17 = tpu.memref_slice %arg5[%dma_start3A_15, %dma_start3A_16] : memref<100000x768xf32, #tpu.memory_space<hbm>> -> memref<100000x768xf32, #tpu.memory_space<hbm>>
    tpu.enqueue_indirect_dma source(%dma_start3A_17 : memref<100000x768xf32, #tpu.memory_space<hbm>>) target(%arg14 : memref<16x768xf32, #tpu.memory_space<vmem>>) offsets(%dma_start3A_14 : memref<16xi32, #tpu.memory_space<vmem>>) semaphore(%arg20 : memref<!tpu.dma_semaphore, #tpu.memory_space<semaphore_mem>>)
    %dma_start3A_18 = arith.constant 16 : i32
    %dma_start3A_19 = tpu.memref_slice %arg8[%dma_start3A_18] : memref<6400xi32, #tpu.memory_space<vmem>> -> memref<16xi32, #tpu.memory_space<vmem>>
    %dma_start3A_20 = arith.constant 0 : i32
    %dma_start3A_21 = arith.constant 0 : i32
    %dma_start3A_22 = tpu.memref_slice %arg4[%dma_start3A_20, %dma_start3A_21] : memref<100000x768xf32, #tpu.memory_space<hbm>> -> memref<100000x768xf32, #tpu.memory_space<hbm>>
    tpu.enqueue_indirect_dma source(%dma_start3A_22 : memref<100000x768xf32, #tpu.memory_space<hbm>>) target(%arg12 : memref<16x768xf32, #tpu.memory_space<vmem>>) offsets(%dma_start3A_19 : memref<16xi32, #tpu.memory_space<vmem>>) semaphore(%arg21 : memref<!tpu.dma_semaphore, #tpu.memory_space<semaphore_mem>>)
    %dma_start3A_23 = arith.constant 16 : i32
    %dma_start3A_24 = tpu.memref_slice %arg8[%dma_start3A_23] : memref<6400xi32, #tpu.memory_space<vmem>> -> memref<16xi32, #tpu.memory_space<vmem>>
    %dma_start3A_25 = arith.constant 0 : i32
    %dma_start3A_26 = arith.constant 0 : i32
    %dma_start3A_27 = tpu.memref_slice %arg5[%dma_start3A_25, %dma_start3A_26] : memref<100000x768xf32, #tpu.memory_space<hbm>> -> memref<100000x768xf32, #tpu.memory_space<hbm>>
    tpu.enqueue_indirect_dma source(%dma_start3A_27 : memref<100000x768xf32, #tpu.memory_space<hbm>>) target(%arg15 : memref<16x768xf32, #tpu.memory_space<vmem>>) offsets(%dma_start3A_24 : memref<16xi32, #tpu.memory_space<vmem>>) semaphore(%arg21 : memref<!tpu.dma_semaphore, #tpu.memory_space<semaphore_mem>>)
    %dma_start3A_28 = arith.constant 32 : i32
    %dma_start3A_29 = tpu.memref_slice %arg8[%dma_start3A_28] : memref<6400xi32, #tpu.memory_space<vmem>> -> memref<16xi32, #tpu.memory_space<vmem>>
    %dma_start3A_30 = arith.constant 0 : i32
    %dma_start3A_31 = arith.constant 0 : i32
    %dma_start3A_32 = tpu.memref_slice %arg4[%dma_start3A_30, %dma_start3A_31] : memref<100000x768xf32, #tpu.memory_space<hbm>> -> memref<100000x768xf32, #tpu.memory_space<hbm>>
    tpu.enqueue_indirect_dma source(%dma_start3A_32 : memref<100000x768xf32, #tpu.memory_space<hbm>>) target(%arg13 : memref<16x768xf32, #tpu.memory_space<vmem>>) offsets(%dma_start3A_29 : memref<16xi32, #tpu.memory_space<vmem>>) semaphore(%arg22 : memref<!tpu.dma_semaphore, #tpu.memory_space<semaphore_mem>>)
    %dma_start3A_33 = arith.constant 32 : i32
    %dma_start3A_34 = tpu.memref_slice %arg8[%dma_start3A_33] : memref<6400xi32, #tpu.memory_space<vmem>> -> memref<16xi32, #tpu.memory_space<vmem>>
    %dma_start3A_35 = arith.constant 0 : i32
    %dma_start3A_36 = arith.constant 0 : i32
    %dma_start3A_37 = tpu.memref_slice %arg5[%dma_start3A_35, %dma_start3A_36] : memref<100000x768xf32, #tpu.memory_space<hbm>> -> memref<100000x768xf32, #tpu.memory_space<hbm>>
    tpu.enqueue_indirect_dma source(%dma_start3A_37 : memref<100000x768xf32, #tpu.memory_space<hbm>>) target(%arg16 : memref<16x768xf32, #tpu.memory_space<vmem>>) offsets(%dma_start3A_34 : memref<16xi32, #tpu.memory_space<vmem>>) semaphore(%arg22 : memref<!tpu.dma_semaphore, #tpu.memory_space<semaphore_mem>>)
    %scan3A_38 = arith.constant 0 : i32
    %scan3A_39 = arith.constant 0 : i32
    %scan3A_40 = arith.constant 133 : i32
    %scan3A_41 = arith.addi %scan3A_39, %scan3A_40 : i32
    %scan3A_42 = arith.constant 1 : i32
    %scan3A_43 = scf.for %scan3A_94 = %scan3A_39 to %scan3A_41 step %scan3A_42 iter_args(%scan3A_95 = %scan3A_38) -> (i32)  : i32 {
      %mul3A_96 = arith.constant 3 : i32
      %mul3A_97 = arith.muli %mul3A_96, %scan3A_94 : i32
      %dma_wait3A_98 = arith.constant 0 : i32
      %dma_wait3A_99 = arith.constant 0 : i32
      %dma_wait3A_100 = tpu.memref_slice %arg4[%dma_wait3A_98, %dma_wait3A_99] : memref<100000x768xf32, #tpu.memory_space<hbm>> -> memref<16x768xf32, #tpu.memory_space<hbm>>
      %dma_wait3A_101 = arith.constant 0 : i32
      %dma_wait3A_102 = arith.constant 0 : i32
      %dma_wait3A_103 = tpu.memref_slice %arg4[%dma_wait3A_101, %dma_wait3A_102] : memref<100000x768xf32, #tpu.memory_space<hbm>> -> memref<16x768xf32, #tpu.memory_space<hbm>>
      tpu.wait_dma2 semaphore(%arg20 : memref<!tpu.dma_semaphore, #tpu.memory_space<semaphore_mem>>) src(%dma_wait3A_103 : memref<16x768xf32, #tpu.memory_space<hbm>>) dst(%arg11 : memref<16x768xf32, #tpu.memory_space<vmem>>)
      %dma_wait3A_104 = arith.constant 0 : i32
      %dma_wait3A_105 = arith.constant 0 : i32
      %dma_wait3A_106 = tpu.memref_slice %arg4[%dma_wait3A_104, %dma_wait3A_105] : memref<100000x768xf32, #tpu.memory_space<hbm>> -> memref<16x768xf32, #tpu.memory_space<hbm>>
      %dma_wait3A_107 = arith.constant 0 : i32
      %dma_wait3A_108 = arith.constant 0 : i32
      %dma_wait3A_109 = tpu.memref_slice %arg4[%dma_wait3A_107, %dma_wait3A_108] : memref<100000x768xf32, #tpu.memory_space<hbm>> -> memref<16x768xf32, #tpu.memory_space<hbm>>
      tpu.wait_dma2 semaphore(%arg20 : memref<!tpu.dma_semaphore, #tpu.memory_space<semaphore_mem>>) src(%dma_wait3A_109 : memref<16x768xf32, #tpu.memory_space<hbm>>) dst(%arg14 : memref<16x768xf32, #tpu.memory_space<vmem>>)
      %ge3A_110 = arith.constant 3 : i32
      %ge3A_111 = arith.cmpi sge, %mul3A_97, %ge3A_110 : i32
      %convert_element_type3A_112 = arith.extui %ge3A_111 : i1 to i32
      %cond3A = arith.constant 0 : i32
      %cond3A_113 = arith.cmpi ne, %convert_element_type3A_112, %cond3A : i32
      scf.if %cond3A_113 {
        %dma_wait3A_261 = arith.constant 0 : i32
        %dma_wait3A_262 = tpu.memref_slice %arg7[%mul3A_2, %dma_wait3A_261] : memref<204800x768xf32, #tpu.memory_space<hbm>> -> memref<16x768xf32, #tpu.memory_space<hbm>>
        %dma_wait3A_263 = arith.constant 0 : i32
        %dma_wait3A_264 = tpu.memref_slice %arg7[%mul3A_2, %dma_wait3A_263] : memref<204800x768xf32, #tpu.memory_space<hbm>> -> memref<16x768xf32, #tpu.memory_space<hbm>>
        tpu.wait_dma2 semaphore(%arg23 : memref<!tpu.dma_semaphore, #tpu.memory_space<semaphore_mem>>) src(%dma_wait3A_264 : memref<16x768xf32, #tpu.memory_space<hbm>>) dst(%arg17 : memref<16x768xf32, #tpu.memory_space<vmem>>)
      } else {
      }
      %mul3A_114 = arith.constant 16 : i32
      %mul3A_115 = arith.muli %mul3A_97, %mul3A_114 : i32
      %get3A_116 = arith.index_cast %mul3A_115 : i32 to index
      %get3A_117 = tpu.vector_load %arg9[%get3A_116] {strides = array<i32>} : memref<6400xi32, #tpu.memory_space<vmem>>, vector<16xi32>,
      %ge3A_118 = arith.constant 1 : i32
      %ge3A_119 = vector.broadcast %ge3A_118 : i32 to vector<16xi32>
      %ge3A_120 = arith.cmpi sge, %get3A_117, %ge3A_119 : vector<16xi32>
      %convert_element_type3A_121 = arith.extui %ge3A_120 : vector<16xi1> to vector<16xi32>
      %convert_element_type3A_122 = arith.sitofp %convert_element_type3A_121 : vector<16xi32> to vector<16xf32>
      %ge3A_123 = arith.constant 2 : i32
      %ge3A_124 = vector.broadcast %ge3A_123 : i32 to vector<16xi32>
      %ge3A_125 = arith.cmpi sge, %get3A_117, %ge3A_124 : vector<16xi32>
      %convert_element_type3A_126 = arith.extui %ge3A_125 : vector<16xi1> to vector<16xi32>
      %convert_element_type3A_127 = arith.sitofp %convert_element_type3A_126 : vector<16xi32> to vector<16xf32>
      %scan3A_128 = arith.constant 0 : i32
      %scan3A_129 = arith.constant 0 : i32
      %scan3A_130 = arith.constant 48 : i32
      %scan3A_131 = arith.addi %scan3A_129, %scan3A_130 : i32
      %scan3A_132 = arith.constant 1 : i32
      %scan3A_133 = scf.for %scan3A_261 = %scan3A_129 to %scan3A_131 step %scan3A_132 iter_args(%scan3A_262 = %scan3A_128) -> (i32)  : i32 {
        %mul3A_263 = arith.constant 16 : i32
        %mul3A_264 = arith.muli %scan3A_261, %mul3A_263 : i32
        %get3A_265 = arith.constant 0 : i32
        %get3A_266 = arith.index_cast %get3A_265 : i32 to index
        %get3A_267 = arith.index_cast %mul3A_264 : i32 to index
        %get3A_268 = tpu.vector_load %arg10[%get3A_266, %get3A_267] {strides = array<i32>} : memref<8x768xf32, #tpu.memory_space<vmem>>, vector<16xf32>,
        %get3A_269 = arith.constant 1 : i32
        %get3A_270 = arith.index_cast %get3A_269 : i32 to index
        %get3A_271 = arith.index_cast %mul3A_264 : i32 to index
        %get3A_272 = tpu.vector_load %arg10[%get3A_270, %get3A_271] {strides = array<i32>} : memref<8x768xf32, #tpu.memory_space<vmem>>, vector<16xf32>,
        %get3A_273 = arith.constant 2 : i32
        %get3A_274 = arith.index_cast %get3A_273 : i32 to index
        %get3A_275 = arith.index_cast %mul3A_264 : i32 to index
        %get3A_276 = tpu.vector_load %arg10[%get3A_274, %get3A_275] {strides = array<i32>} : memref<8x768xf32, #tpu.memory_space<vmem>>, vector<16xf32>,
        %slice3A = vector.extract_strided_slice %convert_element_type3A_122 {offsets = [0], sizes = [1], strides = [1]} : vector<16xf32> to vector<1xf32>
        %squeeze3A = vector.extract %slice3A[0] : f32 from vector<1xf32>
        %broadcast_in_dim3A = vector.broadcast %squeeze3A : f32 to vector<16xf32>
        %slice3A_277 = vector.extract_strided_slice %convert_element_type3A_127 {offsets = [0], sizes = [1], strides = [1]} : vector<16xf32> to vector<1xf32>
        %squeeze3A_278 = vector.extract %slice3A_277[0] : f32 from vector<1xf32>
        %broadcast_in_dim3A_279 = vector.broadcast %squeeze3A_278 : f32 to vector<16xf32>
        %mul3A_280 = arith.mulf %broadcast_in_dim3A, %get3A_272 : vector<16xf32>
        %add3A_281 = arith.addf %get3A_268, %mul3A_280 : vector<16xf32>
        %mul3A_282 = arith.mulf %broadcast_in_dim3A_279, %get3A_276 : vector<16xf32>
        %add3A_283 = arith.addf %add3A_281, %mul3A_282 : vector<16xf32>
        %get3A_284 = arith.constant 0 : i32
        %get3A_285 = arith.index_cast %get3A_284 : i32 to index
        %get3A_286 = arith.index_cast %mul3A_264 : i32 to index
        %get3A_287 = tpu.vector_load %arg11[%get3A_285, %get3A_286] {strides = array<i32>} : memref<16x768xf32, #tpu.memory_space<vmem>>, vector<16xf32>,
        %get3A_288 = arith.constant 0 : i32
        %get3A_289 = arith.index_cast %get3A_288 : i32 to index
        %get3A_290 = arith.index_cast %mul3A_264 : i32 to index
        %get3A_291 = tpu.vector_load %arg14[%get3A_289, %get3A_290] {strides = array<i32>} : memref<16x768xf32, #tpu.memory_space<vmem>>, vector<16xf32>,
        %add3A_292 = arith.addf %get3A_287, %get3A_291 : vector<16xf32>
        %add3A_293 = arith.addf %add3A_292, %add3A_283 : vector<16xf32>
        %swap3A = arith.constant 0 : i32
        %swap3A_294 = arith.index_cast %swap3A : i32 to index
        %swap3A_295 = arith.index_cast %mul3A_264 : i32 to index
        %swap3A_296 = tpu.vector_load %arg17[%swap3A_294, %swap3A_295] {strides = array<i32>} : memref<16x768xf32, #tpu.memory_space<vmem>>, vector<16xf32>,
        tpu.vector_store %arg17[%swap3A_294, %swap3A_295], %add3A_293 {strides = array<i32>} : memref<16x768xf32, #tpu.memory_space<vmem>>, vector<16xf32>,
        %slice3A_297 = vector.extract_strided_slice %convert_element_type3A_122 {offsets = [1], sizes = [1], strides = [1]} : vector<16xf32> to vector<1xf32>
        %squeeze3A_298 = vector.extract %slice3A_297[0] : f32 from vector<1xf32>
        %broadcast_in_dim3A_299 = vector.broadcast %squeeze3A_298 : f32 to vector<16xf32>
        %slice3A_300 = vector.extract_strided_slice %convert_element_type3A_127 {offsets = [1], sizes = [1], strides = [1]} : vector<16xf32> to vector<1xf32>
        %squeeze3A_301 = vector.extract %slice3A_300[0] : f32 from vector<1xf32>
        %broadcast_in_dim3A_302 = vector.broadcast %squeeze3A_301 : f32 to vector<16xf32>
        %mul3A_303 = arith.mulf %broadcast_in_dim3A_299, %get3A_272 : vector<16xf32>
        %add3A_304 = arith.addf %get3A_268, %mul3A_303 : vector<16xf32>
        %mul3A_305 = arith.mulf %broadcast_in_dim3A_302, %get3A_276 : vector<16xf32>
        %add3A_306 = arith.addf %add3A_304, %mul3A_305 : vector<16xf32>
        %get3A_307 = arith.constant 1 : i32
        %get3A_308 = arith.index_cast %get3A_307 : i32 to index
        %get3A_309 = arith.index_cast %mul3A_264 : i32 to index
        %get3A_310 = tpu.vector_load %arg11[%get3A_308, %get3A_309] {strides = array<i32>} : memref<16x768xf32, #tpu.memory_space<vmem>>, vector<16xf32>,
        %get3A_311 = arith.constant 1 : i32
        %get3A_312 = arith.index_cast %get3A_311 : i32 to index
        %get3A_313 = arith.index_cast %mul3A_264 : i32 to index
        %get3A_314 = tpu.vector_load %arg14[%get3A_312, %get3A_313] {strides = array<i32>} : memref<16x768xf32, #tpu.memory_space<vmem>>, vector<16xf32>,
        %add3A_315 = arith.addf %get3A_310, %get3A_314 : vector<16xf32>
        %add3A_316 = arith.addf %add3A_315, %add3A_306 : vector<16xf32>
        %swap3A_317 = arith.constant 1 : i32
        %swap3A_318 = arith.index_cast %swap3A_317 : i32 to index
        %swap3A_319 = arith.index_cast %mul3A_264 : i32 to index
        %swap3A_320 = tpu.vector_load %arg17[%swap3A_318, %swap3A_319] {strides = array<i32>} : memref<16x768xf32, #tpu.memory_space<vmem>>, vector<16xf32>,
        tpu.vector_store %arg17[%swap3A_318, %swap3A_319], %add3A_316 {strides = array<i32>} : memref<16x768xf32, #tpu.memory_space<vmem>>, vector<16xf32>,
        %slice3A_321 = vector.extract_strided_slice %convert_element_type3A_122 {offsets = [2], sizes = [1], strides = [1]} : vector<16xf32> to vector<1xf32>
        %squeeze3A_322 = vector.extract %slice3A_321[0] : f32 from vector<1xf32>
        %broadcast_in_dim3A_323 = vector.broadcast %squeeze3A_322 : f32 to vector<16xf32>
        %slice3A_324 = vector.extract_strided_slice %convert_element_type3A_127 {offsets = [2], sizes = [1], strides = [1]} : vector<16xf32> to vector<1xf32>
        %squeeze3A_325 = vector.extract %slice3A_324[0] : f32 from vector<1xf32>
        %broadcast_in_dim3A_326 = vector.broadcast %squeeze3A_325 : f32 to vector<16xf32>
        %mul3A_327 = arith.mulf %broadcast_in_dim3A_323, %get3A_272 : vector<16xf32>
        %add3A_328 = arith.addf %get3A_268, %mul3A_327 : vector<16xf32>
        %mul3A_329 = arith.mulf %broadcast_in_dim3A_326, %get3A_276 : vector<16xf32>
        %add3A_330 = arith.addf %add3A_328, %mul3A_329 : vector<16xf32>
        %get3A_331 = arith.constant 2 : i32
        %get3A_332 = arith.index_cast %get3A_331 : i32 to index
        %get3A_333 = arith.index_cast %mul3A_264 : i32 to index
        %get3A_334 = tpu.vector_load %arg11[%get3A_332, %get3A_333] {strides = array<i32>} : memref<16x768xf32, #tpu.memory_space<vmem>>, vector<16xf32>,
        %get3A_335 = arith.constant 2 : i32
        %get3A_336 = arith.index_cast %get3A_335 : i32 to index
        %get3A_337 = arith.index_cast %mul3A_264 : i32 to index
        %get3A_338 = tpu.vector_load %arg14[%get3A_336, %get3A_337] {strides = array<i32>} : memref<16x768xf32, #tpu.memory_space<vmem>>, vector<16xf32>,
        %add3A_339 = arith.addf %get3A_334, %get3A_338 : vector<16xf32>
        %add3A_340 = arith.addf %add3A_339, %add3A_330 : vector<16xf32>
        %swap3A_341 = arith.constant 2 : i32
        %swap3A_342 = arith.index_cast %swap3A_341 : i32 to index
        %swap3A_343 = arith.index_cast %mul3A_264 : i32 to index
        %swap3A_344 = tpu.vector_load %arg17[%swap3A_342, %swap3A_343] {strides = array<i32>} : memref<16x768xf32, #tpu.memory_space<vmem>>, vector<16xf32>,
        tpu.vector_store %arg17[%swap3A_342, %swap3A_343], %add3A_340 {strides = array<i32>} : memref<16x768xf32, #tpu.memory_space<vmem>>, vector<16xf32>,
        %slice3A_345 = vector.extract_strided_slice %convert_element_type3A_122 {offsets = [3], sizes = [1], strides = [1]} : vector<16xf32> to vector<1xf32>
        %squeeze3A_346 = vector.extract %slice3A_345[0] : f32 from vector<1xf32>
        %broadcast_in_dim3A_347 = vector.broadcast %squeeze3A_346 : f32 to vector<16xf32>
        %slice3A_348 = vector.extract_strided_slice %convert_element_type3A_127 {offsets = [3], sizes = [1], strides = [1]} : vector<16xf32> to vector<1xf32>
        %squeeze3A_349 = vector.extract %slice3A_348[0] : f32 from vector<1xf32>
        %broadcast_in_dim3A_350 = vector.broadcast %squeeze3A_349 : f32 to vector<16xf32>
        %mul3A_351 = arith.mulf %broadcast_in_dim3A_347, %get3A_272 : vector<16xf32>
        %add3A_352 = arith.addf %get3A_268, %mul3A_351 : vector<16xf32>
        %mul3A_353 = arith.mulf %broadcast_in_dim3A_350, %get3A_276 : vector<16xf32>
        %add3A_354 = arith.addf %add3A_352, %mul3A_353 : vector<16xf32>
        %get3A_355 = arith.constant 3 : i32
        %get3A_356 = arith.index_cast %get3A_355 : i32 to index
        %get3A_357 = arith.index_cast %mul3A_264 : i32 to index
        %get3A_358 = tpu.vector_load %arg11[%get3A_356, %get3A_357] {strides = array<i32>} : memref<16x768xf32, #tpu.memory_space<vmem>>, vector<16xf32>,
        %get3A_359 = arith.constant 3 : i32
        %get3A_360 = arith.index_cast %get3A_359 : i32 to index
        %get3A_361 = arith.index_cast %mul3A_264 : i32 to index
        %get3A_362 = tpu.vector_load %arg14[%get3A_360, %get3A_361] {strides = array<i32>} : memref<16x768xf32, #tpu.memory_space<vmem>>, vector<16xf32>,
        %add3A_363 = arith.addf %get3A_358, %get3A_362 : vector<16xf32>
        %add3A_364 = arith.addf %add3A_363, %add3A_354 : vector<16xf32>
        %swap3A_365 = arith.constant 3 : i32
        %swap3A_366 = arith.index_cast %swap3A_365 : i32 to index
        %swap3A_367 = arith.index_cast %mul3A_264 : i32 to index
        %swap3A_368 = tpu.vector_load %arg17[%swap3A_366, %swap3A_367] {strides = array<i32>} : memref<16x768xf32, #tpu.memory_space<vmem>>, vector<16xf32>,
        tpu.vector_store %arg17[%swap3A_366, %swap3A_367], %add3A_364 {strides = array<i32>} : memref<16x768xf32, #tpu.memory_space<vmem>>, vector<16xf32>,
        %slice3A_369 = vector.extract_strided_slice %convert_element_type3A_122 {offsets = [4], sizes = [1], strides = [1]} : vector<16xf32> to vector<1xf32>
        %squeeze3A_370 = vector.extract %slice3A_369[0] : f32 from vector<1xf32>
        %broadcast_in_dim3A_371 = vector.broadcast %squeeze3A_370 : f32 to vector<16xf32>
        %slice3A_372 = vector.extract_strided_slice %convert_element_type3A_127 {offsets = [4], sizes = [1], strides = [1]} : vector<16xf32> to vector<1xf32>
        %squeeze3A_373 = vector.extract %slice3A_372[0] : f32 from vector<1xf32>
        %broadcast_in_dim3A_374 = vector.broadcast %squeeze3A_373 : f32 to vector<16xf32>
        %mul3A_375 = arith.mulf %broadcast_in_dim3A_371, %get3A_272 : vector<16xf32>
        %add3A_376 = arith.addf %get3A_268, %mul3A_375 : vector<16xf32>
        %mul3A_377 = arith.mulf %broadcast_in_dim3A_374, %get3A_276 : vector<16xf32>
        %add3A_378 = arith.addf %add3A_376, %mul3A_377 : vector<16xf32>
        %get3A_379 = arith.constant 4 : i32
        %get3A_380 = arith.index_cast %get3A_379 : i32 to index
        %get3A_381 = arith.index_cast %mul3A_264 : i32 to index
        %get3A_382 = tpu.vector_load %arg11[%get3A_380, %get3A_381] {strides = array<i32>} : memref<16x768xf32, #tpu.memory_space<vmem>>, vector<16xf32>,
        %get3A_383 = arith.constant 4 : i32
        %get3A_384 = arith.index_cast %get3A_383 : i32 to index
        %get3A_385 = arith.index_cast %mul3A_264 : i32 to index
        %get3A_386 = tpu.vector_load %arg14[%get3A_384, %get3A_385] {strides = array<i32>} : memref<16x768xf32, #tpu.memory_space<vmem>>, vector<16xf32>,
        %add3A_387 = arith.addf %get3A_382, %get3A_386 : vector<16xf32>
        %add3A_388 = arith.addf %add3A_387, %add3A_378 : vector<16xf32>
        %swap3A_389 = arith.constant 4 : i32
        %swap3A_390 = arith.index_cast %swap3A_389 : i32 to index
        %swap3A_391 = arith.index_cast %mul3A_264 : i32 to index
        %swap3A_392 = tpu.vector_load %arg17[%swap3A_390, %swap3A_391] {strides = array<i32>} : memref<16x768xf32, #tpu.memory_space<vmem>>, vector<16xf32>,
        tpu.vector_store %arg17[%swap3A_390, %swap3A_391], %add3A_388 {strides = array<i32>} : memref<16x768xf32, #tpu.memory_space<vmem>>, vector<16xf32>,
        %slice3A_393 = vector.extract_strided_slice %convert_element_type3A_122 {offsets = [5], sizes = [1], strides = [1]} : vector<16xf32> to vector<1xf32>
        %squeeze3A_394 = vector.extract %slice3A_393[0] : f32 from vector<1xf32>
        %broadcast_in_dim3A_395 = vector.broadcast %squeeze3A_394 : f32 to vector<16xf32>
        %slice3A_396 = vector.extract_strided_slice %convert_element_type3A_127 {offsets = [5], sizes = [1], strides = [1]} : vector<16xf32> to vector<1xf32>
        %squeeze3A_397 = vector.extract %slice3A_396[0] : f32 from vector<1xf32>
        %broadcast_in_dim3A_398 = vector.broadcast %squeeze3A_397 : f32 to vector<16xf32>
        %mul3A_399 = arith.mulf %broadcast_in_dim3A_395, %get3A_272 : vector<16xf32>
        %add3A_400 = arith.addf %get3A_268, %mul3A_399 : vector<16xf32>
        %mul3A_401 = arith.mulf %broadcast_in_dim3A_398, %get3A_276 : vector<16xf32>
        %add3A_402 = arith.addf %add3A_400, %mul3A_401 : vector<16xf32>
        %get3A_403 = arith.constant 5 : i32
        %get3A_404 = arith.index_cast %get3A_403 : i32 to index
        %get3A_405 = arith.index_cast %mul3A_264 : i32 to index
        %get3A_406 = tpu.vector_load %arg11[%get3A_404, %get3A_405] {strides = array<i32>} : memref<16x768xf32, #tpu.memory_space<vmem>>, vector<16xf32>,
        %get3A_407 = arith.constant 5 : i32
        %get3A_408 = arith.index_cast %get3A_407 : i32 to index
        %get3A_409 = arith.index_cast %mul3A_264 : i32 to index
        %get3A_410 = tpu.vector_load %arg14[%get3A_408, %get3A_409] {strides = array<i32>} : memref<16x768xf32, #tpu.memory_space<vmem>>, vector<16xf32>,
        %add3A_411 = arith.addf %get3A_406, %get3A_410 : vector<16xf32>
        %add3A_412 = arith.addf %add3A_411, %add3A_402 : vector<16xf32>
        %swap3A_413 = arith.constant 5 : i32
        %swap3A_414 = arith.index_cast %swap3A_413 : i32 to index
        %swap3A_415 = arith.index_cast %mul3A_264 : i32 to index
        %swap3A_416 = tpu.vector_load %arg17[%swap3A_414, %swap3A_415] {strides = array<i32>} : memref<16x768xf32, #tpu.memory_space<vmem>>, vector<16xf32>,
        tpu.vector_store %arg17[%swap3A_414, %swap3A_415], %add3A_412 {strides = array<i32>} : memref<16x768xf32, #tpu.memory_space<vmem>>, vector<16xf32>,
        %slice3A_417 = vector.extract_strided_slice %convert_element_type3A_122 {offsets = [6], sizes = [1], strides = [1]} : vector<16xf32> to vector<1xf32>
        %squeeze3A_418 = vector.extract %slice3A_417[0] : f32 from vector<1xf32>
        %broadcast_in_dim3A_419 = vector.broadcast %squeeze3A_418 : f32 to vector<16xf32>
        %slice3A_420 = vector.extract_strided_slice %convert_element_type3A_127 {offsets = [6], sizes = [1], strides = [1]} : vector<16xf32> to vector<1xf32>
        %squeeze3A_421 = vector.extract %slice3A_420[0] : f32 from vector<1xf32>
        %broadcast_in_dim3A_422 = vector.broadcast %squeeze3A_421 : f32 to vector<16xf32>
        %mul3A_423 = arith.mulf %broadcast_in_dim3A_419, %get3A_272 : vector<16xf32>
        %add3A_424 = arith.addf %get3A_268, %mul3A_423 : vector<16xf32>
        %mul3A_425 = arith.mulf %broadcast_in_dim3A_422, %get3A_276 : vector<16xf32>
        %add3A_426 = arith.addf %add3A_424, %mul3A_425 : vector<16xf32>
        %get3A_427 = arith.constant 6 : i32
        %get3A_428 = arith.index_cast %get3A_427 : i32 to index
        %get3A_429 = arith.index_cast %mul3A_264 : i32 to index
        %get3A_430 = tpu.vector_load %arg11[%get3A_428, %get3A_429] {strides = array<i32>} : memref<16x768xf32, #tpu.memory_space<vmem>>, vector<16xf32>,
        %get3A_431 = arith.constant 6 : i32
        %get3A_432 = arith.index_cast %get3A_431 : i32 to index
        %get3A_433 = arith.index_cast %mul3A_264 : i32 to index
        %get3A_434 = tpu.vector_load %arg14[%get3A_432, %get3A_433] {strides = array<i32>} : memref<16x768xf32, #tpu.memory_space<vmem>>, vector<16xf32>,
        %add3A_435 = arith.addf %get3A_430, %get3A_434 : vector<16xf32>
        %add3A_436 = arith.addf %add3A_435, %add3A_426 : vector<16xf32>
        %swap3A_437 = arith.constant 6 : i32
        %swap3A_438 = arith.index_cast %swap3A_437 : i32 to index
        %swap3A_439 = arith.index_cast %mul3A_264 : i32 to index
        %swap3A_440 = tpu.vector_load %arg17[%swap3A_438, %swap3A_439] {strides = array<i32>} : memref<16x768xf32, #tpu.memory_space<vmem>>, vector<16xf32>,
        tpu.vector_store %arg17[%swap3A_438, %swap3A_439], %add3A_436 {strides = array<i32>} : memref<16x768xf32, #tpu.memory_space<vmem>>, vector<16xf32>,
        %slice3A_441 = vector.extract_strided_slice %convert_element_type3A_122 {offsets = [7], sizes = [1], strides = [1]} : vector<16xf32> to vector<1xf32>
        %squeeze3A_442 = vector.extract %slice3A_441[0] : f32 from vector<1xf32>
        %broadcast_in_dim3A_443 = vector.broadcast %squeeze3A_442 : f32 to vector<16xf32>
        %slice3A_444 = vector.extract_strided_slice %convert_element_type3A_127 {offsets = [7], sizes = [1], strides = [1]} : vector<16xf32> to vector<1xf32>
        %squeeze3A_445 = vector.extract %slice3A_444[0] : f32 from vector<1xf32>
        %broadcast_in_dim3A_446 = vector.broadcast %squeeze3A_445 : f32 to vector<16xf32>
        %mul3A_447 = arith.mulf %broadcast_in_dim3A_443, %get3A_272 : vector<16xf32>
        %add3A_448 = arith.addf %get3A_268, %mul3A_447 : vector<16xf32>
        %mul3A_449 = arith.mulf %broadcast_in_dim3A_446, %get3A_276 : vector<16xf32>
        %add3A_450 = arith.addf %add3A_448, %mul3A_449 : vector<16xf32>
        %get3A_451 = arith.constant 7 : i32
        %get3A_452 = arith.index_cast %get3A_451 : i32 to index
        %get3A_453 = arith.index_cast %mul3A_264 : i32 to index
        %get3A_454 = tpu.vector_load %arg11[%get3A_452, %get3A_453] {strides = array<i32>} : memref<16x768xf32, #tpu.memory_space<vmem>>, vector<16xf32>,
        %get3A_455 = arith.constant 7 : i32
        %get3A_456 = arith.index_cast %get3A_455 : i32 to index
        %get3A_457 = arith.index_cast %mul3A_264 : i32 to index
        %get3A_458 = tpu.vector_load %arg14[%get3A_456, %get3A_457] {strides = array<i32>} : memref<16x768xf32, #tpu.memory_space<vmem>>, vector<16xf32>,
        %add3A_459 = arith.addf %get3A_454, %get3A_458 : vector<16xf32>
        %add3A_460 = arith.addf %add3A_459, %add3A_450 : vector<16xf32>
        %swap3A_461 = arith.constant 7 : i32
        %swap3A_462 = arith.index_cast %swap3A_461 : i32 to index
        %swap3A_463 = arith.index_cast %mul3A_264 : i32 to index
        %swap3A_464 = tpu.vector_load %arg17[%swap3A_462, %swap3A_463] {strides = array<i32>} : memref<16x768xf32, #tpu.memory_space<vmem>>, vector<16xf32>,
        tpu.vector_store %arg17[%swap3A_462, %swap3A_463], %add3A_460 {strides = array<i32>} : memref<16x768xf32, #tpu.memory_space<vmem>>, vector<16xf32>,
        %slice3A_465 = vector.extract_strided_slice %convert_element_type3A_122 {offsets = [8], sizes = [1], strides = [1]} : vector<16xf32> to vector<1xf32>
        %squeeze3A_466 = vector.extract %slice3A_465[0] : f32 from vector<1xf32>
        %broadcast_in_dim3A_467 = vector.broadcast %squeeze3A_466 : f32 to vector<16xf32>
        %slice3A_468 = vector.extract_strided_slice %convert_element_type3A_127 {offsets = [8], sizes = [1], strides = [1]} : vector<16xf32> to vector<1xf32>
        %squeeze3A_469 = vector.extract %slice3A_468[0] : f32 from vector<1xf32>
        %broadcast_in_dim3A_470 = vector.broadcast %squeeze3A_469 : f32 to vector<16xf32>
        %mul3A_471 = arith.mulf %broadcast_in_dim3A_467, %get3A_272 : vector<16xf32>
        %add3A_472 = arith.addf %get3A_268, %mul3A_471 : vector<16xf32>
        %mul3A_473 = arith.mulf %broadcast_in_dim3A_470, %get3A_276 : vector<16xf32>
        %add3A_474 = arith.addf %add3A_472, %mul3A_473 : vector<16xf32>
        %get3A_475 = arith.constant 8 : i32
        %get3A_476 = arith.index_cast %get3A_475 : i32 to index
        %get3A_477 = arith.index_cast %mul3A_264 : i32 to index
        %get3A_478 = tpu.vector_load %arg11[%get3A_476, %get3A_477] {strides = array<i32>} : memref<16x768xf32, #tpu.memory_space<vmem>>, vector<16xf32>,
        %get3A_479 = arith.constant 8 : i32
        %get3A_480 = arith.index_cast %get3A_479 : i32 to index
        %get3A_481 = arith.index_cast %mul3A_264 : i32 to index
        %get3A_482 = tpu.vector_load %arg14[%get3A_480, %get3A_481] {strides = array<i32>} : memref<16x768xf32, #tpu.memory_space<vmem>>, vector<16xf32>,
        %add3A_483 = arith.addf %get3A_478, %get3A_482 : vector<16xf32>
        %add3A_484 = arith.addf %add3A_483, %add3A_474 : vector<16xf32>
        %swap3A_485 = arith.constant 8 : i32
        %swap3A_486 = arith.index_cast %swap3A_485 : i32 to index
        %swap3A_487 = arith.index_cast %mul3A_264 : i32 to index
        %swap3A_488 = tpu.vector_load %arg17[%swap3A_486, %swap3A_487] {strides = array<i32>} : memref<16x768xf32, #tpu.memory_space<vmem>>, vector<16xf32>,
        tpu.vector_store %arg17[%swap3A_486, %swap3A_487], %add3A_484 {strides = array<i32>} : memref<16x768xf32, #tpu.memory_space<vmem>>, vector<16xf32>,
        %slice3A_489 = vector.extract_strided_slice %convert_element_type3A_122 {offsets = [9], sizes = [1], strides = [1]} : vector<16xf32> to vector<1xf32>
        %squeeze3A_490 = vector.extract %slice3A_489[0] : f32 from vector<1xf32>
        %broadcast_in_dim3A_491 = vector.broadcast %squeeze3A_490 : f32 to vector<16xf32>
        %slice3A_492 = vector.extract_strided_slice %convert_element_type3A_127 {offsets = [9], sizes = [1], strides = [1]} : vector<16xf32> to vector<1xf32>
        %squeeze3A_493 = vector.extract %slice3A_492[0] : f32 from vector<1xf32>
        %broadcast_in_dim3A_494 = vector.broadcast %squeeze3A_493 : f32 to vector<16xf32>
        %mul3A_495 = arith.mulf %broadcast_in_dim3A_491, %get3A_272 : vector<16xf32>
        %add3A_496 = arith.addf %get3A_268, %mul3A_495 : vector<16xf32>
        %mul3A_497 = arith.mulf %broadcast_in_dim3A_494, %get3A_276 : vector<16xf32>
        %add3A_498 = arith.addf %add3A_496, %mul3A_497 : vector<16xf32>
        %get3A_499 = arith.constant 9 : i32
        %get3A_500 = arith.index_cast %get3A_499 : i32 to index
        %get3A_501 = arith.index_cast %mul3A_264 : i32 to index
        %get3A_502 = tpu.vector_load %arg11[%get3A_500, %get3A_501] {strides = array<i32>} : memref<16x768xf32, #tpu.memory_space<vmem>>, vector<16xf32>,
        %get3A_503 = arith.constant 9 : i32
        %get3A_504 = arith.index_cast %get3A_503 : i32 to index
        %get3A_505 = arith.index_cast %mul3A_264 : i32 to index
        %get3A_506 = tpu.vector_load %arg14[%get3A_504, %get3A_505] {strides = array<i32>} : memref<16x768xf32, #tpu.memory_space<vmem>>, vector<16xf32>,
        %add3A_507 = arith.addf %get3A_502, %get3A_506 : vector<16xf32>
        %add3A_508 = arith.addf %add3A_507, %add3A_498 : vector<16xf32>
        %swap3A_509 = arith.constant 9 : i32
        %swap3A_510 = arith.index_cast %swap3A_509 : i32 to index
        %swap3A_511 = arith.index_cast %mul3A_264 : i32 to index
        %swap3A_512 = tpu.vector_load %arg17[%swap3A_510, %swap3A_511] {strides = array<i32>} : memref<16x768xf32, #tpu.memory_space<vmem>>, vector<16xf32>,
        tpu.vector_store %arg17[%swap3A_510, %swap3A_511], %add3A_508 {strides = array<i32>} : memref<16x768xf32, #tpu.memory_space<vmem>>, vector<16xf32>,
        %slice3A_513 = vector.extract_strided_slice %convert_element_type3A_122 {offsets = [10], sizes = [1], strides = [1]} : vector<16xf32> to vector<1xf32>
        %squeeze3A_514 = vector.extract %slice3A_513[0] : f32 from vector<1xf32>
        %broadcast_in_dim3A_515 = vector.broadcast %squeeze3A_514 : f32 to vector<16xf32>
        %slice3A_516 = vector.extract_strided_slice %convert_element_type3A_127 {offsets = [10], sizes = [1], strides = [1]} : vector<16xf32> to vector<1xf32>
        %squeeze3A_517 = vector.extract %slice3A_516[0] : f32 from vector<1xf32>
        %broadcast_in_dim3A_518 = vector.broadcast %squeeze3A_517 : f32 to vector<16xf32>
        %mul3A_519 = arith.mulf %broadcast_in_dim3A_515, %get3A_272 : vector<16xf32>
        %add3A_520 = arith.addf %get3A_268, %mul3A_519 : vector<16xf32>
        %mul3A_521 = arith.mulf %broadcast_in_dim3A_518, %get3A_276 : vector<16xf32>
        %add3A_522 = arith.addf %add3A_520, %mul3A_521 : vector<16xf32>
        %get3A_523 = arith.constant 10 : i32
        %get3A_524 = arith.index_cast %get3A_523 : i32 to index
        %get3A_525 = arith.index_cast %mul3A_264 : i32 to index
        %get3A_526 = tpu.vector_load %arg11[%get3A_524, %get3A_525] {strides = array<i32>} : memref<16x768xf32, #tpu.memory_space<vmem>>, vector<16xf32>,
        %get3A_527 = arith.constant 10 : i32
        %get3A_528 = arith.index_cast %get3A_527 : i32 to index
        %get3A_529 = arith.index_cast %mul3A_264 : i32 to index
        %get3A_530 = tpu.vector_load %arg14[%get3A_528, %get3A_529] {strides = array<i32>} : memref<16x768xf32, #tpu.memory_space<vmem>>, vector<16xf32>,
        %add3A_531 = arith.addf %get3A_526, %get3A_530 : vector<16xf32>
        %add3A_532 = arith.addf %add3A_531, %add3A_522 : vector<16xf32>
        %swap3A_533 = arith.constant 10 : i32
        %swap3A_534 = arith.index_cast %swap3A_533 : i32 to index
        %swap3A_535 = arith.index_cast %mul3A_264 : i32 to index
        %swap3A_536 = tpu.vector_load %arg17[%swap3A_534, %swap3A_535] {strides = array<i32>} : memref<16x768xf32, #tpu.memory_space<vmem>>, vector<16xf32>,
        tpu.vector_store %arg17[%swap3A_534, %swap3A_535], %add3A_532 {strides = array<i32>} : memref<16x768xf32, #tpu.memory_space<vmem>>, vector<16xf32>,
        %slice3A_537 = vector.extract_strided_slice %convert_element_type3A_122 {offsets = [11], sizes = [1], strides = [1]} : vector<16xf32> to vector<1xf32>
        %squeeze3A_538 = vector.extract %slice3A_537[0] : f32 from vector<1xf32>
        %broadcast_in_dim3A_539 = vector.broadcast %squeeze3A_538 : f32 to vector<16xf32>
        %slice3A_540 = vector.extract_strided_slice %convert_element_type3A_127 {offsets = [11], sizes = [1], strides = [1]} : vector<16xf32> to vector<1xf32>
        %squeeze3A_541 = vector.extract %slice3A_540[0] : f32 from vector<1xf32>
        %broadcast_in_dim3A_542 = vector.broadcast %squeeze3A_541 : f32 to vector<16xf32>
        %mul3A_543 = arith.mulf %broadcast_in_dim3A_539, %get3A_272 : vector<16xf32>
        %add3A_544 = arith.addf %get3A_268, %mul3A_543 : vector<16xf32>
        %mul3A_545 = arith.mulf %broadcast_in_dim3A_542, %get3A_276 : vector<16xf32>
        %add3A_546 = arith.addf %add3A_544, %mul3A_545 : vector<16xf32>
        %get3A_547 = arith.constant 11 : i32
        %get3A_548 = arith.index_cast %get3A_547 : i32 to index
        %get3A_549 = arith.index_cast %mul3A_264 : i32 to index
        %get3A_550 = tpu.vector_load %arg11[%get3A_548, %get3A_549] {strides = array<i32>} : memref<16x768xf32, #tpu.memory_space<vmem>>, vector<16xf32>,
        %get3A_551 = arith.constant 11 : i32
        %get3A_552 = arith.index_cast %get3A_551 : i32 to index
        %get3A_553 = arith.index_cast %mul3A_264 : i32 to index
        %get3A_554 = tpu.vector_load %arg14[%get3A_552, %get3A_553] {strides = array<i32>} : memref<16x768xf32, #tpu.memory_space<vmem>>, vector<16xf32>,
        %add3A_555 = arith.addf %get3A_550, %get3A_554 : vector<16xf32>
        %add3A_556 = arith.addf %add3A_555, %add3A_546 : vector<16xf32>
        %swap3A_557 = arith.constant 11 : i32
        %swap3A_558 = arith.index_cast %swap3A_557 : i32 to index
        %swap3A_559 = arith.index_cast %mul3A_264 : i32 to index
        %swap3A_560 = tpu.vector_load %arg17[%swap3A_558, %swap3A_559] {strides = array<i32>} : memref<16x768xf32, #tpu.memory_space<vmem>>, vector<16xf32>,
        tpu.vector_store %arg17[%swap3A_558, %swap3A_559], %add3A_556 {strides = array<i32>} : memref<16x768xf32, #tpu.memory_space<vmem>>, vector<16xf32>,
        %slice3A_561 = vector.extract_strided_slice %convert_element_type3A_122 {offsets = [12], sizes = [1], strides = [1]} : vector<16xf32> to vector<1xf32>
        %squeeze3A_562 = vector.extract %slice3A_561[0] : f32 from vector<1xf32>
        %broadcast_in_dim3A_563 = vector.broadcast %squeeze3A_562 : f32 to vector<16xf32>
        %slice3A_564 = vector.extract_strided_slice %convert_element_type3A_127 {offsets = [12], sizes = [1], strides = [1]} : vector<16xf32> to vector<1xf32>
        %squeeze3A_565 = vector.extract %slice3A_564[0] : f32 from vector<1xf32>
        %broadcast_in_dim3A_566 = vector.broadcast %squeeze3A_565 : f32 to vector<16xf32>
        %mul3A_567 = arith.mulf %broadcast_in_dim3A_563, %get3A_272 : vector<16xf32>
        %add3A_568 = arith.addf %get3A_268, %mul3A_567 : vector<16xf32>
        %mul3A_569 = arith.mulf %broadcast_in_dim3A_566, %get3A_276 : vector<16xf32>
        %add3A_570 = arith.addf %add3A_568, %mul3A_569 : vector<16xf32>
        %get3A_571 = arith.constant 12 : i32
        %get3A_572 = arith.index_cast %get3A_571 : i32 to index
        %get3A_573 = arith.index_cast %mul3A_264 : i32 to index
        %get3A_574 = tpu.vector_load %arg11[%get3A_572, %get3A_573] {strides = array<i32>} : memref<16x768xf32, #tpu.memory_space<vmem>>, vector<16xf32>,
        %get3A_575 = arith.constant 12 : i32
        %get3A_576 = arith.index_cast %get3A_575 : i32 to index
        %get3A_577 = arith.index_cast %mul3A_264 : i32 to index
        %get3A_578 = tpu.vector_load %arg14[%get3A_576, %get3A_577] {strides = array<i32>} : memref<16x768xf32, #tpu.memory_space<vmem>>, vector<16xf32>,
        %add3A_579 = arith.addf %get3A_574, %get3A_578 : vector<16xf32>
        %add3A_580 = arith.addf %add3A_579, %add3A_570 : vector<16xf32>
        %swap3A_581 = arith.constant 12 : i32
        %swap3A_582 = arith.index_cast %swap3A_581 : i32 to index
        %swap3A_583 = arith.index_cast %mul3A_264 : i32 to index
        %swap3A_584 = tpu.vector_load %arg17[%swap3A_582, %swap3A_583] {strides = array<i32>} : memref<16x768xf32, #tpu.memory_space<vmem>>, vector<16xf32>,
        tpu.vector_store %arg17[%swap3A_582, %swap3A_583], %add3A_580 {strides = array<i32>} : memref<16x768xf32, #tpu.memory_space<vmem>>, vector<16xf32>,
        %slice3A_585 = vector.extract_strided_slice %convert_element_type3A_122 {offsets = [13], sizes = [1], strides = [1]} : vector<16xf32> to vector<1xf32>
        %squeeze3A_586 = vector.extract %slice3A_585[0] : f32 from vector<1xf32>
        %broadcast_in_dim3A_587 = vector.broadcast %squeeze3A_586 : f32 to vector<16xf32>
        %slice3A_588 = vector.extract_strided_slice %convert_element_type3A_127 {offsets = [13], sizes = [1], strides = [1]} : vector<16xf32> to vector<1xf32>
        %squeeze3A_589 = vector.extract %slice3A_588[0] : f32 from vector<1xf32>
        %broadcast_in_dim3A_590 = vector.broadcast %squeeze3A_589 : f32 to vector<16xf32>
        %mul3A_591 = arith.mulf %broadcast_in_dim3A_587, %get3A_272 : vector<16xf32>
        %add3A_592 = arith.addf %get3A_268, %mul3A_591 : vector<16xf32>
        %mul3A_593 = arith.mulf %broadcast_in_dim3A_590, %get3A_276 : vector<16xf32>
        %add3A_594 = arith.addf %add3A_592, %mul3A_593 : vector<16xf32>
        %get3A_595 = arith.constant 13 : i32
        %get3A_596 = arith.index_cast %get3A_595 : i32 to index
        %get3A_597 = arith.index_cast %mul3A_264 : i32 to index
        %get3A_598 = tpu.vector_load %arg11[%get3A_596, %get3A_597] {strides = array<i32>} : memref<16x768xf32, #tpu.memory_space<vmem>>, vector<16xf32>,
        %get3A_599 = arith.constant 13 : i32
        %get3A_600 = arith.index_cast %get3A_599 : i32 to index
        %get3A_601 = arith.index_cast %mul3A_264 : i32 to index
        %get3A_602 = tpu.vector_load %arg14[%get3A_600, %get3A_601] {strides = array<i32>} : memref<16x768xf32, #tpu.memory_space<vmem>>, vector<16xf32>,
        %add3A_603 = arith.addf %get3A_598, %get3A_602 : vector<16xf32>
        %add3A_604 = arith.addf %add3A_603, %add3A_594 : vector<16xf32>
        %swap3A_605 = arith.constant 13 : i32
        %swap3A_606 = arith.index_cast %swap3A_605 : i32 to index
        %swap3A_607 = arith.index_cast %mul3A_264 : i32 to index
        %swap3A_608 = tpu.vector_load %arg17[%swap3A_606, %swap3A_607] {strides = array<i32>} : memref<16x768xf32, #tpu.memory_space<vmem>>, vector<16xf32>,
        tpu.vector_store %arg17[%swap3A_606, %swap3A_607], %add3A_604 {strides = array<i32>} : memref<16x768xf32, #tpu.memory_space<vmem>>, vector<16xf32>,
        %slice3A_609 = vector.extract_strided_slice %convert_element_type3A_122 {offsets = [14], sizes = [1], strides = [1]} : vector<16xf32> to vector<1xf32>
        %squeeze3A_610 = vector.extract %slice3A_609[0] : f32 from vector<1xf32>
        %broadcast_in_dim3A_611 = vector.broadcast %squeeze3A_610 : f32 to vector<16xf32>
        %slice3A_612 = vector.extract_strided_slice %convert_element_type3A_127 {offsets = [14], sizes = [1], strides = [1]} : vector<16xf32> to vector<1xf32>
        %squeeze3A_613 = vector.extract %slice3A_612[0] : f32 from vector<1xf32>
        %broadcast_in_dim3A_614 = vector.broadcast %squeeze3A_613 : f32 to vector<16xf32>
        %mul3A_615 = arith.mulf %broadcast_in_dim3A_611, %get3A_272 : vector<16xf32>
        %add3A_616 = arith.addf %get3A_268, %mul3A_615 : vector<16xf32>
        %mul3A_617 = arith.mulf %broadcast_in_dim3A_614, %get3A_276 : vector<16xf32>
        %add3A_618 = arith.addf %add3A_616, %mul3A_617 : vector<16xf32>
        %get3A_619 = arith.constant 14 : i32
        %get3A_620 = arith.index_cast %get3A_619 : i32 to index
        %get3A_621 = arith.index_cast %mul3A_264 : i32 to index
        %get3A_622 = tpu.vector_load %arg11[%get3A_620, %get3A_621] {strides = array<i32>} : memref<16x768xf32, #tpu.memory_space<vmem>>, vector<16xf32>,
        %get3A_623 = arith.constant 14 : i32
        %get3A_624 = arith.index_cast %get3A_623 : i32 to index
        %get3A_625 = arith.index_cast %mul3A_264 : i32 to index
        %get3A_626 = tpu.vector_load %arg14[%get3A_624, %get3A_625] {strides = array<i32>} : memref<16x768xf32, #tpu.memory_space<vmem>>, vector<16xf32>,
        %add3A_627 = arith.addf %get3A_622, %get3A_626 : vector<16xf32>
        %add3A_628 = arith.addf %add3A_627, %add3A_618 : vector<16xf32>
        %swap3A_629 = arith.constant 14 : i32
        %swap3A_630 = arith.index_cast %swap3A_629 : i32 to index
        %swap3A_631 = arith.index_cast %mul3A_264 : i32 to index
        %swap3A_632 = tpu.vector_load %arg17[%swap3A_630, %swap3A_631] {strides = array<i32>} : memref<16x768xf32, #tpu.memory_space<vmem>>, vector<16xf32>,
        tpu.vector_store %arg17[%swap3A_630, %swap3A_631], %add3A_628 {strides = array<i32>} : memref<16x768xf32, #tpu.memory_space<vmem>>, vector<16xf32>,
        %slice3A_633 = vector.extract_strided_slice %convert_element_type3A_122 {offsets = [15], sizes = [1], strides = [1]} : vector<16xf32> to vector<1xf32>
        %squeeze3A_634 = vector.extract %slice3A_633[0] : f32 from vector<1xf32>
        %broadcast_in_dim3A_635 = vector.broadcast %squeeze3A_634 : f32 to vector<16xf32>
        %slice3A_636 = vector.extract_strided_slice %convert_element_type3A_127 {offsets = [15], sizes = [1], strides = [1]} : vector<16xf32> to vector<1xf32>
        %squeeze3A_637 = vector.extract %slice3A_636[0] : f32 from vector<1xf32>
        %broadcast_in_dim3A_638 = vector.broadcast %squeeze3A_637 : f32 to vector<16xf32>
        %mul3A_639 = arith.mulf %broadcast_in_dim3A_635, %get3A_272 : vector<16xf32>
        %add3A_640 = arith.addf %get3A_268, %mul3A_639 : vector<16xf32>
        %mul3A_641 = arith.mulf %broadcast_in_dim3A_638, %get3A_276 : vector<16xf32>
        %add3A_642 = arith.addf %add3A_640, %mul3A_641 : vector<16xf32>
        %get3A_643 = arith.constant 15 : i32
        %get3A_644 = arith.index_cast %get3A_643 : i32 to index
        %get3A_645 = arith.index_cast %mul3A_264 : i32 to index
        %get3A_646 = tpu.vector_load %arg11[%get3A_644, %get3A_645] {strides = array<i32>} : memref<16x768xf32, #tpu.memory_space<vmem>>, vector<16xf32>,
        %get3A_647 = arith.constant 15 : i32
        %get3A_648 = arith.index_cast %get3A_647 : i32 to index
        %get3A_649 = arith.index_cast %mul3A_264 : i32 to index
        %get3A_650 = tpu.vector_load %arg14[%get3A_648, %get3A_649] {strides = array<i32>} : memref<16x768xf32, #tpu.memory_space<vmem>>, vector<16xf32>,
        %add3A_651 = arith.addf %get3A_646, %get3A_650 : vector<16xf32>
        %add3A_652 = arith.addf %add3A_651, %add3A_642 : vector<16xf32>
        %swap3A_653 = arith.constant 15 : i32
        %swap3A_654 = arith.index_cast %swap3A_653 : i32 to index
        %swap3A_655 = arith.index_cast %mul3A_264 : i32 to index
        %swap3A_656 = tpu.vector_load %arg17[%swap3A_654, %swap3A_655] {strides = array<i32>} : memref<16x768xf32, #tpu.memory_space<vmem>>, vector<16xf32>,
        tpu.vector_store %arg17[%swap3A_654, %swap3A_655], %add3A_652 {strides = array<i32>} : memref<16x768xf32, #tpu.memory_space<vmem>>, vector<16xf32>,
        %scan3A_657 = arith.constant 0 : i32
        scf.yield %scan3A_657 : i32
      }
      %scan3A_134 = arith.constant 48 : i32
      %add3A_135 = arith.constant 3 : i32
      %add3A_136 = arith.addi %mul3A_97, %add3A_135 : i32
      %lt3A = arith.constant 400 : i32
      %lt3A_137 = arith.cmpi slt, %add3A_136, %lt3A : i32
      %convert_element_type3A_138 = arith.extui %lt3A_137 : i1 to i32
      %cond3A_139 = arith.constant 0 : i32
      %cond3A_140 = arith.cmpi ne, %convert_element_type3A_138, %cond3A_139 : i32
      scf.if %cond3A_140 {
        %add3A_261 = arith.constant 3 : i32
        %add3A_262 = arith.addi %mul3A_97, %add3A_261 : i32
        %mul3A_263 = arith.constant 16 : i32
        %mul3A_264 = arith.muli %add3A_262, %mul3A_263 : i32
        %dma_start3A_265 = tpu.memref_slice %arg8[%mul3A_264] : memref<6400xi32, #tpu.memory_space<vmem>> -> memref<16xi32, #tpu.memory_space<vmem>>
        %dma_start3A_266 = arith.constant 0 : i32
        %dma_start3A_267 = arith.constant 0 : i32
        %dma_start3A_268 = tpu.memref_slice %arg4[%dma_start3A_266, %dma_start3A_267] : memref<100000x768xf32, #tpu.memory_space<hbm>> -> memref<100000x768xf32, #tpu.memory_space<hbm>>
        tpu.enqueue_indirect_dma source(%dma_start3A_268 : memref<100000x768xf32, #tpu.memory_space<hbm>>) target(%arg11 : memref<16x768xf32, #tpu.memory_space<vmem>>) offsets(%dma_start3A_265 : memref<16xi32, #tpu.memory_space<vmem>>) semaphore(%arg20 : memref<!tpu.dma_semaphore, #tpu.memory_space<semaphore_mem>>)
        %dma_start3A_269 = tpu.memref_slice %arg8[%mul3A_264] : memref<6400xi32, #tpu.memory_space<vmem>> -> memref<16xi32, #tpu.memory_space<vmem>>
        %dma_start3A_270 = arith.constant 0 : i32
        %dma_start3A_271 = arith.constant 0 : i32
        %dma_start3A_272 = tpu.memref_slice %arg5[%dma_start3A_270, %dma_start3A_271] : memref<100000x768xf32, #tpu.memory_space<hbm>> -> memref<100000x768xf32, #tpu.memory_space<hbm>>
        tpu.enqueue_indirect_dma source(%dma_start3A_272 : memref<100000x768xf32, #tpu.memory_space<hbm>>) target(%arg14 : memref<16x768xf32, #tpu.memory_space<vmem>>) offsets(%dma_start3A_269 : memref<16xi32, #tpu.memory_space<vmem>>) semaphore(%arg20 : memref<!tpu.dma_semaphore, #tpu.memory_space<semaphore_mem>>)
      } else {
      }
      %mul3A_141 = arith.constant 16 : i32
      %mul3A_142 = arith.muli %mul3A_97, %mul3A_141 : i32
      %add3A_143 = arith.addi %mul3A_2, %mul3A_142 : i32
      %dma_start3A_144 = arith.constant 0 : i32
      %dma_start3A_145 = tpu.memref_slice %arg7[%add3A_143, %dma_start3A_144] : memref<204800x768xf32, #tpu.memory_space<hbm>> -> memref<16x768xf32, #tpu.memory_space<hbm>>
      %dma_start3A_146 = arith.constant 0 : i32
      %dma_start3A_147 = tpu.memref_slice %arg7[%add3A_143, %dma_start3A_146] : memref<204800x768xf32, #tpu.memory_space<hbm>> -> memref<16x768xf32, #tpu.memory_space<hbm>>
      tpu.enqueue_dma source(%arg17 : memref<16x768xf32, #tpu.memory_space<vmem>>) target(%dma_start3A_147 : memref<16x768xf32, #tpu.memory_space<hbm>>) target_semaphore(%arg23 : memref<!tpu.dma_semaphore, #tpu.memory_space<semaphore_mem>>)
      %mul3A_148 = arith.constant 3 : i32
      %mul3A_149 = arith.muli %mul3A_148, %scan3A_94 : i32
      %add3A_150 = arith.constant 1 : i32
      %add3A_151 = arith.addi %mul3A_149, %add3A_150 : i32
      %dma_wait3A_152 = arith.constant 0 : i32
      %dma_wait3A_153 = arith.constant 0 : i32
      %dma_wait3A_154 = tpu.memref_slice %arg4[%dma_wait3A_152, %dma_wait3A_153] : memref<100000x768xf32, #tpu.memory_space<hbm>> -> memref<16x768xf32, #tpu.memory_space<hbm>>
      %dma_wait3A_155 = arith.constant 0 : i32
      %dma_wait3A_156 = arith.constant 0 : i32
      %dma_wait3A_157 = tpu.memref_slice %arg4[%dma_wait3A_155, %dma_wait3A_156] : memref<100000x768xf32, #tpu.memory_space<hbm>> -> memref<16x768xf32, #tpu.memory_space<hbm>>
      tpu.wait_dma2 semaphore(%arg21 : memref<!tpu.dma_semaphore, #tpu.memory_space<semaphore_mem>>) src(%dma_wait3A_157 : memref<16x768xf32, #tpu.memory_space<hbm>>) dst(%arg12 : memref<16x768xf32, #tpu.memory_space<vmem>>)
      %dma_wait3A_158 = arith.constant 0 : i32
      %dma_wait3A_159 = arith.constant 0 : i32
      %dma_wait3A_160 = tpu.memref_slice %arg4[%dma_wait3A_158, %dma_wait3A_159] : memref<100000x768xf32, #tpu.memory_space<hbm>> -> memref<16x768xf32, #tpu.memory_space<hbm>>
      %dma_wait3A_161 = arith.constant 0 : i32
      %dma_wait3A_162 = arith.constant 0 : i32
      %dma_wait3A_163 = tpu.memref_slice %arg4[%dma_wait3A_161, %dma_wait3A_162] : memref<100000x768xf32, #tpu.memory_space<hbm>> -> memref<16x768xf32, #tpu.memory_space<hbm>>
      tpu.wait_dma2 semaphore(%arg21 : memref<!tpu.dma_semaphore, #tpu.memory_space<semaphore_mem>>) src(%dma_wait3A_163 : memref<16x768xf32, #tpu.memory_space<hbm>>) dst(%arg15 : memref<16x768xf32, #tpu.memory_space<vmem>>)
      %ge3A_164 = arith.constant 3 : i32
      %ge3A_165 = arith.cmpi sge, %add3A_151, %ge3A_164 : i32
      %convert_element_type3A_166 = arith.extui %ge3A_165 : i1 to i32
      %cond3A_167 = arith.constant 0 : i32
      %cond3A_168 = arith.cmpi ne, %convert_element_type3A_166, %cond3A_167 : i32
      scf.if %cond3A_168 {
        %dma_wait3A_261 = arith.constant 0 : i32
        %dma_wait3A_262 = tpu.memref_slice %arg7[%mul3A_2, %dma_wait3A_261] : memref<204800x768xf32, #tpu.memory_space<hbm>> -> memref<16x768xf32, #tpu.memory_space<hbm>>
        %dma_wait3A_263 = arith.constant 0 : i32
        %dma_wait3A_264 = tpu.memref_slice %arg7[%mul3A_2, %dma_wait3A_263] : memref<204800x768xf32, #tpu.memory_space<hbm>> -> memref<16x768xf32, #tpu.memory_space<hbm>>
        tpu.wait_dma2 semaphore(%arg24 : memref<!tpu.dma_semaphore, #tpu.memory_space<semaphore_mem>>) src(%dma_wait3A_264 : memref<16x768xf32, #tpu.memory_space<hbm>>) dst(%arg18 : memref<16x768xf32, #tpu.memory_space<vmem>>)
      } else {
      }
      %mul3A_169 = arith.constant 16 : i32
      %mul3A_170 = arith.muli %add3A_151, %mul3A_169 : i32
      %get3A_171 = arith.index_cast %mul3A_170 : i32 to index
      %get3A_172 = tpu.vector_load %arg9[%get3A_171] {strides = array<i32>} : memref<6400xi32, #tpu.memory_space<vmem>>, vector<16xi32>,
      %ge3A_173 = arith.constant 1 : i32
      %ge3A_174 = vector.broadcast %ge3A_173 : i32 to vector<16xi32>
      %ge3A_175 = arith.cmpi sge, %get3A_172, %ge3A_174 : vector<16xi32>
      %convert_element_type3A_176 = arith.extui %ge3A_175 : vector<16xi1> to vector<16xi32>
      %convert_element_type3A_177 = arith.sitofp %convert_element_type3A_176 : vector<16xi32> to vector<16xf32>
      %ge3A_178 = arith.constant 2 : i32
      %ge3A_179 = vector.broadcast %ge3A_178 : i32 to vector<16xi32>
      %ge3A_180 = arith.cmpi sge, %get3A_172, %ge3A_179 : vector<16xi32>
      %convert_element_type3A_181 = arith.extui %ge3A_180 : vector<16xi1> to vector<16xi32>
      %convert_element_type3A_182 = arith.sitofp %convert_element_type3A_181 : vector<16xi32> to vector<16xf32>
      %scan3A_183 = arith.constant 0 : i32
      %scan3A_184 = arith.constant 0 : i32
      %scan3A_185 = arith.constant 48 : i32
      %scan3A_186 = arith.addi %scan3A_184, %scan3A_185 : i32
      %scan3A_187 = arith.constant 1 : i32
      %scan3A_188 = scf.for %scan3A_261 = %scan3A_184 to %scan3A_186 step %scan3A_187 iter_args(%scan3A_262 = %scan3A_183) -> (i32)  : i32 {
        %mul3A_263 = arith.constant 16 : i32
        %mul3A_264 = arith.muli %scan3A_261, %mul3A_263 : i32
        %get3A_265 = arith.constant 0 : i32
        %get3A_266 = arith.index_cast %get3A_265 : i32 to index
        %get3A_267 = arith.index_cast %mul3A_264 : i32 to index
        %get3A_268 = tpu.vector_load %arg10[%get3A_266, %get3A_267] {strides = array<i32>} : memref<8x768xf32, #tpu.memory_space<vmem>>, vector<16xf32>,
        %get3A_269 = arith.constant 1 : i32
        %get3A_270 = arith.index_cast %get3A_269 : i32 to index
        %get3A_271 = arith.index_cast %mul3A_264 : i32 to index
        %get3A_272 = tpu.vector_load %arg10[%get3A_270, %get3A_271] {strides = array<i32>} : memref<8x768xf32, #tpu.memory_space<vmem>>, vector<16xf32>,
        %get3A_273 = arith.constant 2 : i32
        %get3A_274 = arith.index_cast %get3A_273 : i32 to index
        %get3A_275 = arith.index_cast %mul3A_264 : i32 to index
        %get3A_276 = tpu.vector_load %arg10[%get3A_274, %get3A_275] {strides = array<i32>} : memref<8x768xf32, #tpu.memory_space<vmem>>, vector<16xf32>,
        %slice3A = vector.extract_strided_slice %convert_element_type3A_177 {offsets = [0], sizes = [1], strides = [1]} : vector<16xf32> to vector<1xf32>
        %squeeze3A = vector.extract %slice3A[0] : f32 from vector<1xf32>
        %broadcast_in_dim3A = vector.broadcast %squeeze3A : f32 to vector<16xf32>
        %slice3A_277 = vector.extract_strided_slice %convert_element_type3A_182 {offsets = [0], sizes = [1], strides = [1]} : vector<16xf32> to vector<1xf32>
        %squeeze3A_278 = vector.extract %slice3A_277[0] : f32 from vector<1xf32>
        %broadcast_in_dim3A_279 = vector.broadcast %squeeze3A_278 : f32 to vector<16xf32>
        %mul3A_280 = arith.mulf %broadcast_in_dim3A, %get3A_272 : vector<16xf32>
        %add3A_281 = arith.addf %get3A_268, %mul3A_280 : vector<16xf32>
        %mul3A_282 = arith.mulf %broadcast_in_dim3A_279, %get3A_276 : vector<16xf32>
        %add3A_283 = arith.addf %add3A_281, %mul3A_282 : vector<16xf32>
        %get3A_284 = arith.constant 0 : i32
        %get3A_285 = arith.index_cast %get3A_284 : i32 to index
        %get3A_286 = arith.index_cast %mul3A_264 : i32 to index
        %get3A_287 = tpu.vector_load %arg12[%get3A_285, %get3A_286] {strides = array<i32>} : memref<16x768xf32, #tpu.memory_space<vmem>>, vector<16xf32>,
        %get3A_288 = arith.constant 0 : i32
        %get3A_289 = arith.index_cast %get3A_288 : i32 to index
        %get3A_290 = arith.index_cast %mul3A_264 : i32 to index
        %get3A_291 = tpu.vector_load %arg15[%get3A_289, %get3A_290] {strides = array<i32>} : memref<16x768xf32, #tpu.memory_space<vmem>>, vector<16xf32>,
        %add3A_292 = arith.addf %get3A_287, %get3A_291 : vector<16xf32>
        %add3A_293 = arith.addf %add3A_292, %add3A_283 : vector<16xf32>
        %swap3A = arith.constant 0 : i32
        %swap3A_294 = arith.index_cast %swap3A : i32 to index
        %swap3A_295 = arith.index_cast %mul3A_264 : i32 to index
        %swap3A_296 = tpu.vector_load %arg18[%swap3A_294, %swap3A_295] {strides = array<i32>} : memref<16x768xf32, #tpu.memory_space<vmem>>, vector<16xf32>,
        tpu.vector_store %arg18[%swap3A_294, %swap3A_295], %add3A_293 {strides = array<i32>} : memref<16x768xf32, #tpu.memory_space<vmem>>, vector<16xf32>,
        %slice3A_297 = vector.extract_strided_slice %convert_element_type3A_177 {offsets = [1], sizes = [1], strides = [1]} : vector<16xf32> to vector<1xf32>
        %squeeze3A_298 = vector.extract %slice3A_297[0] : f32 from vector<1xf32>
        %broadcast_in_dim3A_299 = vector.broadcast %squeeze3A_298 : f32 to vector<16xf32>
        %slice3A_300 = vector.extract_strided_slice %convert_element_type3A_182 {offsets = [1], sizes = [1], strides = [1]} : vector<16xf32> to vector<1xf32>
        %squeeze3A_301 = vector.extract %slice3A_300[0] : f32 from vector<1xf32>
        %broadcast_in_dim3A_302 = vector.broadcast %squeeze3A_301 : f32 to vector<16xf32>
        %mul3A_303 = arith.mulf %broadcast_in_dim3A_299, %get3A_272 : vector<16xf32>
        %add3A_304 = arith.addf %get3A_268, %mul3A_303 : vector<16xf32>
        %mul3A_305 = arith.mulf %broadcast_in_dim3A_302, %get3A_276 : vector<16xf32>
        %add3A_306 = arith.addf %add3A_304, %mul3A_305 : vector<16xf32>
        %get3A_307 = arith.constant 1 : i32
        %get3A_308 = arith.index_cast %get3A_307 : i32 to index
        %get3A_309 = arith.index_cast %mul3A_264 : i32 to index
        %get3A_310 = tpu.vector_load %arg12[%get3A_308, %get3A_309] {strides = array<i32>} : memref<16x768xf32, #tpu.memory_space<vmem>>, vector<16xf32>,
        %get3A_311 = arith.constant 1 : i32
        %get3A_312 = arith.index_cast %get3A_311 : i32 to index
        %get3A_313 = arith.index_cast %mul3A_264 : i32 to index
        %get3A_314 = tpu.vector_load %arg15[%get3A_312, %get3A_313] {strides = array<i32>} : memref<16x768xf32, #tpu.memory_space<vmem>>, vector<16xf32>,
        %add3A_315 = arith.addf %get3A_310, %get3A_314 : vector<16xf32>
        %add3A_316 = arith.addf %add3A_315, %add3A_306 : vector<16xf32>
        %swap3A_317 = arith.constant 1 : i32
        %swap3A_318 = arith.index_cast %swap3A_317 : i32 to index
        %swap3A_319 = arith.index_cast %mul3A_264 : i32 to index
        %swap3A_320 = tpu.vector_load %arg18[%swap3A_318, %swap3A_319] {strides = array<i32>} : memref<16x768xf32, #tpu.memory_space<vmem>>, vector<16xf32>,
        tpu.vector_store %arg18[%swap3A_318, %swap3A_319], %add3A_316 {strides = array<i32>} : memref<16x768xf32, #tpu.memory_space<vmem>>, vector<16xf32>,
        %slice3A_321 = vector.extract_strided_slice %convert_element_type3A_177 {offsets = [2], sizes = [1], strides = [1]} : vector<16xf32> to vector<1xf32>
        %squeeze3A_322 = vector.extract %slice3A_321[0] : f32 from vector<1xf32>
        %broadcast_in_dim3A_323 = vector.broadcast %squeeze3A_322 : f32 to vector<16xf32>
        %slice3A_324 = vector.extract_strided_slice %convert_element_type3A_182 {offsets = [2], sizes = [1], strides = [1]} : vector<16xf32> to vector<1xf32>
        %squeeze3A_325 = vector.extract %slice3A_324[0] : f32 from vector<1xf32>
        %broadcast_in_dim3A_326 = vector.broadcast %squeeze3A_325 : f32 to vector<16xf32>
        %mul3A_327 = arith.mulf %broadcast_in_dim3A_323, %get3A_272 : vector<16xf32>
        %add3A_328 = arith.addf %get3A_268, %mul3A_327 : vector<16xf32>
        %mul3A_329 = arith.mulf %broadcast_in_dim3A_326, %get3A_276 : vector<16xf32>
        %add3A_330 = arith.addf %add3A_328, %mul3A_329 : vector<16xf32>
        %get3A_331 = arith.constant 2 : i32
        %get3A_332 = arith.index_cast %get3A_331 : i32 to index
        %get3A_333 = arith.index_cast %mul3A_264 : i32 to index
        %get3A_334 = tpu.vector_load %arg12[%get3A_332, %get3A_333] {strides = array<i32>} : memref<16x768xf32, #tpu.memory_space<vmem>>, vector<16xf32>,
        %get3A_335 = arith.constant 2 : i32
        %get3A_336 = arith.index_cast %get3A_335 : i32 to index
        %get3A_337 = arith.index_cast %mul3A_264 : i32 to index
        %get3A_338 = tpu.vector_load %arg15[%get3A_336, %get3A_337] {strides = array<i32>} : memref<16x768xf32, #tpu.memory_space<vmem>>, vector<16xf32>,
        %add3A_339 = arith.addf %get3A_334, %get3A_338 : vector<16xf32>
        %add3A_340 = arith.addf %add3A_339, %add3A_330 : vector<16xf32>
        %swap3A_341 = arith.constant 2 : i32
        %swap3A_342 = arith.index_cast %swap3A_341 : i32 to index
        %swap3A_343 = arith.index_cast %mul3A_264 : i32 to index
        %swap3A_344 = tpu.vector_load %arg18[%swap3A_342, %swap3A_343] {strides = array<i32>} : memref<16x768xf32, #tpu.memory_space<vmem>>, vector<16xf32>,
        tpu.vector_store %arg18[%swap3A_342, %swap3A_343], %add3A_340 {strides = array<i32>} : memref<16x768xf32, #tpu.memory_space<vmem>>, vector<16xf32>,
        %slice3A_345 = vector.extract_strided_slice %convert_element_type3A_177 {offsets = [3], sizes = [1], strides = [1]} : vector<16xf32> to vector<1xf32>
        %squeeze3A_346 = vector.extract %slice3A_345[0] : f32 from vector<1xf32>
        %broadcast_in_dim3A_347 = vector.broadcast %squeeze3A_346 : f32 to vector<16xf32>
        %slice3A_348 = vector.extract_strided_slice %convert_element_type3A_182 {offsets = [3], sizes = [1], strides = [1]} : vector<16xf32> to vector<1xf32>
        %squeeze3A_349 = vector.extract %slice3A_348[0] : f32 from vector<1xf32>
        %broadcast_in_dim3A_350 = vector.broadcast %squeeze3A_349 : f32 to vector<16xf32>
        %mul3A_351 = arith.mulf %broadcast_in_dim3A_347, %get3A_272 : vector<16xf32>
        %add3A_352 = arith.addf %get3A_268, %mul3A_351 : vector<16xf32>
        %mul3A_353 = arith.mulf %broadcast_in_dim3A_350, %get3A_276 : vector<16xf32>
        %add3A_354 = arith.addf %add3A_352, %mul3A_353 : vector<16xf32>
        %get3A_355 = arith.constant 3 : i32
        %get3A_356 = arith.index_cast %get3A_355 : i32 to index
        %get3A_357 = arith.index_cast %mul3A_264 : i32 to index
        %get3A_358 = tpu.vector_load %arg12[%get3A_356, %get3A_357] {strides = array<i32>} : memref<16x768xf32, #tpu.memory_space<vmem>>, vector<16xf32>,
        %get3A_359 = arith.constant 3 : i32
        %get3A_360 = arith.index_cast %get3A_359 : i32 to index
        %get3A_361 = arith.index_cast %mul3A_264 : i32 to index
        %get3A_362 = tpu.vector_load %arg15[%get3A_360, %get3A_361] {strides = array<i32>} : memref<16x768xf32, #tpu.memory_space<vmem>>, vector<16xf32>,
        %add3A_363 = arith.addf %get3A_358, %get3A_362 : vector<16xf32>
        %add3A_364 = arith.addf %add3A_363, %add3A_354 : vector<16xf32>
        %swap3A_365 = arith.constant 3 : i32
        %swap3A_366 = arith.index_cast %swap3A_365 : i32 to index
        %swap3A_367 = arith.index_cast %mul3A_264 : i32 to index
        %swap3A_368 = tpu.vector_load %arg18[%swap3A_366, %swap3A_367] {strides = array<i32>} : memref<16x768xf32, #tpu.memory_space<vmem>>, vector<16xf32>,
        tpu.vector_store %arg18[%swap3A_366, %swap3A_367], %add3A_364 {strides = array<i32>} : memref<16x768xf32, #tpu.memory_space<vmem>>, vector<16xf32>,
        %slice3A_369 = vector.extract_strided_slice %convert_element_type3A_177 {offsets = [4], sizes = [1], strides = [1]} : vector<16xf32> to vector<1xf32>
        %squeeze3A_370 = vector.extract %slice3A_369[0] : f32 from vector<1xf32>
        %broadcast_in_dim3A_371 = vector.broadcast %squeeze3A_370 : f32 to vector<16xf32>
        %slice3A_372 = vector.extract_strided_slice %convert_element_type3A_182 {offsets = [4], sizes = [1], strides = [1]} : vector<16xf32> to vector<1xf32>
        %squeeze3A_373 = vector.extract %slice3A_372[0] : f32 from vector<1xf32>
        %broadcast_in_dim3A_374 = vector.broadcast %squeeze3A_373 : f32 to vector<16xf32>
        %mul3A_375 = arith.mulf %broadcast_in_dim3A_371, %get3A_272 : vector<16xf32>
        %add3A_376 = arith.addf %get3A_268, %mul3A_375 : vector<16xf32>
        %mul3A_377 = arith.mulf %broadcast_in_dim3A_374, %get3A_276 : vector<16xf32>
        %add3A_378 = arith.addf %add3A_376, %mul3A_377 : vector<16xf32>
        %get3A_379 = arith.constant 4 : i32
        %get3A_380 = arith.index_cast %get3A_379 : i32 to index
        %get3A_381 = arith.index_cast %mul3A_264 : i32 to index
        %get3A_382 = tpu.vector_load %arg12[%get3A_380, %get3A_381] {strides = array<i32>} : memref<16x768xf32, #tpu.memory_space<vmem>>, vector<16xf32>,
        %get3A_383 = arith.constant 4 : i32
        %get3A_384 = arith.index_cast %get3A_383 : i32 to index
        %get3A_385 = arith.index_cast %mul3A_264 : i32 to index
        %get3A_386 = tpu.vector_load %arg15[%get3A_384, %get3A_385] {strides = array<i32>} : memref<16x768xf32, #tpu.memory_space<vmem>>, vector<16xf32>,
        %add3A_387 = arith.addf %get3A_382, %get3A_386 : vector<16xf32>
        %add3A_388 = arith.addf %add3A_387, %add3A_378 : vector<16xf32>
        %swap3A_389 = arith.constant 4 : i32
        %swap3A_390 = arith.index_cast %swap3A_389 : i32 to index
        %swap3A_391 = arith.index_cast %mul3A_264 : i32 to index
        %swap3A_392 = tpu.vector_load %arg18[%swap3A_390, %swap3A_391] {strides = array<i32>} : memref<16x768xf32, #tpu.memory_space<vmem>>, vector<16xf32>,
        tpu.vector_store %arg18[%swap3A_390, %swap3A_391], %add3A_388 {strides = array<i32>} : memref<16x768xf32, #tpu.memory_space<vmem>>, vector<16xf32>,
        %slice3A_393 = vector.extract_strided_slice %convert_element_type3A_177 {offsets = [5], sizes = [1], strides = [1]} : vector<16xf32> to vector<1xf32>
        %squeeze3A_394 = vector.extract %slice3A_393[0] : f32 from vector<1xf32>
        %broadcast_in_dim3A_395 = vector.broadcast %squeeze3A_394 : f32 to vector<16xf32>
        %slice3A_396 = vector.extract_strided_slice %convert_element_type3A_182 {offsets = [5], sizes = [1], strides = [1]} : vector<16xf32> to vector<1xf32>
        %squeeze3A_397 = vector.extract %slice3A_396[0] : f32 from vector<1xf32>
        %broadcast_in_dim3A_398 = vector.broadcast %squeeze3A_397 : f32 to vector<16xf32>
        %mul3A_399 = arith.mulf %broadcast_in_dim3A_395, %get3A_272 : vector<16xf32>
        %add3A_400 = arith.addf %get3A_268, %mul3A_399 : vector<16xf32>
        %mul3A_401 = arith.mulf %broadcast_in_dim3A_398, %get3A_276 : vector<16xf32>
        %add3A_402 = arith.addf %add3A_400, %mul3A_401 : vector<16xf32>
        %get3A_403 = arith.constant 5 : i32
        %get3A_404 = arith.index_cast %get3A_403 : i32 to index
        %get3A_405 = arith.index_cast %mul3A_264 : i32 to index
        %get3A_406 = tpu.vector_load %arg12[%get3A_404, %get3A_405] {strides = array<i32>} : memref<16x768xf32, #tpu.memory_space<vmem>>, vector<16xf32>,
        %get3A_407 = arith.constant 5 : i32
        %get3A_408 = arith.index_cast %get3A_407 : i32 to index
        %get3A_409 = arith.index_cast %mul3A_264 : i32 to index
        %get3A_410 = tpu.vector_load %arg15[%get3A_408, %get3A_409] {strides = array<i32>} : memref<16x768xf32, #tpu.memory_space<vmem>>, vector<16xf32>,
        %add3A_411 = arith.addf %get3A_406, %get3A_410 : vector<16xf32>
        %add3A_412 = arith.addf %add3A_411, %add3A_402 : vector<16xf32>
        %swap3A_413 = arith.constant 5 : i32
        %swap3A_414 = arith.index_cast %swap3A_413 : i32 to index
        %swap3A_415 = arith.index_cast %mul3A_264 : i32 to index
        %swap3A_416 = tpu.vector_load %arg18[%swap3A_414, %swap3A_415] {strides = array<i32>} : memref<16x768xf32, #tpu.memory_space<vmem>>, vector<16xf32>,
        tpu.vector_store %arg18[%swap3A_414, %swap3A_415], %add3A_412 {strides = array<i32>} : memref<16x768xf32, #tpu.memory_space<vmem>>, vector<16xf32>,
        %slice3A_417 = vector.extract_strided_slice %convert_element_type3A_177 {offsets = [6], sizes = [1], strides = [1]} : vector<16xf32> to vector<1xf32>
        %squeeze3A_418 = vector.extract %slice3A_417[0] : f32 from vector<1xf32>
        %broadcast_in_dim3A_419 = vector.broadcast %squeeze3A_418 : f32 to vector<16xf32>
        %slice3A_420 = vector.extract_strided_slice %convert_element_type3A_182 {offsets = [6], sizes = [1], strides = [1]} : vector<16xf32> to vector<1xf32>
        %squeeze3A_421 = vector.extract %slice3A_420[0] : f32 from vector<1xf32>
        %broadcast_in_dim3A_422 = vector.broadcast %squeeze3A_421 : f32 to vector<16xf32>
        %mul3A_423 = arith.mulf %broadcast_in_dim3A_419, %get3A_272 : vector<16xf32>
        %add3A_424 = arith.addf %get3A_268, %mul3A_423 : vector<16xf32>
        %mul3A_425 = arith.mulf %broadcast_in_dim3A_422, %get3A_276 : vector<16xf32>
        %add3A_426 = arith.addf %add3A_424, %mul3A_425 : vector<16xf32>
        %get3A_427 = arith.constant 6 : i32
        %get3A_428 = arith.index_cast %get3A_427 : i32 to index
        %get3A_429 = arith.index_cast %mul3A_264 : i32 to index
        %get3A_430 = tpu.vector_load %arg12[%get3A_428, %get3A_429] {strides = array<i32>} : memref<16x768xf32, #tpu.memory_space<vmem>>, vector<16xf32>,
        %get3A_431 = arith.constant 6 : i32
        %get3A_432 = arith.index_cast %get3A_431 : i32 to index
        %get3A_433 = arith.index_cast %mul3A_264 : i32 to index
        %get3A_434 = tpu.vector_load %arg15[%get3A_432, %get3A_433] {strides = array<i32>} : memref<16x768xf32, #tpu.memory_space<vmem>>, vector<16xf32>,
        %add3A_435 = arith.addf %get3A_430, %get3A_434 : vector<16xf32>
        %add3A_436 = arith.addf %add3A_435, %add3A_426 : vector<16xf32>
        %swap3A_437 = arith.constant 6 : i32
        %swap3A_438 = arith.index_cast %swap3A_437 : i32 to index
        %swap3A_439 = arith.index_cast %mul3A_264 : i32 to index
        %swap3A_440 = tpu.vector_load %arg18[%swap3A_438, %swap3A_439] {strides = array<i32>} : memref<16x768xf32, #tpu.memory_space<vmem>>, vector<16xf32>,
        tpu.vector_store %arg18[%swap3A_438, %swap3A_439], %add3A_436 {strides = array<i32>} : memref<16x768xf32, #tpu.memory_space<vmem>>, vector<16xf32>,
        %slice3A_441 = vector.extract_strided_slice %convert_element_type3A_177 {offsets = [7], sizes = [1], strides = [1]} : vector<16xf32> to vector<1xf32>
        %squeeze3A_442 = vector.extract %slice3A_441[0] : f32 from vector<1xf32>
        %broadcast_in_dim3A_443 = vector.broadcast %squeeze3A_442 : f32 to vector<16xf32>
        %slice3A_444 = vector.extract_strided_slice %convert_element_type3A_182 {offsets = [7], sizes = [1], strides = [1]} : vector<16xf32> to vector<1xf32>
        %squeeze3A_445 = vector.extract %slice3A_444[0] : f32 from vector<1xf32>
        %broadcast_in_dim3A_446 = vector.broadcast %squeeze3A_445 : f32 to vector<16xf32>
        %mul3A_447 = arith.mulf %broadcast_in_dim3A_443, %get3A_272 : vector<16xf32>
        %add3A_448 = arith.addf %get3A_268, %mul3A_447 : vector<16xf32>
        %mul3A_449 = arith.mulf %broadcast_in_dim3A_446, %get3A_276 : vector<16xf32>
        %add3A_450 = arith.addf %add3A_448, %mul3A_449 : vector<16xf32>
        %get3A_451 = arith.constant 7 : i32
        %get3A_452 = arith.index_cast %get3A_451 : i32 to index
        %get3A_453 = arith.index_cast %mul3A_264 : i32 to index
        %get3A_454 = tpu.vector_load %arg12[%get3A_452, %get3A_453] {strides = array<i32>} : memref<16x768xf32, #tpu.memory_space<vmem>>, vector<16xf32>,
        %get3A_455 = arith.constant 7 : i32
        %get3A_456 = arith.index_cast %get3A_455 : i32 to index
        %get3A_457 = arith.index_cast %mul3A_264 : i32 to index
        %get3A_458 = tpu.vector_load %arg15[%get3A_456, %get3A_457] {strides = array<i32>} : memref<16x768xf32, #tpu.memory_space<vmem>>, vector<16xf32>,
        %add3A_459 = arith.addf %get3A_454, %get3A_458 : vector<16xf32>
        %add3A_460 = arith.addf %add3A_459, %add3A_450 : vector<16xf32>
        %swap3A_461 = arith.constant 7 : i32
        %swap3A_462 = arith.index_cast %swap3A_461 : i32 to index
        %swap3A_463 = arith.index_cast %mul3A_264 : i32 to index
        %swap3A_464 = tpu.vector_load %arg18[%swap3A_462, %swap3A_463] {strides = array<i32>} : memref<16x768xf32, #tpu.memory_space<vmem>>, vector<16xf32>,
        tpu.vector_store %arg18[%swap3A_462, %swap3A_463], %add3A_460 {strides = array<i32>} : memref<16x768xf32, #tpu.memory_space<vmem>>, vector<16xf32>,
        %slice3A_465 = vector.extract_strided_slice %convert_element_type3A_177 {offsets = [8], sizes = [1], strides = [1]} : vector<16xf32> to vector<1xf32>
        %squeeze3A_466 = vector.extract %slice3A_465[0] : f32 from vector<1xf32>
        %broadcast_in_dim3A_467 = vector.broadcast %squeeze3A_466 : f32 to vector<16xf32>
        %slice3A_468 = vector.extract_strided_slice %convert_element_type3A_182 {offsets = [8], sizes = [1], strides = [1]} : vector<16xf32> to vector<1xf32>
        %squeeze3A_469 = vector.extract %slice3A_468[0] : f32 from vector<1xf32>
        %broadcast_in_dim3A_470 = vector.broadcast %squeeze3A_469 : f32 to vector<16xf32>
        %mul3A_471 = arith.mulf %broadcast_in_dim3A_467, %get3A_272 : vector<16xf32>
        %add3A_472 = arith.addf %get3A_268, %mul3A_471 : vector<16xf32>
        %mul3A_473 = arith.mulf %broadcast_in_dim3A_470, %get3A_276 : vector<16xf32>
        %add3A_474 = arith.addf %add3A_472, %mul3A_473 : vector<16xf32>
        %get3A_475 = arith.constant 8 : i32
        %get3A_476 = arith.index_cast %get3A_475 : i32 to index
        %get3A_477 = arith.index_cast %mul3A_264 : i32 to index
        %get3A_478 = tpu.vector_load %arg12[%get3A_476, %get3A_477] {strides = array<i32>} : memref<16x768xf32, #tpu.memory_space<vmem>>, vector<16xf32>,
        %get3A_479 = arith.constant 8 : i32
        %get3A_480 = arith.index_cast %get3A_479 : i32 to index
        %get3A_481 = arith.index_cast %mul3A_264 : i32 to index
        %get3A_482 = tpu.vector_load %arg15[%get3A_480, %get3A_481] {strides = array<i32>} : memref<16x768xf32, #tpu.memory_space<vmem>>, vector<16xf32>,
        %add3A_483 = arith.addf %get3A_478, %get3A_482 : vector<16xf32>
        %add3A_484 = arith.addf %add3A_483, %add3A_474 : vector<16xf32>
        %swap3A_485 = arith.constant 8 : i32
        %swap3A_486 = arith.index_cast %swap3A_485 : i32 to index
        %swap3A_487 = arith.index_cast %mul3A_264 : i32 to index
        %swap3A_488 = tpu.vector_load %arg18[%swap3A_486, %swap3A_487] {strides = array<i32>} : memref<16x768xf32, #tpu.memory_space<vmem>>, vector<16xf32>,
        tpu.vector_store %arg18[%swap3A_486, %swap3A_487], %add3A_484 {strides = array<i32>} : memref<16x768xf32, #tpu.memory_space<vmem>>, vector<16xf32>,
        %slice3A_489 = vector.extract_strided_slice %convert_element_type3A_177 {offsets = [9], sizes = [1], strides = [1]} : vector<16xf32> to vector<1xf32>
        %squeeze3A_490 = vector.extract %slice3A_489[0] : f32 from vector<1xf32>
        %broadcast_in_dim3A_491 = vector.broadcast %squeeze3A_490 : f32 to vector<16xf32>
        %slice3A_492 = vector.extract_strided_slice %convert_element_type3A_182 {offsets = [9], sizes = [1], strides = [1]} : vector<16xf32> to vector<1xf32>
        %squeeze3A_493 = vector.extract %slice3A_492[0] : f32 from vector<1xf32>
        %broadcast_in_dim3A_494 = vector.broadcast %squeeze3A_493 : f32 to vector<16xf32>
        %mul3A_495 = arith.mulf %broadcast_in_dim3A_491, %get3A_272 : vector<16xf32>
        %add3A_496 = arith.addf %get3A_268, %mul3A_495 : vector<16xf32>
        %mul3A_497 = arith.mulf %broadcast_in_dim3A_494, %get3A_276 : vector<16xf32>
        %add3A_498 = arith.addf %add3A_496, %mul3A_497 : vector<16xf32>
        %get3A_499 = arith.constant 9 : i32
        %get3A_500 = arith.index_cast %get3A_499 : i32 to index
        %get3A_501 = arith.index_cast %mul3A_264 : i32 to index
        %get3A_502 = tpu.vector_load %arg12[%get3A_500, %get3A_501] {strides = array<i32>} : memref<16x768xf32, #tpu.memory_space<vmem>>, vector<16xf32>,
        %get3A_503 = arith.constant 9 : i32
        %get3A_504 = arith.index_cast %get3A_503 : i32 to index
        %get3A_505 = arith.index_cast %mul3A_264 : i32 to index
        %get3A_506 = tpu.vector_load %arg15[%get3A_504, %get3A_505] {strides = array<i32>} : memref<16x768xf32, #tpu.memory_space<vmem>>, vector<16xf32>,
        %add3A_507 = arith.addf %get3A_502, %get3A_506 : vector<16xf32>
        %add3A_508 = arith.addf %add3A_507, %add3A_498 : vector<16xf32>
        %swap3A_509 = arith.constant 9 : i32
        %swap3A_510 = arith.index_cast %swap3A_509 : i32 to index
        %swap3A_511 = arith.index_cast %mul3A_264 : i32 to index
        %swap3A_512 = tpu.vector_load %arg18[%swap3A_510, %swap3A_511] {strides = array<i32>} : memref<16x768xf32, #tpu.memory_space<vmem>>, vector<16xf32>,
        tpu.vector_store %arg18[%swap3A_510, %swap3A_511], %add3A_508 {strides = array<i32>} : memref<16x768xf32, #tpu.memory_space<vmem>>, vector<16xf32>,
        %slice3A_513 = vector.extract_strided_slice %convert_element_type3A_177 {offsets = [10], sizes = [1], strides = [1]} : vector<16xf32> to vector<1xf32>
        %squeeze3A_514 = vector.extract %slice3A_513[0] : f32 from vector<1xf32>
        %broadcast_in_dim3A_515 = vector.broadcast %squeeze3A_514 : f32 to vector<16xf32>
        %slice3A_516 = vector.extract_strided_slice %convert_element_type3A_182 {offsets = [10], sizes = [1], strides = [1]} : vector<16xf32> to vector<1xf32>
        %squeeze3A_517 = vector.extract %slice3A_516[0] : f32 from vector<1xf32>
        %broadcast_in_dim3A_518 = vector.broadcast %squeeze3A_517 : f32 to vector<16xf32>
        %mul3A_519 = arith.mulf %broadcast_in_dim3A_515, %get3A_272 : vector<16xf32>
        %add3A_520 = arith.addf %get3A_268, %mul3A_519 : vector<16xf32>
        %mul3A_521 = arith.mulf %broadcast_in_dim3A_518, %get3A_276 : vector<16xf32>
        %add3A_522 = arith.addf %add3A_520, %mul3A_521 : vector<16xf32>
        %get3A_523 = arith.constant 10 : i32
        %get3A_524 = arith.index_cast %get3A_523 : i32 to index
        %get3A_525 = arith.index_cast %mul3A_264 : i32 to index
        %get3A_526 = tpu.vector_load %arg12[%get3A_524, %get3A_525] {strides = array<i32>} : memref<16x768xf32, #tpu.memory_space<vmem>>, vector<16xf32>,
        %get3A_527 = arith.constant 10 : i32
        %get3A_528 = arith.index_cast %get3A_527 : i32 to index
        %get3A_529 = arith.index_cast %mul3A_264 : i32 to index
        %get3A_530 = tpu.vector_load %arg15[%get3A_528, %get3A_529] {strides = array<i32>} : memref<16x768xf32, #tpu.memory_space<vmem>>, vector<16xf32>,
        %add3A_531 = arith.addf %get3A_526, %get3A_530 : vector<16xf32>
        %add3A_532 = arith.addf %add3A_531, %add3A_522 : vector<16xf32>
        %swap3A_533 = arith.constant 10 : i32
        %swap3A_534 = arith.index_cast %swap3A_533 : i32 to index
        %swap3A_535 = arith.index_cast %mul3A_264 : i32 to index
        %swap3A_536 = tpu.vector_load %arg18[%swap3A_534, %swap3A_535] {strides = array<i32>} : memref<16x768xf32, #tpu.memory_space<vmem>>, vector<16xf32>,
        tpu.vector_store %arg18[%swap3A_534, %swap3A_535], %add3A_532 {strides = array<i32>} : memref<16x768xf32, #tpu.memory_space<vmem>>, vector<16xf32>,
        %slice3A_537 = vector.extract_strided_slice %convert_element_type3A_177 {offsets = [11], sizes = [1], strides = [1]} : vector<16xf32> to vector<1xf32>
        %squeeze3A_538 = vector.extract %slice3A_537[0] : f32 from vector<1xf32>
        %broadcast_in_dim3A_539 = vector.broadcast %squeeze3A_538 : f32 to vector<16xf32>
        %slice3A_540 = vector.extract_strided_slice %convert_element_type3A_182 {offsets = [11], sizes = [1], strides = [1]} : vector<16xf32> to vector<1xf32>
        %squeeze3A_541 = vector.extract %slice3A_540[0] : f32 from vector<1xf32>
        %broadcast_in_dim3A_542 = vector.broadcast %squeeze3A_541 : f32 to vector<16xf32>
        %mul3A_543 = arith.mulf %broadcast_in_dim3A_539, %get3A_272 : vector<16xf32>
        %add3A_544 = arith.addf %get3A_268, %mul3A_543 : vector<16xf32>
        %mul3A_545 = arith.mulf %broadcast_in_dim3A_542, %get3A_276 : vector<16xf32>
        %add3A_546 = arith.addf %add3A_544, %mul3A_545 : vector<16xf32>
        %get3A_547 = arith.constant 11 : i32
        %get3A_548 = arith.index_cast %get3A_547 : i32 to index
        %get3A_549 = arith.index_cast %mul3A_264 : i32 to index
        %get3A_550 = tpu.vector_load %arg12[%get3A_548, %get3A_549] {strides = array<i32>} : memref<16x768xf32, #tpu.memory_space<vmem>>, vector<16xf32>,
        %get3A_551 = arith.constant 11 : i32
        %get3A_552 = arith.index_cast %get3A_551 : i32 to index
        %get3A_553 = arith.index_cast %mul3A_264 : i32 to index
        %get3A_554 = tpu.vector_load %arg15[%get3A_552, %get3A_553] {strides = array<i32>} : memref<16x768xf32, #tpu.memory_space<vmem>>, vector<16xf32>,
        %add3A_555 = arith.addf %get3A_550, %get3A_554 : vector<16xf32>
        %add3A_556 = arith.addf %add3A_555, %add3A_546 : vector<16xf32>
        %swap3A_557 = arith.constant 11 : i32
        %swap3A_558 = arith.index_cast %swap3A_557 : i32 to index
        %swap3A_559 = arith.index_cast %mul3A_264 : i32 to index
        %swap3A_560 = tpu.vector_load %arg18[%swap3A_558, %swap3A_559] {strides = array<i32>} : memref<16x768xf32, #tpu.memory_space<vmem>>, vector<16xf32>,
        tpu.vector_store %arg18[%swap3A_558, %swap3A_559], %add3A_556 {strides = array<i32>} : memref<16x768xf32, #tpu.memory_space<vmem>>, vector<16xf32>,
        %slice3A_561 = vector.extract_strided_slice %convert_element_type3A_177 {offsets = [12], sizes = [1], strides = [1]} : vector<16xf32> to vector<1xf32>
        %squeeze3A_562 = vector.extract %slice3A_561[0] : f32 from vector<1xf32>
        %broadcast_in_dim3A_563 = vector.broadcast %squeeze3A_562 : f32 to vector<16xf32>
        %slice3A_564 = vector.extract_strided_slice %convert_element_type3A_182 {offsets = [12], sizes = [1], strides = [1]} : vector<16xf32> to vector<1xf32>
        %squeeze3A_565 = vector.extract %slice3A_564[0] : f32 from vector<1xf32>
        %broadcast_in_dim3A_566 = vector.broadcast %squeeze3A_565 : f32 to vector<16xf32>
        %mul3A_567 = arith.mulf %broadcast_in_dim3A_563, %get3A_272 : vector<16xf32>
        %add3A_568 = arith.addf %get3A_268, %mul3A_567 : vector<16xf32>
        %mul3A_569 = arith.mulf %broadcast_in_dim3A_566, %get3A_276 : vector<16xf32>
        %add3A_570 = arith.addf %add3A_568, %mul3A_569 : vector<16xf32>
        %get3A_571 = arith.constant 12 : i32
        %get3A_572 = arith.index_cast %get3A_571 : i32 to index
        %get3A_573 = arith.index_cast %mul3A_264 : i32 to index
        %get3A_574 = tpu.vector_load %arg12[%get3A_572, %get3A_573] {strides = array<i32>} : memref<16x768xf32, #tpu.memory_space<vmem>>, vector<16xf32>,
        %get3A_575 = arith.constant 12 : i32
        %get3A_576 = arith.index_cast %get3A_575 : i32 to index
        %get3A_577 = arith.index_cast %mul3A_264 : i32 to index
        %get3A_578 = tpu.vector_load %arg15[%get3A_576, %get3A_577] {strides = array<i32>} : memref<16x768xf32, #tpu.memory_space<vmem>>, vector<16xf32>,
        %add3A_579 = arith.addf %get3A_574, %get3A_578 : vector<16xf32>
        %add3A_580 = arith.addf %add3A_579, %add3A_570 : vector<16xf32>
        %swap3A_581 = arith.constant 12 : i32
        %swap3A_582 = arith.index_cast %swap3A_581 : i32 to index
        %swap3A_583 = arith.index_cast %mul3A_264 : i32 to index
        %swap3A_584 = tpu.vector_load %arg18[%swap3A_582, %swap3A_583] {strides = array<i32>} : memref<16x768xf32, #tpu.memory_space<vmem>>, vector<16xf32>,
        tpu.vector_store %arg18[%swap3A_582, %swap3A_583], %add3A_580 {strides = array<i32>} : memref<16x768xf32, #tpu.memory_space<vmem>>, vector<16xf32>,
        %slice3A_585 = vector.extract_strided_slice %convert_element_type3A_177 {offsets = [13], sizes = [1], strides = [1]} : vector<16xf32> to vector<1xf32>
        %squeeze3A_586 = vector.extract %slice3A_585[0] : f32 from vector<1xf32>
        %broadcast_in_dim3A_587 = vector.broadcast %squeeze3A_586 : f32 to vector<16xf32>
        %slice3A_588 = vector.extract_strided_slice %convert_element_type3A_182 {offsets = [13], sizes = [1], strides = [1]} : vector<16xf32> to vector<1xf32>
        %squeeze3A_589 = vector.extract %slice3A_588[0] : f32 from vector<1xf32>
        %broadcast_in_dim3A_590 = vector.broadcast %squeeze3A_589 : f32 to vector<16xf32>
        %mul3A_591 = arith.mulf %broadcast_in_dim3A_587, %get3A_272 : vector<16xf32>
        %add3A_592 = arith.addf %get3A_268, %mul3A_591 : vector<16xf32>
        %mul3A_593 = arith.mulf %broadcast_in_dim3A_590, %get3A_276 : vector<16xf32>
        %add3A_594 = arith.addf %add3A_592, %mul3A_593 : vector<16xf32>
        %get3A_595 = arith.constant 13 : i32
        %get3A_596 = arith.index_cast %get3A_595 : i32 to index
        %get3A_597 = arith.index_cast %mul3A_264 : i32 to index
        %get3A_598 = tpu.vector_load %arg12[%get3A_596, %get3A_597] {strides = array<i32>} : memref<16x768xf32, #tpu.memory_space<vmem>>, vector<16xf32>,
        %get3A_599 = arith.constant 13 : i32
        %get3A_600 = arith.index_cast %get3A_599 : i32 to index
        %get3A_601 = arith.index_cast %mul3A_264 : i32 to index
        %get3A_602 = tpu.vector_load %arg15[%get3A_600, %get3A_601] {strides = array<i32>} : memref<16x768xf32, #tpu.memory_space<vmem>>, vector<16xf32>,
        %add3A_603 = arith.addf %get3A_598, %get3A_602 : vector<16xf32>
        %add3A_604 = arith.addf %add3A_603, %add3A_594 : vector<16xf32>
        %swap3A_605 = arith.constant 13 : i32
        %swap3A_606 = arith.index_cast %swap3A_605 : i32 to index
        %swap3A_607 = arith.index_cast %mul3A_264 : i32 to index
        %swap3A_608 = tpu.vector_load %arg18[%swap3A_606, %swap3A_607] {strides = array<i32>} : memref<16x768xf32, #tpu.memory_space<vmem>>, vector<16xf32>,
        tpu.vector_store %arg18[%swap3A_606, %swap3A_607], %add3A_604 {strides = array<i32>} : memref<16x768xf32, #tpu.memory_space<vmem>>, vector<16xf32>,
        %slice3A_609 = vector.extract_strided_slice %convert_element_type3A_177 {offsets = [14], sizes = [1], strides = [1]} : vector<16xf32> to vector<1xf32>
        %squeeze3A_610 = vector.extract %slice3A_609[0] : f32 from vector<1xf32>
        %broadcast_in_dim3A_611 = vector.broadcast %squeeze3A_610 : f32 to vector<16xf32>
        %slice3A_612 = vector.extract_strided_slice %convert_element_type3A_182 {offsets = [14], sizes = [1], strides = [1]} : vector<16xf32> to vector<1xf32>
        %squeeze3A_613 = vector.extract %slice3A_612[0] : f32 from vector<1xf32>
        %broadcast_in_dim3A_614 = vector.broadcast %squeeze3A_613 : f32 to vector<16xf32>
        %mul3A_615 = arith.mulf %broadcast_in_dim3A_611, %get3A_272 : vector<16xf32>
        %add3A_616 = arith.addf %get3A_268, %mul3A_615 : vector<16xf32>
        %mul3A_617 = arith.mulf %broadcast_in_dim3A_614, %get3A_276 : vector<16xf32>
        %add3A_618 = arith.addf %add3A_616, %mul3A_617 : vector<16xf32>
        %get3A_619 = arith.constant 14 : i32
        %get3A_620 = arith.index_cast %get3A_619 : i32 to index
        %get3A_621 = arith.index_cast %mul3A_264 : i32 to index
        %get3A_622 = tpu.vector_load %arg12[%get3A_620, %get3A_621] {strides = array<i32>} : memref<16x768xf32, #tpu.memory_space<vmem>>, vector<16xf32>,
        %get3A_623 = arith.constant 14 : i32
        %get3A_624 = arith.index_cast %get3A_623 : i32 to index
        %get3A_625 = arith.index_cast %mul3A_264 : i32 to index
        %get3A_626 = tpu.vector_load %arg15[%get3A_624, %get3A_625] {strides = array<i32>} : memref<16x768xf32, #tpu.memory_space<vmem>>, vector<16xf32>,
        %add3A_627 = arith.addf %get3A_622, %get3A_626 : vector<16xf32>
        %add3A_628 = arith.addf %add3A_627, %add3A_618 : vector<16xf32>
        %swap3A_629 = arith.constant 14 : i32
        %swap3A_630 = arith.index_cast %swap3A_629 : i32 to index
        %swap3A_631 = arith.index_cast %mul3A_264 : i32 to index
        %swap3A_632 = tpu.vector_load %arg18[%swap3A_630, %swap3A_631] {strides = array<i32>} : memref<16x768xf32, #tpu.memory_space<vmem>>, vector<16xf32>,
        tpu.vector_store %arg18[%swap3A_630, %swap3A_631], %add3A_628 {strides = array<i32>} : memref<16x768xf32, #tpu.memory_space<vmem>>, vector<16xf32>,
        %slice3A_633 = vector.extract_strided_slice %convert_element_type3A_177 {offsets = [15], sizes = [1], strides = [1]} : vector<16xf32> to vector<1xf32>
        %squeeze3A_634 = vector.extract %slice3A_633[0] : f32 from vector<1xf32>
        %broadcast_in_dim3A_635 = vector.broadcast %squeeze3A_634 : f32 to vector<16xf32>
        %slice3A_636 = vector.extract_strided_slice %convert_element_type3A_182 {offsets = [15], sizes = [1], strides = [1]} : vector<16xf32> to vector<1xf32>
        %squeeze3A_637 = vector.extract %slice3A_636[0] : f32 from vector<1xf32>
        %broadcast_in_dim3A_638 = vector.broadcast %squeeze3A_637 : f32 to vector<16xf32>
        %mul3A_639 = arith.mulf %broadcast_in_dim3A_635, %get3A_272 : vector<16xf32>
        %add3A_640 = arith.addf %get3A_268, %mul3A_639 : vector<16xf32>
        %mul3A_641 = arith.mulf %broadcast_in_dim3A_638, %get3A_276 : vector<16xf32>
        %add3A_642 = arith.addf %add3A_640, %mul3A_641 : vector<16xf32>
        %get3A_643 = arith.constant 15 : i32
        %get3A_644 = arith.index_cast %get3A_643 : i32 to index
        %get3A_645 = arith.index_cast %mul3A_264 : i32 to index
        %get3A_646 = tpu.vector_load %arg12[%get3A_644, %get3A_645] {strides = array<i32>} : memref<16x768xf32, #tpu.memory_space<vmem>>, vector<16xf32>,
        %get3A_647 = arith.constant 15 : i32
        %get3A_648 = arith.index_cast %get3A_647 : i32 to index
        %get3A_649 = arith.index_cast %mul3A_264 : i32 to index
        %get3A_650 = tpu.vector_load %arg15[%get3A_648, %get3A_649] {strides = array<i32>} : memref<16x768xf32, #tpu.memory_space<vmem>>, vector<16xf32>,
        %add3A_651 = arith.addf %get3A_646, %get3A_650 : vector<16xf32>
        %add3A_652 = arith.addf %add3A_651, %add3A_642 : vector<16xf32>
        %swap3A_653 = arith.constant 15 : i32
        %swap3A_654 = arith.index_cast %swap3A_653 : i32 to index
        %swap3A_655 = arith.index_cast %mul3A_264 : i32 to index
        %swap3A_656 = tpu.vector_load %arg18[%swap3A_654, %swap3A_655] {strides = array<i32>} : memref<16x768xf32, #tpu.memory_space<vmem>>, vector<16xf32>,
        tpu.vector_store %arg18[%swap3A_654, %swap3A_655], %add3A_652 {strides = array<i32>} : memref<16x768xf32, #tpu.memory_space<vmem>>, vector<16xf32>,
        %scan3A_657 = arith.constant 0 : i32
        scf.yield %scan3A_657 : i32
      }
      %scan3A_189 = arith.constant 48 : i32
      %add3A_190 = arith.constant 3 : i32
      %add3A_191 = arith.addi %add3A_151, %add3A_190 : i32
      %lt3A_192 = arith.constant 400 : i32
      %lt3A_193 = arith.cmpi slt, %add3A_191, %lt3A_192 : i32
      %convert_element_type3A_194 = arith.extui %lt3A_193 : i1 to i32
      %cond3A_195 = arith.constant 0 : i32
      %cond3A_196 = arith.cmpi ne, %convert_element_type3A_194, %cond3A_195 : i32
      scf.if %cond3A_196 {
        %add3A_261 = arith.constant 3 : i32
        %add3A_262 = arith.addi %add3A_151, %add3A_261 : i32
        %mul3A_263 = arith.constant 16 : i32
        %mul3A_264 = arith.muli %add3A_262, %mul3A_263 : i32
        %dma_start3A_265 = tpu.memref_slice %arg8[%mul3A_264] : memref<6400xi32, #tpu.memory_space<vmem>> -> memref<16xi32, #tpu.memory_space<vmem>>
        %dma_start3A_266 = arith.constant 0 : i32
        %dma_start3A_267 = arith.constant 0 : i32
        %dma_start3A_268 = tpu.memref_slice %arg4[%dma_start3A_266, %dma_start3A_267] : memref<100000x768xf32, #tpu.memory_space<hbm>> -> memref<100000x768xf32, #tpu.memory_space<hbm>>
        tpu.enqueue_indirect_dma source(%dma_start3A_268 : memref<100000x768xf32, #tpu.memory_space<hbm>>) target(%arg12 : memref<16x768xf32, #tpu.memory_space<vmem>>) offsets(%dma_start3A_265 : memref<16xi32, #tpu.memory_space<vmem>>) semaphore(%arg21 : memref<!tpu.dma_semaphore, #tpu.memory_space<semaphore_mem>>)
        %dma_start3A_269 = tpu.memref_slice %arg8[%mul3A_264] : memref<6400xi32, #tpu.memory_space<vmem>> -> memref<16xi32, #tpu.memory_space<vmem>>
        %dma_start3A_270 = arith.constant 0 : i32
        %dma_start3A_271 = arith.constant 0 : i32
        %dma_start3A_272 = tpu.memref_slice %arg5[%dma_start3A_270, %dma_start3A_271] : memref<100000x768xf32, #tpu.memory_space<hbm>> -> memref<100000x768xf32, #tpu.memory_space<hbm>>
        tpu.enqueue_indirect_dma source(%dma_start3A_272 : memref<100000x768xf32, #tpu.memory_space<hbm>>) target(%arg15 : memref<16x768xf32, #tpu.memory_space<vmem>>) offsets(%dma_start3A_269 : memref<16xi32, #tpu.memory_space<vmem>>) semaphore(%arg21 : memref<!tpu.dma_semaphore, #tpu.memory_space<semaphore_mem>>)
      } else {
      }
      %mul3A_197 = arith.constant 16 : i32
      %mul3A_198 = arith.muli %add3A_151, %mul3A_197 : i32
      %add3A_199 = arith.addi %mul3A_2, %mul3A_198 : i32
      %dma_start3A_200 = arith.constant 0 : i32
      %dma_start3A_201 = tpu.memref_slice %arg7[%add3A_199, %dma_start3A_200] : memref<204800x768xf32, #tpu.memory_space<hbm>> -> memref<16x768xf32, #tpu.memory_space<hbm>>
      %dma_start3A_202 = arith.constant 0 : i32
      %dma_start3A_203 = tpu.memref_slice %arg7[%add3A_199, %dma_start3A_202] : memref<204800x768xf32, #tpu.memory_space<hbm>> -> memref<16x768xf32, #tpu.memory_space<hbm>>
      tpu.enqueue_dma source(%arg18 : memref<16x768xf32, #tpu.memory_space<vmem>>) target(%dma_start3A_203 : memref<16x768xf32, #tpu.memory_space<hbm>>) target_semaphore(%arg24 : memref<!tpu.dma_semaphore, #tpu.memory_space<semaphore_mem>>)
      %mul3A_204 = arith.constant 3 : i32
      %mul3A_205 = arith.muli %mul3A_204, %scan3A_94 : i32
      %add3A_206 = arith.constant 2 : i32
      %add3A_207 = arith.addi %mul3A_205, %add3A_206 : i32
      %dma_wait3A_208 = arith.constant 0 : i32
      %dma_wait3A_209 = arith.constant 0 : i32
      %dma_wait3A_210 = tpu.memref_slice %arg4[%dma_wait3A_208, %dma_wait3A_209] : memref<100000x768xf32, #tpu.memory_space<hbm>> -> memref<16x768xf32, #tpu.memory_space<hbm>>
      %dma_wait3A_211 = arith.constant 0 : i32
      %dma_wait3A_212 = arith.constant 0 : i32
      %dma_wait3A_213 = tpu.memref_slice %arg4[%dma_wait3A_211, %dma_wait3A_212] : memref<100000x768xf32, #tpu.memory_space<hbm>> -> memref<16x768xf32, #tpu.memory_space<hbm>>
      tpu.wait_dma2 semaphore(%arg22 : memref<!tpu.dma_semaphore, #tpu.memory_space<semaphore_mem>>) src(%dma_wait3A_213 : memref<16x768xf32, #tpu.memory_space<hbm>>) dst(%arg13 : memref<16x768xf32, #tpu.memory_space<vmem>>)
      %dma_wait3A_214 = arith.constant 0 : i32
      %dma_wait3A_215 = arith.constant 0 : i32
      %dma_wait3A_216 = tpu.memref_slice %arg4[%dma_wait3A_214, %dma_wait3A_215] : memref<100000x768xf32, #tpu.memory_space<hbm>> -> memref<16x768xf32, #tpu.memory_space<hbm>>
      %dma_wait3A_217 = arith.constant 0 : i32
      %dma_wait3A_218 = arith.constant 0 : i32
      %dma_wait3A_219 = tpu.memref_slice %arg4[%dma_wait3A_217, %dma_wait3A_218] : memref<100000x768xf32, #tpu.memory_space<hbm>> -> memref<16x768xf32, #tpu.memory_space<hbm>>
      tpu.wait_dma2 semaphore(%arg22 : memref<!tpu.dma_semaphore, #tpu.memory_space<semaphore_mem>>) src(%dma_wait3A_219 : memref<16x768xf32, #tpu.memory_space<hbm>>) dst(%arg16 : memref<16x768xf32, #tpu.memory_space<vmem>>)
      %ge3A_220 = arith.constant 3 : i32
      %ge3A_221 = arith.cmpi sge, %add3A_207, %ge3A_220 : i32
      %convert_element_type3A_222 = arith.extui %ge3A_221 : i1 to i32
      %cond3A_223 = arith.constant 0 : i32
      %cond3A_224 = arith.cmpi ne, %convert_element_type3A_222, %cond3A_223 : i32
      scf.if %cond3A_224 {
        %dma_wait3A_261 = arith.constant 0 : i32
        %dma_wait3A_262 = tpu.memref_slice %arg7[%mul3A_2, %dma_wait3A_261] : memref<204800x768xf32, #tpu.memory_space<hbm>> -> memref<16x768xf32, #tpu.memory_space<hbm>>
        %dma_wait3A_263 = arith.constant 0 : i32
        %dma_wait3A_264 = tpu.memref_slice %arg7[%mul3A_2, %dma_wait3A_263] : memref<204800x768xf32, #tpu.memory_space<hbm>> -> memref<16x768xf32, #tpu.memory_space<hbm>>
        tpu.wait_dma2 semaphore(%arg25 : memref<!tpu.dma_semaphore, #tpu.memory_space<semaphore_mem>>) src(%dma_wait3A_264 : memref<16x768xf32, #tpu.memory_space<hbm>>) dst(%arg19 : memref<16x768xf32, #tpu.memory_space<vmem>>)
      } else {
      }
      %mul3A_225 = arith.constant 16 : i32
      %mul3A_226 = arith.muli %add3A_207, %mul3A_225 : i32
      %get3A_227 = arith.index_cast %mul3A_226 : i32 to index
      %get3A_228 = tpu.vector_load %arg9[%get3A_227] {strides = array<i32>} : memref<6400xi32, #tpu.memory_space<vmem>>, vector<16xi32>,
      %ge3A_229 = arith.constant 1 : i32
      %ge3A_230 = vector.broadcast %ge3A_229 : i32 to vector<16xi32>
      %ge3A_231 = arith.cmpi sge, %get3A_228, %ge3A_230 : vector<16xi32>
      %convert_element_type3A_232 = arith.extui %ge3A_231 : vector<16xi1> to vector<16xi32>
      %convert_element_type3A_233 = arith.sitofp %convert_element_type3A_232 : vector<16xi32> to vector<16xf32>
      %ge3A_234 = arith.constant 2 : i32
      %ge3A_235 = vector.broadcast %ge3A_234 : i32 to vector<16xi32>
      %ge3A_236 = arith.cmpi sge, %get3A_228, %ge3A_235 : vector<16xi32>
      %convert_element_type3A_237 = arith.extui %ge3A_236 : vector<16xi1> to vector<16xi32>
      %convert_element_type3A_238 = arith.sitofp %convert_element_type3A_237 : vector<16xi32> to vector<16xf32>
      %scan3A_239 = arith.constant 0 : i32
      %scan3A_240 = arith.constant 0 : i32
      %scan3A_241 = arith.constant 48 : i32
      %scan3A_242 = arith.addi %scan3A_240, %scan3A_241 : i32
      %scan3A_243 = arith.constant 1 : i32
      %scan3A_244 = scf.for %scan3A_261 = %scan3A_240 to %scan3A_242 step %scan3A_243 iter_args(%scan3A_262 = %scan3A_239) -> (i32)  : i32 {
        %mul3A_263 = arith.constant 16 : i32
        %mul3A_264 = arith.muli %scan3A_261, %mul3A_263 : i32
        %get3A_265 = arith.constant 0 : i32
        %get3A_266 = arith.index_cast %get3A_265 : i32 to index
        %get3A_267 = arith.index_cast %mul3A_264 : i32 to index
        %get3A_268 = tpu.vector_load %arg10[%get3A_266, %get3A_267] {strides = array<i32>} : memref<8x768xf32, #tpu.memory_space<vmem>>, vector<16xf32>,
        %get3A_269 = arith.constant 1 : i32
        %get3A_270 = arith.index_cast %get3A_269 : i32 to index
        %get3A_271 = arith.index_cast %mul3A_264 : i32 to index
        %get3A_272 = tpu.vector_load %arg10[%get3A_270, %get3A_271] {strides = array<i32>} : memref<8x768xf32, #tpu.memory_space<vmem>>, vector<16xf32>,
        %get3A_273 = arith.constant 2 : i32
        %get3A_274 = arith.index_cast %get3A_273 : i32 to index
        %get3A_275 = arith.index_cast %mul3A_264 : i32 to index
        %get3A_276 = tpu.vector_load %arg10[%get3A_274, %get3A_275] {strides = array<i32>} : memref<8x768xf32, #tpu.memory_space<vmem>>, vector<16xf32>,
        %slice3A = vector.extract_strided_slice %convert_element_type3A_233 {offsets = [0], sizes = [1], strides = [1]} : vector<16xf32> to vector<1xf32>
        %squeeze3A = vector.extract %slice3A[0] : f32 from vector<1xf32>
        %broadcast_in_dim3A = vector.broadcast %squeeze3A : f32 to vector<16xf32>
        %slice3A_277 = vector.extract_strided_slice %convert_element_type3A_238 {offsets = [0], sizes = [1], strides = [1]} : vector<16xf32> to vector<1xf32>
        %squeeze3A_278 = vector.extract %slice3A_277[0] : f32 from vector<1xf32>
        %broadcast_in_dim3A_279 = vector.broadcast %squeeze3A_278 : f32 to vector<16xf32>
        %mul3A_280 = arith.mulf %broadcast_in_dim3A, %get3A_272 : vector<16xf32>
        %add3A_281 = arith.addf %get3A_268, %mul3A_280 : vector<16xf32>
        %mul3A_282 = arith.mulf %broadcast_in_dim3A_279, %get3A_276 : vector<16xf32>
        %add3A_283 = arith.addf %add3A_281, %mul3A_282 : vector<16xf32>
        %get3A_284 = arith.constant 0 : i32
        %get3A_285 = arith.index_cast %get3A_284 : i32 to index
        %get3A_286 = arith.index_cast %mul3A_264 : i32 to index
        %get3A_287 = tpu.vector_load %arg13[%get3A_285, %get3A_286] {strides = array<i32>} : memref<16x768xf32, #tpu.memory_space<vmem>>, vector<16xf32>,
        %get3A_288 = arith.constant 0 : i32
        %get3A_289 = arith.index_cast %get3A_288 : i32 to index
        %get3A_290 = arith.index_cast %mul3A_264 : i32 to index
        %get3A_291 = tpu.vector_load %arg16[%get3A_289, %get3A_290] {strides = array<i32>} : memref<16x768xf32, #tpu.memory_space<vmem>>, vector<16xf32>,
        %add3A_292 = arith.addf %get3A_287, %get3A_291 : vector<16xf32>
        %add3A_293 = arith.addf %add3A_292, %add3A_283 : vector<16xf32>
        %swap3A = arith.constant 0 : i32
        %swap3A_294 = arith.index_cast %swap3A : i32 to index
        %swap3A_295 = arith.index_cast %mul3A_264 : i32 to index
        %swap3A_296 = tpu.vector_load %arg19[%swap3A_294, %swap3A_295] {strides = array<i32>} : memref<16x768xf32, #tpu.memory_space<vmem>>, vector<16xf32>,
        tpu.vector_store %arg19[%swap3A_294, %swap3A_295], %add3A_293 {strides = array<i32>} : memref<16x768xf32, #tpu.memory_space<vmem>>, vector<16xf32>,
        %slice3A_297 = vector.extract_strided_slice %convert_element_type3A_233 {offsets = [1], sizes = [1], strides = [1]} : vector<16xf32> to vector<1xf32>
        %squeeze3A_298 = vector.extract %slice3A_297[0] : f32 from vector<1xf32>
        %broadcast_in_dim3A_299 = vector.broadcast %squeeze3A_298 : f32 to vector<16xf32>
        %slice3A_300 = vector.extract_strided_slice %convert_element_type3A_238 {offsets = [1], sizes = [1], strides = [1]} : vector<16xf32> to vector<1xf32>
        %squeeze3A_301 = vector.extract %slice3A_300[0] : f32 from vector<1xf32>
        %broadcast_in_dim3A_302 = vector.broadcast %squeeze3A_301 : f32 to vector<16xf32>
        %mul3A_303 = arith.mulf %broadcast_in_dim3A_299, %get3A_272 : vector<16xf32>
        %add3A_304 = arith.addf %get3A_268, %mul3A_303 : vector<16xf32>
        %mul3A_305 = arith.mulf %broadcast_in_dim3A_302, %get3A_276 : vector<16xf32>
        %add3A_306 = arith.addf %add3A_304, %mul3A_305 : vector<16xf32>
        %get3A_307 = arith.constant 1 : i32
        %get3A_308 = arith.index_cast %get3A_307 : i32 to index
        %get3A_309 = arith.index_cast %mul3A_264 : i32 to index
        %get3A_310 = tpu.vector_load %arg13[%get3A_308, %get3A_309] {strides = array<i32>} : memref<16x768xf32, #tpu.memory_space<vmem>>, vector<16xf32>,
        %get3A_311 = arith.constant 1 : i32
        %get3A_312 = arith.index_cast %get3A_311 : i32 to index
        %get3A_313 = arith.index_cast %mul3A_264 : i32 to index
        %get3A_314 = tpu.vector_load %arg16[%get3A_312, %get3A_313] {strides = array<i32>} : memref<16x768xf32, #tpu.memory_space<vmem>>, vector<16xf32>,
        %add3A_315 = arith.addf %get3A_310, %get3A_314 : vector<16xf32>
        %add3A_316 = arith.addf %add3A_315, %add3A_306 : vector<16xf32>
        %swap3A_317 = arith.constant 1 : i32
        %swap3A_318 = arith.index_cast %swap3A_317 : i32 to index
        %swap3A_319 = arith.index_cast %mul3A_264 : i32 to index
        %swap3A_320 = tpu.vector_load %arg19[%swap3A_318, %swap3A_319] {strides = array<i32>} : memref<16x768xf32, #tpu.memory_space<vmem>>, vector<16xf32>,
        tpu.vector_store %arg19[%swap3A_318, %swap3A_319], %add3A_316 {strides = array<i32>} : memref<16x768xf32, #tpu.memory_space<vmem>>, vector<16xf32>,
        %slice3A_321 = vector.extract_strided_slice %convert_element_type3A_233 {offsets = [2], sizes = [1], strides = [1]} : vector<16xf32> to vector<1xf32>
        %squeeze3A_322 = vector.extract %slice3A_321[0] : f32 from vector<1xf32>
        %broadcast_in_dim3A_323 = vector.broadcast %squeeze3A_322 : f32 to vector<16xf32>
        %slice3A_324 = vector.extract_strided_slice %convert_element_type3A_238 {offsets = [2], sizes = [1], strides = [1]} : vector<16xf32> to vector<1xf32>
        %squeeze3A_325 = vector.extract %slice3A_324[0] : f32 from vector<1xf32>
        %broadcast_in_dim3A_326 = vector.broadcast %squeeze3A_325 : f32 to vector<16xf32>
        %mul3A_327 = arith.mulf %broadcast_in_dim3A_323, %get3A_272 : vector<16xf32>
        %add3A_328 = arith.addf %get3A_268, %mul3A_327 : vector<16xf32>
        %mul3A_329 = arith.mulf %broadcast_in_dim3A_326, %get3A_276 : vector<16xf32>
        %add3A_330 = arith.addf %add3A_328, %mul3A_329 : vector<16xf32>
        %get3A_331 = arith.constant 2 : i32
        %get3A_332 = arith.index_cast %get3A_331 : i32 to index
        %get3A_333 = arith.index_cast %mul3A_264 : i32 to index
        %get3A_334 = tpu.vector_load %arg13[%get3A_332, %get3A_333] {strides = array<i32>} : memref<16x768xf32, #tpu.memory_space<vmem>>, vector<16xf32>,
        %get3A_335 = arith.constant 2 : i32
        %get3A_336 = arith.index_cast %get3A_335 : i32 to index
        %get3A_337 = arith.index_cast %mul3A_264 : i32 to index
        %get3A_338 = tpu.vector_load %arg16[%get3A_336, %get3A_337] {strides = array<i32>} : memref<16x768xf32, #tpu.memory_space<vmem>>, vector<16xf32>,
        %add3A_339 = arith.addf %get3A_334, %get3A_338 : vector<16xf32>
        %add3A_340 = arith.addf %add3A_339, %add3A_330 : vector<16xf32>
        %swap3A_341 = arith.constant 2 : i32
        %swap3A_342 = arith.index_cast %swap3A_341 : i32 to index
        %swap3A_343 = arith.index_cast %mul3A_264 : i32 to index
        %swap3A_344 = tpu.vector_load %arg19[%swap3A_342, %swap3A_343] {strides = array<i32>} : memref<16x768xf32, #tpu.memory_space<vmem>>, vector<16xf32>,
        tpu.vector_store %arg19[%swap3A_342, %swap3A_343], %add3A_340 {strides = array<i32>} : memref<16x768xf32, #tpu.memory_space<vmem>>, vector<16xf32>,
        %slice3A_345 = vector.extract_strided_slice %convert_element_type3A_233 {offsets = [3], sizes = [1], strides = [1]} : vector<16xf32> to vector<1xf32>
        %squeeze3A_346 = vector.extract %slice3A_345[0] : f32 from vector<1xf32>
        %broadcast_in_dim3A_347 = vector.broadcast %squeeze3A_346 : f32 to vector<16xf32>
        %slice3A_348 = vector.extract_strided_slice %convert_element_type3A_238 {offsets = [3], sizes = [1], strides = [1]} : vector<16xf32> to vector<1xf32>
        %squeeze3A_349 = vector.extract %slice3A_348[0] : f32 from vector<1xf32>
        %broadcast_in_dim3A_350 = vector.broadcast %squeeze3A_349 : f32 to vector<16xf32>
        %mul3A_351 = arith.mulf %broadcast_in_dim3A_347, %get3A_272 : vector<16xf32>
        %add3A_352 = arith.addf %get3A_268, %mul3A_351 : vector<16xf32>
        %mul3A_353 = arith.mulf %broadcast_in_dim3A_350, %get3A_276 : vector<16xf32>
        %add3A_354 = arith.addf %add3A_352, %mul3A_353 : vector<16xf32>
        %get3A_355 = arith.constant 3 : i32
        %get3A_356 = arith.index_cast %get3A_355 : i32 to index
        %get3A_357 = arith.index_cast %mul3A_264 : i32 to index
        %get3A_358 = tpu.vector_load %arg13[%get3A_356, %get3A_357] {strides = array<i32>} : memref<16x768xf32, #tpu.memory_space<vmem>>, vector<16xf32>,
        %get3A_359 = arith.constant 3 : i32
        %get3A_360 = arith.index_cast %get3A_359 : i32 to index
        %get3A_361 = arith.index_cast %mul3A_264 : i32 to index
        %get3A_362 = tpu.vector_load %arg16[%get3A_360, %get3A_361] {strides = array<i32>} : memref<16x768xf32, #tpu.memory_space<vmem>>, vector<16xf32>,
        %add3A_363 = arith.addf %get3A_358, %get3A_362 : vector<16xf32>
        %add3A_364 = arith.addf %add3A_363, %add3A_354 : vector<16xf32>
        %swap3A_365 = arith.constant 3 : i32
        %swap3A_366 = arith.index_cast %swap3A_365 : i32 to index
        %swap3A_367 = arith.index_cast %mul3A_264 : i32 to index
        %swap3A_368 = tpu.vector_load %arg19[%swap3A_366, %swap3A_367] {strides = array<i32>} : memref<16x768xf32, #tpu.memory_space<vmem>>, vector<16xf32>,
        tpu.vector_store %arg19[%swap3A_366, %swap3A_367], %add3A_364 {strides = array<i32>} : memref<16x768xf32, #tpu.memory_space<vmem>>, vector<16xf32>,
        %slice3A_369 = vector.extract_strided_slice %convert_element_type3A_233 {offsets = [4], sizes = [1], strides = [1]} : vector<16xf32> to vector<1xf32>
        %squeeze3A_370 = vector.extract %slice3A_369[0] : f32 from vector<1xf32>
        %broadcast_in_dim3A_371 = vector.broadcast %squeeze3A_370 : f32 to vector<16xf32>
        %slice3A_372 = vector.extract_strided_slice %convert_element_type3A_238 {offsets = [4], sizes = [1], strides = [1]} : vector<16xf32> to vector<1xf32>
        %squeeze3A_373 = vector.extract %slice3A_372[0] : f32 from vector<1xf32>
        %broadcast_in_dim3A_374 = vector.broadcast %squeeze3A_373 : f32 to vector<16xf32>
        %mul3A_375 = arith.mulf %broadcast_in_dim3A_371, %get3A_272 : vector<16xf32>
        %add3A_376 = arith.addf %get3A_268, %mul3A_375 : vector<16xf32>
        %mul3A_377 = arith.mulf %broadcast_in_dim3A_374, %get3A_276 : vector<16xf32>
        %add3A_378 = arith.addf %add3A_376, %mul3A_377 : vector<16xf32>
        %get3A_379 = arith.constant 4 : i32
        %get3A_380 = arith.index_cast %get3A_379 : i32 to index
        %get3A_381 = arith.index_cast %mul3A_264 : i32 to index
        %get3A_382 = tpu.vector_load %arg13[%get3A_380, %get3A_381] {strides = array<i32>} : memref<16x768xf32, #tpu.memory_space<vmem>>, vector<16xf32>,
        %get3A_383 = arith.constant 4 : i32
        %get3A_384 = arith.index_cast %get3A_383 : i32 to index
        %get3A_385 = arith.index_cast %mul3A_264 : i32 to index
        %get3A_386 = tpu.vector_load %arg16[%get3A_384, %get3A_385] {strides = array<i32>} : memref<16x768xf32, #tpu.memory_space<vmem>>, vector<16xf32>,
        %add3A_387 = arith.addf %get3A_382, %get3A_386 : vector<16xf32>
        %add3A_388 = arith.addf %add3A_387, %add3A_378 : vector<16xf32>
        %swap3A_389 = arith.constant 4 : i32
        %swap3A_390 = arith.index_cast %swap3A_389 : i32 to index
        %swap3A_391 = arith.index_cast %mul3A_264 : i32 to index
        %swap3A_392 = tpu.vector_load %arg19[%swap3A_390, %swap3A_391] {strides = array<i32>} : memref<16x768xf32, #tpu.memory_space<vmem>>, vector<16xf32>,
        tpu.vector_store %arg19[%swap3A_390, %swap3A_391], %add3A_388 {strides = array<i32>} : memref<16x768xf32, #tpu.memory_space<vmem>>, vector<16xf32>,
        %slice3A_393 = vector.extract_strided_slice %convert_element_type3A_233 {offsets = [5], sizes = [1], strides = [1]} : vector<16xf32> to vector<1xf32>
        %squeeze3A_394 = vector.extract %slice3A_393[0] : f32 from vector<1xf32>
        %broadcast_in_dim3A_395 = vector.broadcast %squeeze3A_394 : f32 to vector<16xf32>
        %slice3A_396 = vector.extract_strided_slice %convert_element_type3A_238 {offsets = [5], sizes = [1], strides = [1]} : vector<16xf32> to vector<1xf32>
        %squeeze3A_397 = vector.extract %slice3A_396[0] : f32 from vector<1xf32>
        %broadcast_in_dim3A_398 = vector.broadcast %squeeze3A_397 : f32 to vector<16xf32>
        %mul3A_399 = arith.mulf %broadcast_in_dim3A_395, %get3A_272 : vector<16xf32>
        %add3A_400 = arith.addf %get3A_268, %mul3A_399 : vector<16xf32>
        %mul3A_401 = arith.mulf %broadcast_in_dim3A_398, %get3A_276 : vector<16xf32>
        %add3A_402 = arith.addf %add3A_400, %mul3A_401 : vector<16xf32>
        %get3A_403 = arith.constant 5 : i32
        %get3A_404 = arith.index_cast %get3A_403 : i32 to index
        %get3A_405 = arith.index_cast %mul3A_264 : i32 to index
        %get3A_406 = tpu.vector_load %arg13[%get3A_404, %get3A_405] {strides = array<i32>} : memref<16x768xf32, #tpu.memory_space<vmem>>, vector<16xf32>,
        %get3A_407 = arith.constant 5 : i32
        %get3A_408 = arith.index_cast %get3A_407 : i32 to index
        %get3A_409 = arith.index_cast %mul3A_264 : i32 to index
        %get3A_410 = tpu.vector_load %arg16[%get3A_408, %get3A_409] {strides = array<i32>} : memref<16x768xf32, #tpu.memory_space<vmem>>, vector<16xf32>,
        %add3A_411 = arith.addf %get3A_406, %get3A_410 : vector<16xf32>
        %add3A_412 = arith.addf %add3A_411, %add3A_402 : vector<16xf32>
        %swap3A_413 = arith.constant 5 : i32
        %swap3A_414 = arith.index_cast %swap3A_413 : i32 to index
        %swap3A_415 = arith.index_cast %mul3A_264 : i32 to index
        %swap3A_416 = tpu.vector_load %arg19[%swap3A_414, %swap3A_415] {strides = array<i32>} : memref<16x768xf32, #tpu.memory_space<vmem>>, vector<16xf32>,
        tpu.vector_store %arg19[%swap3A_414, %swap3A_415], %add3A_412 {strides = array<i32>} : memref<16x768xf32, #tpu.memory_space<vmem>>, vector<16xf32>,
        %slice3A_417 = vector.extract_strided_slice %convert_element_type3A_233 {offsets = [6], sizes = [1], strides = [1]} : vector<16xf32> to vector<1xf32>
        %squeeze3A_418 = vector.extract %slice3A_417[0] : f32 from vector<1xf32>
        %broadcast_in_dim3A_419 = vector.broadcast %squeeze3A_418 : f32 to vector<16xf32>
        %slice3A_420 = vector.extract_strided_slice %convert_element_type3A_238 {offsets = [6], sizes = [1], strides = [1]} : vector<16xf32> to vector<1xf32>
        %squeeze3A_421 = vector.extract %slice3A_420[0] : f32 from vector<1xf32>
        %broadcast_in_dim3A_422 = vector.broadcast %squeeze3A_421 : f32 to vector<16xf32>
        %mul3A_423 = arith.mulf %broadcast_in_dim3A_419, %get3A_272 : vector<16xf32>
        %add3A_424 = arith.addf %get3A_268, %mul3A_423 : vector<16xf32>
        %mul3A_425 = arith.mulf %broadcast_in_dim3A_422, %get3A_276 : vector<16xf32>
        %add3A_426 = arith.addf %add3A_424, %mul3A_425 : vector<16xf32>
        %get3A_427 = arith.constant 6 : i32
        %get3A_428 = arith.index_cast %get3A_427 : i32 to index
        %get3A_429 = arith.index_cast %mul3A_264 : i32 to index
        %get3A_430 = tpu.vector_load %arg13[%get3A_428, %get3A_429] {strides = array<i32>} : memref<16x768xf32, #tpu.memory_space<vmem>>, vector<16xf32>,
        %get3A_431 = arith.constant 6 : i32
        %get3A_432 = arith.index_cast %get3A_431 : i32 to index
        %get3A_433 = arith.index_cast %mul3A_264 : i32 to index
        %get3A_434 = tpu.vector_load %arg16[%get3A_432, %get3A_433] {strides = array<i32>} : memref<16x768xf32, #tpu.memory_space<vmem>>, vector<16xf32>,
        %add3A_435 = arith.addf %get3A_430, %get3A_434 : vector<16xf32>
        %add3A_436 = arith.addf %add3A_435, %add3A_426 : vector<16xf32>
        %swap3A_437 = arith.constant 6 : i32
        %swap3A_438 = arith.index_cast %swap3A_437 : i32 to index
        %swap3A_439 = arith.index_cast %mul3A_264 : i32 to index
        %swap3A_440 = tpu.vector_load %arg19[%swap3A_438, %swap3A_439] {strides = array<i32>} : memref<16x768xf32, #tpu.memory_space<vmem>>, vector<16xf32>,
        tpu.vector_store %arg19[%swap3A_438, %swap3A_439], %add3A_436 {strides = array<i32>} : memref<16x768xf32, #tpu.memory_space<vmem>>, vector<16xf32>,
        %slice3A_441 = vector.extract_strided_slice %convert_element_type3A_233 {offsets = [7], sizes = [1], strides = [1]} : vector<16xf32> to vector<1xf32>
        %squeeze3A_442 = vector.extract %slice3A_441[0] : f32 from vector<1xf32>
        %broadcast_in_dim3A_443 = vector.broadcast %squeeze3A_442 : f32 to vector<16xf32>
        %slice3A_444 = vector.extract_strided_slice %convert_element_type3A_238 {offsets = [7], sizes = [1], strides = [1]} : vector<16xf32> to vector<1xf32>
        %squeeze3A_445 = vector.extract %slice3A_444[0] : f32 from vector<1xf32>
        %broadcast_in_dim3A_446 = vector.broadcast %squeeze3A_445 : f32 to vector<16xf32>
        %mul3A_447 = arith.mulf %broadcast_in_dim3A_443, %get3A_272 : vector<16xf32>
        %add3A_448 = arith.addf %get3A_268, %mul3A_447 : vector<16xf32>
        %mul3A_449 = arith.mulf %broadcast_in_dim3A_446, %get3A_276 : vector<16xf32>
        %add3A_450 = arith.addf %add3A_448, %mul3A_449 : vector<16xf32>
        %get3A_451 = arith.constant 7 : i32
        %get3A_452 = arith.index_cast %get3A_451 : i32 to index
        %get3A_453 = arith.index_cast %mul3A_264 : i32 to index
        %get3A_454 = tpu.vector_load %arg13[%get3A_452, %get3A_453] {strides = array<i32>} : memref<16x768xf32, #tpu.memory_space<vmem>>, vector<16xf32>,
        %get3A_455 = arith.constant 7 : i32
        %get3A_456 = arith.index_cast %get3A_455 : i32 to index
        %get3A_457 = arith.index_cast %mul3A_264 : i32 to index
        %get3A_458 = tpu.vector_load %arg16[%get3A_456, %get3A_457] {strides = array<i32>} : memref<16x768xf32, #tpu.memory_space<vmem>>, vector<16xf32>,
        %add3A_459 = arith.addf %get3A_454, %get3A_458 : vector<16xf32>
        %add3A_460 = arith.addf %add3A_459, %add3A_450 : vector<16xf32>
        %swap3A_461 = arith.constant 7 : i32
        %swap3A_462 = arith.index_cast %swap3A_461 : i32 to index
        %swap3A_463 = arith.index_cast %mul3A_264 : i32 to index
        %swap3A_464 = tpu.vector_load %arg19[%swap3A_462, %swap3A_463] {strides = array<i32>} : memref<16x768xf32, #tpu.memory_space<vmem>>, vector<16xf32>,
        tpu.vector_store %arg19[%swap3A_462, %swap3A_463], %add3A_460 {strides = array<i32>} : memref<16x768xf32, #tpu.memory_space<vmem>>, vector<16xf32>,
        %slice3A_465 = vector.extract_strided_slice %convert_element_type3A_233 {offsets = [8], sizes = [1], strides = [1]} : vector<16xf32> to vector<1xf32>
        %squeeze3A_466 = vector.extract %slice3A_465[0] : f32 from vector<1xf32>
        %broadcast_in_dim3A_467 = vector.broadcast %squeeze3A_466 : f32 to vector<16xf32>
        %slice3A_468 = vector.extract_strided_slice %convert_element_type3A_238 {offsets = [8], sizes = [1], strides = [1]} : vector<16xf32> to vector<1xf32>
        %squeeze3A_469 = vector.extract %slice3A_468[0] : f32 from vector<1xf32>
        %broadcast_in_dim3A_470 = vector.broadcast %squeeze3A_469 : f32 to vector<16xf32>
        %mul3A_471 = arith.mulf %broadcast_in_dim3A_467, %get3A_272 : vector<16xf32>
        %add3A_472 = arith.addf %get3A_268, %mul3A_471 : vector<16xf32>
        %mul3A_473 = arith.mulf %broadcast_in_dim3A_470, %get3A_276 : vector<16xf32>
        %add3A_474 = arith.addf %add3A_472, %mul3A_473 : vector<16xf32>
        %get3A_475 = arith.constant 8 : i32
        %get3A_476 = arith.index_cast %get3A_475 : i32 to index
        %get3A_477 = arith.index_cast %mul3A_264 : i32 to index
        %get3A_478 = tpu.vector_load %arg13[%get3A_476, %get3A_477] {strides = array<i32>} : memref<16x768xf32, #tpu.memory_space<vmem>>, vector<16xf32>,
        %get3A_479 = arith.constant 8 : i32
        %get3A_480 = arith.index_cast %get3A_479 : i32 to index
        %get3A_481 = arith.index_cast %mul3A_264 : i32 to index
        %get3A_482 = tpu.vector_load %arg16[%get3A_480, %get3A_481] {strides = array<i32>} : memref<16x768xf32, #tpu.memory_space<vmem>>, vector<16xf32>,
        %add3A_483 = arith.addf %get3A_478, %get3A_482 : vector<16xf32>
        %add3A_484 = arith.addf %add3A_483, %add3A_474 : vector<16xf32>
        %swap3A_485 = arith.constant 8 : i32
        %swap3A_486 = arith.index_cast %swap3A_485 : i32 to index
        %swap3A_487 = arith.index_cast %mul3A_264 : i32 to index
        %swap3A_488 = tpu.vector_load %arg19[%swap3A_486, %swap3A_487] {strides = array<i32>} : memref<16x768xf32, #tpu.memory_space<vmem>>, vector<16xf32>,
        tpu.vector_store %arg19[%swap3A_486, %swap3A_487], %add3A_484 {strides = array<i32>} : memref<16x768xf32, #tpu.memory_space<vmem>>, vector<16xf32>,
        %slice3A_489 = vector.extract_strided_slice %convert_element_type3A_233 {offsets = [9], sizes = [1], strides = [1]} : vector<16xf32> to vector<1xf32>
        %squeeze3A_490 = vector.extract %slice3A_489[0] : f32 from vector<1xf32>
        %broadcast_in_dim3A_491 = vector.broadcast %squeeze3A_490 : f32 to vector<16xf32>
        %slice3A_492 = vector.extract_strided_slice %convert_element_type3A_238 {offsets = [9], sizes = [1], strides = [1]} : vector<16xf32> to vector<1xf32>
        %squeeze3A_493 = vector.extract %slice3A_492[0] : f32 from vector<1xf32>
        %broadcast_in_dim3A_494 = vector.broadcast %squeeze3A_493 : f32 to vector<16xf32>
        %mul3A_495 = arith.mulf %broadcast_in_dim3A_491, %get3A_272 : vector<16xf32>
        %add3A_496 = arith.addf %get3A_268, %mul3A_495 : vector<16xf32>
        %mul3A_497 = arith.mulf %broadcast_in_dim3A_494, %get3A_276 : vector<16xf32>
        %add3A_498 = arith.addf %add3A_496, %mul3A_497 : vector<16xf32>
        %get3A_499 = arith.constant 9 : i32
        %get3A_500 = arith.index_cast %get3A_499 : i32 to index
        %get3A_501 = arith.index_cast %mul3A_264 : i32 to index
        %get3A_502 = tpu.vector_load %arg13[%get3A_500, %get3A_501] {strides = array<i32>} : memref<16x768xf32, #tpu.memory_space<vmem>>, vector<16xf32>,
        %get3A_503 = arith.constant 9 : i32
        %get3A_504 = arith.index_cast %get3A_503 : i32 to index
        %get3A_505 = arith.index_cast %mul3A_264 : i32 to index
        %get3A_506 = tpu.vector_load %arg16[%get3A_504, %get3A_505] {strides = array<i32>} : memref<16x768xf32, #tpu.memory_space<vmem>>, vector<16xf32>,
        %add3A_507 = arith.addf %get3A_502, %get3A_506 : vector<16xf32>
        %add3A_508 = arith.addf %add3A_507, %add3A_498 : vector<16xf32>
        %swap3A_509 = arith.constant 9 : i32
        %swap3A_510 = arith.index_cast %swap3A_509 : i32 to index
        %swap3A_511 = arith.index_cast %mul3A_264 : i32 to index
        %swap3A_512 = tpu.vector_load %arg19[%swap3A_510, %swap3A_511] {strides = array<i32>} : memref<16x768xf32, #tpu.memory_space<vmem>>, vector<16xf32>,
        tpu.vector_store %arg19[%swap3A_510, %swap3A_511], %add3A_508 {strides = array<i32>} : memref<16x768xf32, #tpu.memory_space<vmem>>, vector<16xf32>,
        %slice3A_513 = vector.extract_strided_slice %convert_element_type3A_233 {offsets = [10], sizes = [1], strides = [1]} : vector<16xf32> to vector<1xf32>
        %squeeze3A_514 = vector.extract %slice3A_513[0] : f32 from vector<1xf32>
        %broadcast_in_dim3A_515 = vector.broadcast %squeeze3A_514 : f32 to vector<16xf32>
        %slice3A_516 = vector.extract_strided_slice %convert_element_type3A_238 {offsets = [10], sizes = [1], strides = [1]} : vector<16xf32> to vector<1xf32>
        %squeeze3A_517 = vector.extract %slice3A_516[0] : f32 from vector<1xf32>
        %broadcast_in_dim3A_518 = vector.broadcast %squeeze3A_517 : f32 to vector<16xf32>
        %mul3A_519 = arith.mulf %broadcast_in_dim3A_515, %get3A_272 : vector<16xf32>
        %add3A_520 = arith.addf %get3A_268, %mul3A_519 : vector<16xf32>
        %mul3A_521 = arith.mulf %broadcast_in_dim3A_518, %get3A_276 : vector<16xf32>
        %add3A_522 = arith.addf %add3A_520, %mul3A_521 : vector<16xf32>
        %get3A_523 = arith.constant 10 : i32
        %get3A_524 = arith.index_cast %get3A_523 : i32 to index
        %get3A_525 = arith.index_cast %mul3A_264 : i32 to index
        %get3A_526 = tpu.vector_load %arg13[%get3A_524, %get3A_525] {strides = array<i32>} : memref<16x768xf32, #tpu.memory_space<vmem>>, vector<16xf32>,
        %get3A_527 = arith.constant 10 : i32
        %get3A_528 = arith.index_cast %get3A_527 : i32 to index
        %get3A_529 = arith.index_cast %mul3A_264 : i32 to index
        %get3A_530 = tpu.vector_load %arg16[%get3A_528, %get3A_529] {strides = array<i32>} : memref<16x768xf32, #tpu.memory_space<vmem>>, vector<16xf32>,
        %add3A_531 = arith.addf %get3A_526, %get3A_530 : vector<16xf32>
        %add3A_532 = arith.addf %add3A_531, %add3A_522 : vector<16xf32>
        %swap3A_533 = arith.constant 10 : i32
        %swap3A_534 = arith.index_cast %swap3A_533 : i32 to index
        %swap3A_535 = arith.index_cast %mul3A_264 : i32 to index
        %swap3A_536 = tpu.vector_load %arg19[%swap3A_534, %swap3A_535] {strides = array<i32>} : memref<16x768xf32, #tpu.memory_space<vmem>>, vector<16xf32>,
        tpu.vector_store %arg19[%swap3A_534, %swap3A_535], %add3A_532 {strides = array<i32>} : memref<16x768xf32, #tpu.memory_space<vmem>>, vector<16xf32>,
        %slice3A_537 = vector.extract_strided_slice %convert_element_type3A_233 {offsets = [11], sizes = [1], strides = [1]} : vector<16xf32> to vector<1xf32>
        %squeeze3A_538 = vector.extract %slice3A_537[0] : f32 from vector<1xf32>
        %broadcast_in_dim3A_539 = vector.broadcast %squeeze3A_538 : f32 to vector<16xf32>
        %slice3A_540 = vector.extract_strided_slice %convert_element_type3A_238 {offsets = [11], sizes = [1], strides = [1]} : vector<16xf32> to vector<1xf32>
        %squeeze3A_541 = vector.extract %slice3A_540[0] : f32 from vector<1xf32>
        %broadcast_in_dim3A_542 = vector.broadcast %squeeze3A_541 : f32 to vector<16xf32>
        %mul3A_543 = arith.mulf %broadcast_in_dim3A_539, %get3A_272 : vector<16xf32>
        %add3A_544 = arith.addf %get3A_268, %mul3A_543 : vector<16xf32>
        %mul3A_545 = arith.mulf %broadcast_in_dim3A_542, %get3A_276 : vector<16xf32>
        %add3A_546 = arith.addf %add3A_544, %mul3A_545 : vector<16xf32>
        %get3A_547 = arith.constant 11 : i32
        %get3A_548 = arith.index_cast %get3A_547 : i32 to index
        %get3A_549 = arith.index_cast %mul3A_264 : i32 to index
        %get3A_550 = tpu.vector_load %arg13[%get3A_548, %get3A_549] {strides = array<i32>} : memref<16x768xf32, #tpu.memory_space<vmem>>, vector<16xf32>,
        %get3A_551 = arith.constant 11 : i32
        %get3A_552 = arith.index_cast %get3A_551 : i32 to index
        %get3A_553 = arith.index_cast %mul3A_264 : i32 to index
        %get3A_554 = tpu.vector_load %arg16[%get3A_552, %get3A_553] {strides = array<i32>} : memref<16x768xf32, #tpu.memory_space<vmem>>, vector<16xf32>,
        %add3A_555 = arith.addf %get3A_550, %get3A_554 : vector<16xf32>
        %add3A_556 = arith.addf %add3A_555, %add3A_546 : vector<16xf32>
        %swap3A_557 = arith.constant 11 : i32
        %swap3A_558 = arith.index_cast %swap3A_557 : i32 to index
        %swap3A_559 = arith.index_cast %mul3A_264 : i32 to index
        %swap3A_560 = tpu.vector_load %arg19[%swap3A_558, %swap3A_559] {strides = array<i32>} : memref<16x768xf32, #tpu.memory_space<vmem>>, vector<16xf32>,
        tpu.vector_store %arg19[%swap3A_558, %swap3A_559], %add3A_556 {strides = array<i32>} : memref<16x768xf32, #tpu.memory_space<vmem>>, vector<16xf32>,
        %slice3A_561 = vector.extract_strided_slice %convert_element_type3A_233 {offsets = [12], sizes = [1], strides = [1]} : vector<16xf32> to vector<1xf32>
        %squeeze3A_562 = vector.extract %slice3A_561[0] : f32 from vector<1xf32>
        %broadcast_in_dim3A_563 = vector.broadcast %squeeze3A_562 : f32 to vector<16xf32>
        %slice3A_564 = vector.extract_strided_slice %convert_element_type3A_238 {offsets = [12], sizes = [1], strides = [1]} : vector<16xf32> to vector<1xf32>
        %squeeze3A_565 = vector.extract %slice3A_564[0] : f32 from vector<1xf32>
        %broadcast_in_dim3A_566 = vector.broadcast %squeeze3A_565 : f32 to vector<16xf32>
        %mul3A_567 = arith.mulf %broadcast_in_dim3A_563, %get3A_272 : vector<16xf32>
        %add3A_568 = arith.addf %get3A_268, %mul3A_567 : vector<16xf32>
        %mul3A_569 = arith.mulf %broadcast_in_dim3A_566, %get3A_276 : vector<16xf32>
        %add3A_570 = arith.addf %add3A_568, %mul3A_569 : vector<16xf32>
        %get3A_571 = arith.constant 12 : i32
        %get3A_572 = arith.index_cast %get3A_571 : i32 to index
        %get3A_573 = arith.index_cast %mul3A_264 : i32 to index
        %get3A_574 = tpu.vector_load %arg13[%get3A_572, %get3A_573] {strides = array<i32>} : memref<16x768xf32, #tpu.memory_space<vmem>>, vector<16xf32>,
        %get3A_575 = arith.constant 12 : i32
        %get3A_576 = arith.index_cast %get3A_575 : i32 to index
        %get3A_577 = arith.index_cast %mul3A_264 : i32 to index
        %get3A_578 = tpu.vector_load %arg16[%get3A_576, %get3A_577] {strides = array<i32>} : memref<16x768xf32, #tpu.memory_space<vmem>>, vector<16xf32>,
        %add3A_579 = arith.addf %get3A_574, %get3A_578 : vector<16xf32>
        %add3A_580 = arith.addf %add3A_579, %add3A_570 : vector<16xf32>
        %swap3A_581 = arith.constant 12 : i32
        %swap3A_582 = arith.index_cast %swap3A_581 : i32 to index
        %swap3A_583 = arith.index_cast %mul3A_264 : i32 to index
        %swap3A_584 = tpu.vector_load %arg19[%swap3A_582, %swap3A_583] {strides = array<i32>} : memref<16x768xf32, #tpu.memory_space<vmem>>, vector<16xf32>,
        tpu.vector_store %arg19[%swap3A_582, %swap3A_583], %add3A_580 {strides = array<i32>} : memref<16x768xf32, #tpu.memory_space<vmem>>, vector<16xf32>,
        %slice3A_585 = vector.extract_strided_slice %convert_element_type3A_233 {offsets = [13], sizes = [1], strides = [1]} : vector<16xf32> to vector<1xf32>
        %squeeze3A_586 = vector.extract %slice3A_585[0] : f32 from vector<1xf32>
        %broadcast_in_dim3A_587 = vector.broadcast %squeeze3A_586 : f32 to vector<16xf32>
        %slice3A_588 = vector.extract_strided_slice %convert_element_type3A_238 {offsets = [13], sizes = [1], strides = [1]} : vector<16xf32> to vector<1xf32>
        %squeeze3A_589 = vector.extract %slice3A_588[0] : f32 from vector<1xf32>
        %broadcast_in_dim3A_590 = vector.broadcast %squeeze3A_589 : f32 to vector<16xf32>
        %mul3A_591 = arith.mulf %broadcast_in_dim3A_587, %get3A_272 : vector<16xf32>
        %add3A_592 = arith.addf %get3A_268, %mul3A_591 : vector<16xf32>
        %mul3A_593 = arith.mulf %broadcast_in_dim3A_590, %get3A_276 : vector<16xf32>
        %add3A_594 = arith.addf %add3A_592, %mul3A_593 : vector<16xf32>
        %get3A_595 = arith.constant 13 : i32
        %get3A_596 = arith.index_cast %get3A_595 : i32 to index
        %get3A_597 = arith.index_cast %mul3A_264 : i32 to index
        %get3A_598 = tpu.vector_load %arg13[%get3A_596, %get3A_597] {strides = array<i32>} : memref<16x768xf32, #tpu.memory_space<vmem>>, vector<16xf32>,
        %get3A_599 = arith.constant 13 : i32
        %get3A_600 = arith.index_cast %get3A_599 : i32 to index
        %get3A_601 = arith.index_cast %mul3A_264 : i32 to index
        %get3A_602 = tpu.vector_load %arg16[%get3A_600, %get3A_601] {strides = array<i32>} : memref<16x768xf32, #tpu.memory_space<vmem>>, vector<16xf32>,
        %add3A_603 = arith.addf %get3A_598, %get3A_602 : vector<16xf32>
        %add3A_604 = arith.addf %add3A_603, %add3A_594 : vector<16xf32>
        %swap3A_605 = arith.constant 13 : i32
        %swap3A_606 = arith.index_cast %swap3A_605 : i32 to index
        %swap3A_607 = arith.index_cast %mul3A_264 : i32 to index
        %swap3A_608 = tpu.vector_load %arg19[%swap3A_606, %swap3A_607] {strides = array<i32>} : memref<16x768xf32, #tpu.memory_space<vmem>>, vector<16xf32>,
        tpu.vector_store %arg19[%swap3A_606, %swap3A_607], %add3A_604 {strides = array<i32>} : memref<16x768xf32, #tpu.memory_space<vmem>>, vector<16xf32>,
        %slice3A_609 = vector.extract_strided_slice %convert_element_type3A_233 {offsets = [14], sizes = [1], strides = [1]} : vector<16xf32> to vector<1xf32>
        %squeeze3A_610 = vector.extract %slice3A_609[0] : f32 from vector<1xf32>
        %broadcast_in_dim3A_611 = vector.broadcast %squeeze3A_610 : f32 to vector<16xf32>
        %slice3A_612 = vector.extract_strided_slice %convert_element_type3A_238 {offsets = [14], sizes = [1], strides = [1]} : vector<16xf32> to vector<1xf32>
        %squeeze3A_613 = vector.extract %slice3A_612[0] : f32 from vector<1xf32>
        %broadcast_in_dim3A_614 = vector.broadcast %squeeze3A_613 : f32 to vector<16xf32>
        %mul3A_615 = arith.mulf %broadcast_in_dim3A_611, %get3A_272 : vector<16xf32>
        %add3A_616 = arith.addf %get3A_268, %mul3A_615 : vector<16xf32>
        %mul3A_617 = arith.mulf %broadcast_in_dim3A_614, %get3A_276 : vector<16xf32>
        %add3A_618 = arith.addf %add3A_616, %mul3A_617 : vector<16xf32>
        %get3A_619 = arith.constant 14 : i32
        %get3A_620 = arith.index_cast %get3A_619 : i32 to index
        %get3A_621 = arith.index_cast %mul3A_264 : i32 to index
        %get3A_622 = tpu.vector_load %arg13[%get3A_620, %get3A_621] {strides = array<i32>} : memref<16x768xf32, #tpu.memory_space<vmem>>, vector<16xf32>,
        %get3A_623 = arith.constant 14 : i32
        %get3A_624 = arith.index_cast %get3A_623 : i32 to index
        %get3A_625 = arith.index_cast %mul3A_264 : i32 to index
        %get3A_626 = tpu.vector_load %arg16[%get3A_624, %get3A_625] {strides = array<i32>} : memref<16x768xf32, #tpu.memory_space<vmem>>, vector<16xf32>,
        %add3A_627 = arith.addf %get3A_622, %get3A_626 : vector<16xf32>
        %add3A_628 = arith.addf %add3A_627, %add3A_618 : vector<16xf32>
        %swap3A_629 = arith.constant 14 : i32
        %swap3A_630 = arith.index_cast %swap3A_629 : i32 to index
        %swap3A_631 = arith.index_cast %mul3A_264 : i32 to index
        %swap3A_632 = tpu.vector_load %arg19[%swap3A_630, %swap3A_631] {strides = array<i32>} : memref<16x768xf32, #tpu.memory_space<vmem>>, vector<16xf32>,
        tpu.vector_store %arg19[%swap3A_630, %swap3A_631], %add3A_628 {strides = array<i32>} : memref<16x768xf32, #tpu.memory_space<vmem>>, vector<16xf32>,
        %slice3A_633 = vector.extract_strided_slice %convert_element_type3A_233 {offsets = [15], sizes = [1], strides = [1]} : vector<16xf32> to vector<1xf32>
        %squeeze3A_634 = vector.extract %slice3A_633[0] : f32 from vector<1xf32>
        %broadcast_in_dim3A_635 = vector.broadcast %squeeze3A_634 : f32 to vector<16xf32>
        %slice3A_636 = vector.extract_strided_slice %convert_element_type3A_238 {offsets = [15], sizes = [1], strides = [1]} : vector<16xf32> to vector<1xf32>
        %squeeze3A_637 = vector.extract %slice3A_636[0] : f32 from vector<1xf32>
        %broadcast_in_dim3A_638 = vector.broadcast %squeeze3A_637 : f32 to vector<16xf32>
        %mul3A_639 = arith.mulf %broadcast_in_dim3A_635, %get3A_272 : vector<16xf32>
        %add3A_640 = arith.addf %get3A_268, %mul3A_639 : vector<16xf32>
        %mul3A_641 = arith.mulf %broadcast_in_dim3A_638, %get3A_276 : vector<16xf32>
        %add3A_642 = arith.addf %add3A_640, %mul3A_641 : vector<16xf32>
        %get3A_643 = arith.constant 15 : i32
        %get3A_644 = arith.index_cast %get3A_643 : i32 to index
        %get3A_645 = arith.index_cast %mul3A_264 : i32 to index
        %get3A_646 = tpu.vector_load %arg13[%get3A_644, %get3A_645] {strides = array<i32>} : memref<16x768xf32, #tpu.memory_space<vmem>>, vector<16xf32>,
        %get3A_647 = arith.constant 15 : i32
        %get3A_648 = arith.index_cast %get3A_647 : i32 to index
        %get3A_649 = arith.index_cast %mul3A_264 : i32 to index
        %get3A_650 = tpu.vector_load %arg16[%get3A_648, %get3A_649] {strides = array<i32>} : memref<16x768xf32, #tpu.memory_space<vmem>>, vector<16xf32>,
        %add3A_651 = arith.addf %get3A_646, %get3A_650 : vector<16xf32>
        %add3A_652 = arith.addf %add3A_651, %add3A_642 : vector<16xf32>
        %swap3A_653 = arith.constant 15 : i32
        %swap3A_654 = arith.index_cast %swap3A_653 : i32 to index
        %swap3A_655 = arith.index_cast %mul3A_264 : i32 to index
        %swap3A_656 = tpu.vector_load %arg19[%swap3A_654, %swap3A_655] {strides = array<i32>} : memref<16x768xf32, #tpu.memory_space<vmem>>, vector<16xf32>,
        tpu.vector_store %arg19[%swap3A_654, %swap3A_655], %add3A_652 {strides = array<i32>} : memref<16x768xf32, #tpu.memory_space<vmem>>, vector<16xf32>,
        %scan3A_657 = arith.constant 0 : i32
        scf.yield %scan3A_657 : i32
      }
      %scan3A_245 = arith.constant 48 : i32
      %add3A_246 = arith.constant 3 : i32
      %add3A_247 = arith.addi %add3A_207, %add3A_246 : i32
      %lt3A_248 = arith.constant 400 : i32
      %lt3A_249 = arith.cmpi slt, %add3A_247, %lt3A_248 : i32
      %convert_element_type3A_250 = arith.extui %lt3A_249 : i1 to i32
      %cond3A_251 = arith.constant 0 : i32
      %cond3A_252 = arith.cmpi ne, %convert_element_type3A_250, %cond3A_251 : i32
      scf.if %cond3A_252 {
        %add3A_261 = arith.constant 3 : i32
        %add3A_262 = arith.addi %add3A_207, %add3A_261 : i32
        %mul3A_263 = arith.constant 16 : i32
        %mul3A_264 = arith.muli %add3A_262, %mul3A_263 : i32
        %dma_start3A_265 = tpu.memref_slice %arg8[%mul3A_264] : memref<6400xi32, #tpu.memory_space<vmem>> -> memref<16xi32, #tpu.memory_space<vmem>>
        %dma_start3A_266 = arith.constant 0 : i32
        %dma_start3A_267 = arith.constant 0 : i32
        %dma_start3A_268 = tpu.memref_slice %arg4[%dma_start3A_266, %dma_start3A_267] : memref<100000x768xf32, #tpu.memory_space<hbm>> -> memref<100000x768xf32, #tpu.memory_space<hbm>>
        tpu.enqueue_indirect_dma source(%dma_start3A_268 : memref<100000x768xf32, #tpu.memory_space<hbm>>) target(%arg13 : memref<16x768xf32, #tpu.memory_space<vmem>>) offsets(%dma_start3A_265 : memref<16xi32, #tpu.memory_space<vmem>>) semaphore(%arg22 : memref<!tpu.dma_semaphore, #tpu.memory_space<semaphore_mem>>)
        %dma_start3A_269 = tpu.memref_slice %arg8[%mul3A_264] : memref<6400xi32, #tpu.memory_space<vmem>> -> memref<16xi32, #tpu.memory_space<vmem>>
        %dma_start3A_270 = arith.constant 0 : i32
        %dma_start3A_271 = arith.constant 0 : i32
        %dma_start3A_272 = tpu.memref_slice %arg5[%dma_start3A_270, %dma_start3A_271] : memref<100000x768xf32, #tpu.memory_space<hbm>> -> memref<100000x768xf32, #tpu.memory_space<hbm>>
        tpu.enqueue_indirect_dma source(%dma_start3A_272 : memref<100000x768xf32, #tpu.memory_space<hbm>>) target(%arg16 : memref<16x768xf32, #tpu.memory_space<vmem>>) offsets(%dma_start3A_269 : memref<16xi32, #tpu.memory_space<vmem>>) semaphore(%arg22 : memref<!tpu.dma_semaphore, #tpu.memory_space<semaphore_mem>>)
      } else {
      }
      %mul3A_253 = arith.constant 16 : i32
      %mul3A_254 = arith.muli %add3A_207, %mul3A_253 : i32
      %add3A_255 = arith.addi %mul3A_2, %mul3A_254 : i32
      %dma_start3A_256 = arith.constant 0 : i32
      %dma_start3A_257 = tpu.memref_slice %arg7[%add3A_255, %dma_start3A_256] : memref<204800x768xf32, #tpu.memory_space<hbm>> -> memref<16x768xf32, #tpu.memory_space<hbm>>
      %dma_start3A_258 = arith.constant 0 : i32
      %dma_start3A_259 = tpu.memref_slice %arg7[%add3A_255, %dma_start3A_258] : memref<204800x768xf32, #tpu.memory_space<hbm>> -> memref<16x768xf32, #tpu.memory_space<hbm>>
      tpu.enqueue_dma source(%arg19 : memref<16x768xf32, #tpu.memory_space<vmem>>) target(%dma_start3A_259 : memref<16x768xf32, #tpu.memory_space<hbm>>) target_semaphore(%arg25 : memref<!tpu.dma_semaphore, #tpu.memory_space<semaphore_mem>>)
      %scan3A_260 = arith.constant 0 : i32
      scf.yield %scan3A_260 : i32
    }
    %scan3A_44 = arith.constant 133 : i32
    %dma_wait3A = arith.constant 0 : i32
    %dma_wait3A_45 = arith.constant 0 : i32
    %dma_wait3A_46 = tpu.memref_slice %arg4[%dma_wait3A, %dma_wait3A_45] : memref<100000x768xf32, #tpu.memory_space<hbm>> -> memref<16x768xf32, #tpu.memory_space<hbm>>
    %dma_wait3A_47 = arith.constant 0 : i32
    %dma_wait3A_48 = arith.constant 0 : i32
    %dma_wait3A_49 = tpu.memref_slice %arg4[%dma_wait3A_47, %dma_wait3A_48] : memref<100000x768xf32, #tpu.memory_space<hbm>> -> memref<16x768xf32, #tpu.memory_space<hbm>>
    tpu.wait_dma2 semaphore(%arg20 : memref<!tpu.dma_semaphore, #tpu.memory_space<semaphore_mem>>) src(%dma_wait3A_49 : memref<16x768xf32, #tpu.memory_space<hbm>>) dst(%arg11 : memref<16x768xf32, #tpu.memory_space<vmem>>)
    %dma_wait3A_50 = arith.constant 0 : i32
    %dma_wait3A_51 = arith.constant 0 : i32
    %dma_wait3A_52 = tpu.memref_slice %arg4[%dma_wait3A_50, %dma_wait3A_51] : memref<100000x768xf32, #tpu.memory_space<hbm>> -> memref<16x768xf32, #tpu.memory_space<hbm>>
    %dma_wait3A_53 = arith.constant 0 : i32
    %dma_wait3A_54 = arith.constant 0 : i32
    %dma_wait3A_55 = tpu.memref_slice %arg4[%dma_wait3A_53, %dma_wait3A_54] : memref<100000x768xf32, #tpu.memory_space<hbm>> -> memref<16x768xf32, #tpu.memory_space<hbm>>
    tpu.wait_dma2 semaphore(%arg20 : memref<!tpu.dma_semaphore, #tpu.memory_space<semaphore_mem>>) src(%dma_wait3A_55 : memref<16x768xf32, #tpu.memory_space<hbm>>) dst(%arg14 : memref<16x768xf32, #tpu.memory_space<vmem>>)
    %dma_wait3A_56 = arith.constant 0 : i32
    %dma_wait3A_57 = tpu.memref_slice %arg7[%mul3A_2, %dma_wait3A_56] : memref<204800x768xf32, #tpu.memory_space<hbm>> -> memref<16x768xf32, #tpu.memory_space<hbm>>
    %dma_wait3A_58 = arith.constant 0 : i32
    %dma_wait3A_59 = tpu.memref_slice %arg7[%mul3A_2, %dma_wait3A_58] : memref<204800x768xf32, #tpu.memory_space<hbm>> -> memref<16x768xf32, #tpu.memory_space<hbm>>
    tpu.wait_dma2 semaphore(%arg23 : memref<!tpu.dma_semaphore, #tpu.memory_space<semaphore_mem>>) src(%dma_wait3A_59 : memref<16x768xf32, #tpu.memory_space<hbm>>) dst(%arg17 : memref<16x768xf32, #tpu.memory_space<vmem>>)
    %get3A = arith.constant 6384 : index
    %get3A_60 = tpu.vector_load %arg9[%get3A] {strides = array<i32>} : memref<6400xi32, #tpu.memory_space<vmem>>, vector<16xi32>,
    %ge3A = arith.constant 1 : i32
    %ge3A_61 = vector.broadcast %ge3A : i32 to vector<16xi32>
    %ge3A_62 = arith.cmpi sge, %get3A_60, %ge3A_61 : vector<16xi32>
    %convert_element_type3A = arith.extui %ge3A_62 : vector<16xi1> to vector<16xi32>
    %convert_element_type3A_63 = arith.sitofp %convert_element_type3A : vector<16xi32> to vector<16xf32>
    %ge3A_64 = arith.constant 2 : i32
    %ge3A_65 = vector.broadcast %ge3A_64 : i32 to vector<16xi32>
    %ge3A_66 = arith.cmpi sge, %get3A_60, %ge3A_65 : vector<16xi32>
    %convert_element_type3A_67 = arith.extui %ge3A_66 : vector<16xi1> to vector<16xi32>
    %convert_element_type3A_68 = arith.sitofp %convert_element_type3A_67 : vector<16xi32> to vector<16xf32>
    %scan3A_69 = arith.constant 0 : i32
    %scan3A_70 = arith.constant 0 : i32
    %scan3A_71 = arith.constant 48 : i32
    %scan3A_72 = arith.addi %scan3A_70, %scan3A_71 : i32
    %scan3A_73 = arith.constant 1 : i32
    %scan3A_74 = scf.for %scan3A_94 = %scan3A_70 to %scan3A_72 step %scan3A_73 iter_args(%scan3A_95 = %scan3A_69) -> (i32)  : i32 {
      %mul3A_96 = arith.constant 16 : i32
      %mul3A_97 = arith.muli %scan3A_94, %mul3A_96 : i32
      %get3A_98 = arith.constant 0 : i32
      %get3A_99 = arith.index_cast %get3A_98 : i32 to index
      %get3A_100 = arith.index_cast %mul3A_97 : i32 to index
      %get3A_101 = tpu.vector_load %arg10[%get3A_99, %get3A_100] {strides = array<i32>} : memref<8x768xf32, #tpu.memory_space<vmem>>, vector<16xf32>,
      %get3A_102 = arith.constant 1 : i32
      %get3A_103 = arith.index_cast %get3A_102 : i32 to index
      %get3A_104 = arith.index_cast %mul3A_97 : i32 to index
      %get3A_105 = tpu.vector_load %arg10[%get3A_103, %get3A_104] {strides = array<i32>} : memref<8x768xf32, #tpu.memory_space<vmem>>, vector<16xf32>,
      %get3A_106 = arith.constant 2 : i32
      %get3A_107 = arith.index_cast %get3A_106 : i32 to index
      %get3A_108 = arith.index_cast %mul3A_97 : i32 to index
      %get3A_109 = tpu.vector_load %arg10[%get3A_107, %get3A_108] {strides = array<i32>} : memref<8x768xf32, #tpu.memory_space<vmem>>, vector<16xf32>,
      %slice3A = vector.extract_strided_slice %convert_element_type3A_63 {offsets = [0], sizes = [1], strides = [1]} : vector<16xf32> to vector<1xf32>
      %squeeze3A = vector.extract %slice3A[0] : f32 from vector<1xf32>
      %broadcast_in_dim3A = vector.broadcast %squeeze3A : f32 to vector<16xf32>
      %slice3A_110 = vector.extract_strided_slice %convert_element_type3A_68 {offsets = [0], sizes = [1], strides = [1]} : vector<16xf32> to vector<1xf32>
      %squeeze3A_111 = vector.extract %slice3A_110[0] : f32 from vector<1xf32>
      %broadcast_in_dim3A_112 = vector.broadcast %squeeze3A_111 : f32 to vector<16xf32>
      %mul3A_113 = arith.mulf %broadcast_in_dim3A, %get3A_105 : vector<16xf32>
      %add3A_114 = arith.addf %get3A_101, %mul3A_113 : vector<16xf32>
      %mul3A_115 = arith.mulf %broadcast_in_dim3A_112, %get3A_109 : vector<16xf32>
      %add3A_116 = arith.addf %add3A_114, %mul3A_115 : vector<16xf32>
      %get3A_117 = arith.constant 0 : i32
      %get3A_118 = arith.index_cast %get3A_117 : i32 to index
      %get3A_119 = arith.index_cast %mul3A_97 : i32 to index
      %get3A_120 = tpu.vector_load %arg11[%get3A_118, %get3A_119] {strides = array<i32>} : memref<16x768xf32, #tpu.memory_space<vmem>>, vector<16xf32>,
      %get3A_121 = arith.constant 0 : i32
      %get3A_122 = arith.index_cast %get3A_121 : i32 to index
      %get3A_123 = arith.index_cast %mul3A_97 : i32 to index
      %get3A_124 = tpu.vector_load %arg14[%get3A_122, %get3A_123] {strides = array<i32>} : memref<16x768xf32, #tpu.memory_space<vmem>>, vector<16xf32>,
      %add3A_125 = arith.addf %get3A_120, %get3A_124 : vector<16xf32>
      %add3A_126 = arith.addf %add3A_125, %add3A_116 : vector<16xf32>
      %swap3A = arith.constant 0 : i32
      %swap3A_127 = arith.index_cast %swap3A : i32 to index
      %swap3A_128 = arith.index_cast %mul3A_97 : i32 to index
      %swap3A_129 = tpu.vector_load %arg17[%swap3A_127, %swap3A_128] {strides = array<i32>} : memref<16x768xf32, #tpu.memory_space<vmem>>, vector<16xf32>,
      tpu.vector_store %arg17[%swap3A_127, %swap3A_128], %add3A_126 {strides = array<i32>} : memref<16x768xf32, #tpu.memory_space<vmem>>, vector<16xf32>,
      %slice3A_130 = vector.extract_strided_slice %convert_element_type3A_63 {offsets = [1], sizes = [1], strides = [1]} : vector<16xf32> to vector<1xf32>
      %squeeze3A_131 = vector.extract %slice3A_130[0] : f32 from vector<1xf32>
      %broadcast_in_dim3A_132 = vector.broadcast %squeeze3A_131 : f32 to vector<16xf32>
      %slice3A_133 = vector.extract_strided_slice %convert_element_type3A_68 {offsets = [1], sizes = [1], strides = [1]} : vector<16xf32> to vector<1xf32>
      %squeeze3A_134 = vector.extract %slice3A_133[0] : f32 from vector<1xf32>
      %broadcast_in_dim3A_135 = vector.broadcast %squeeze3A_134 : f32 to vector<16xf32>
      %mul3A_136 = arith.mulf %broadcast_in_dim3A_132, %get3A_105 : vector<16xf32>
      %add3A_137 = arith.addf %get3A_101, %mul3A_136 : vector<16xf32>
      %mul3A_138 = arith.mulf %broadcast_in_dim3A_135, %get3A_109 : vector<16xf32>
      %add3A_139 = arith.addf %add3A_137, %mul3A_138 : vector<16xf32>
      %get3A_140 = arith.constant 1 : i32
      %get3A_141 = arith.index_cast %get3A_140 : i32 to index
      %get3A_142 = arith.index_cast %mul3A_97 : i32 to index
      %get3A_143 = tpu.vector_load %arg11[%get3A_141, %get3A_142] {strides = array<i32>} : memref<16x768xf32, #tpu.memory_space<vmem>>, vector<16xf32>,
      %get3A_144 = arith.constant 1 : i32
      %get3A_145 = arith.index_cast %get3A_144 : i32 to index
      %get3A_146 = arith.index_cast %mul3A_97 : i32 to index
      %get3A_147 = tpu.vector_load %arg14[%get3A_145, %get3A_146] {strides = array<i32>} : memref<16x768xf32, #tpu.memory_space<vmem>>, vector<16xf32>,
      %add3A_148 = arith.addf %get3A_143, %get3A_147 : vector<16xf32>
      %add3A_149 = arith.addf %add3A_148, %add3A_139 : vector<16xf32>
      %swap3A_150 = arith.constant 1 : i32
      %swap3A_151 = arith.index_cast %swap3A_150 : i32 to index
      %swap3A_152 = arith.index_cast %mul3A_97 : i32 to index
      %swap3A_153 = tpu.vector_load %arg17[%swap3A_151, %swap3A_152] {strides = array<i32>} : memref<16x768xf32, #tpu.memory_space<vmem>>, vector<16xf32>,
      tpu.vector_store %arg17[%swap3A_151, %swap3A_152], %add3A_149 {strides = array<i32>} : memref<16x768xf32, #tpu.memory_space<vmem>>, vector<16xf32>,
      %slice3A_154 = vector.extract_strided_slice %convert_element_type3A_63 {offsets = [2], sizes = [1], strides = [1]} : vector<16xf32> to vector<1xf32>
      %squeeze3A_155 = vector.extract %slice3A_154[0] : f32 from vector<1xf32>
      %broadcast_in_dim3A_156 = vector.broadcast %squeeze3A_155 : f32 to vector<16xf32>
      %slice3A_157 = vector.extract_strided_slice %convert_element_type3A_68 {offsets = [2], sizes = [1], strides = [1]} : vector<16xf32> to vector<1xf32>
      %squeeze3A_158 = vector.extract %slice3A_157[0] : f32 from vector<1xf32>
      %broadcast_in_dim3A_159 = vector.broadcast %squeeze3A_158 : f32 to vector<16xf32>
      %mul3A_160 = arith.mulf %broadcast_in_dim3A_156, %get3A_105 : vector<16xf32>
      %add3A_161 = arith.addf %get3A_101, %mul3A_160 : vector<16xf32>
      %mul3A_162 = arith.mulf %broadcast_in_dim3A_159, %get3A_109 : vector<16xf32>
      %add3A_163 = arith.addf %add3A_161, %mul3A_162 : vector<16xf32>
      %get3A_164 = arith.constant 2 : i32
      %get3A_165 = arith.index_cast %get3A_164 : i32 to index
      %get3A_166 = arith.index_cast %mul3A_97 : i32 to index
      %get3A_167 = tpu.vector_load %arg11[%get3A_165, %get3A_166] {strides = array<i32>} : memref<16x768xf32, #tpu.memory_space<vmem>>, vector<16xf32>,
      %get3A_168 = arith.constant 2 : i32
      %get3A_169 = arith.index_cast %get3A_168 : i32 to index
      %get3A_170 = arith.index_cast %mul3A_97 : i32 to index
      %get3A_171 = tpu.vector_load %arg14[%get3A_169, %get3A_170] {strides = array<i32>} : memref<16x768xf32, #tpu.memory_space<vmem>>, vector<16xf32>,
      %add3A_172 = arith.addf %get3A_167, %get3A_171 : vector<16xf32>
      %add3A_173 = arith.addf %add3A_172, %add3A_163 : vector<16xf32>
      %swap3A_174 = arith.constant 2 : i32
      %swap3A_175 = arith.index_cast %swap3A_174 : i32 to index
      %swap3A_176 = arith.index_cast %mul3A_97 : i32 to index
      %swap3A_177 = tpu.vector_load %arg17[%swap3A_175, %swap3A_176] {strides = array<i32>} : memref<16x768xf32, #tpu.memory_space<vmem>>, vector<16xf32>,
      tpu.vector_store %arg17[%swap3A_175, %swap3A_176], %add3A_173 {strides = array<i32>} : memref<16x768xf32, #tpu.memory_space<vmem>>, vector<16xf32>,
      %slice3A_178 = vector.extract_strided_slice %convert_element_type3A_63 {offsets = [3], sizes = [1], strides = [1]} : vector<16xf32> to vector<1xf32>
      %squeeze3A_179 = vector.extract %slice3A_178[0] : f32 from vector<1xf32>
      %broadcast_in_dim3A_180 = vector.broadcast %squeeze3A_179 : f32 to vector<16xf32>
      %slice3A_181 = vector.extract_strided_slice %convert_element_type3A_68 {offsets = [3], sizes = [1], strides = [1]} : vector<16xf32> to vector<1xf32>
      %squeeze3A_182 = vector.extract %slice3A_181[0] : f32 from vector<1xf32>
      %broadcast_in_dim3A_183 = vector.broadcast %squeeze3A_182 : f32 to vector<16xf32>
      %mul3A_184 = arith.mulf %broadcast_in_dim3A_180, %get3A_105 : vector<16xf32>
      %add3A_185 = arith.addf %get3A_101, %mul3A_184 : vector<16xf32>
      %mul3A_186 = arith.mulf %broadcast_in_dim3A_183, %get3A_109 : vector<16xf32>
      %add3A_187 = arith.addf %add3A_185, %mul3A_186 : vector<16xf32>
      %get3A_188 = arith.constant 3 : i32
      %get3A_189 = arith.index_cast %get3A_188 : i32 to index
      %get3A_190 = arith.index_cast %mul3A_97 : i32 to index
      %get3A_191 = tpu.vector_load %arg11[%get3A_189, %get3A_190] {strides = array<i32>} : memref<16x768xf32, #tpu.memory_space<vmem>>, vector<16xf32>,
      %get3A_192 = arith.constant 3 : i32
      %get3A_193 = arith.index_cast %get3A_192 : i32 to index
      %get3A_194 = arith.index_cast %mul3A_97 : i32 to index
      %get3A_195 = tpu.vector_load %arg14[%get3A_193, %get3A_194] {strides = array<i32>} : memref<16x768xf32, #tpu.memory_space<vmem>>, vector<16xf32>,
      %add3A_196 = arith.addf %get3A_191, %get3A_195 : vector<16xf32>
      %add3A_197 = arith.addf %add3A_196, %add3A_187 : vector<16xf32>
      %swap3A_198 = arith.constant 3 : i32
      %swap3A_199 = arith.index_cast %swap3A_198 : i32 to index
      %swap3A_200 = arith.index_cast %mul3A_97 : i32 to index
      %swap3A_201 = tpu.vector_load %arg17[%swap3A_199, %swap3A_200] {strides = array<i32>} : memref<16x768xf32, #tpu.memory_space<vmem>>, vector<16xf32>,
      tpu.vector_store %arg17[%swap3A_199, %swap3A_200], %add3A_197 {strides = array<i32>} : memref<16x768xf32, #tpu.memory_space<vmem>>, vector<16xf32>,
      %slice3A_202 = vector.extract_strided_slice %convert_element_type3A_63 {offsets = [4], sizes = [1], strides = [1]} : vector<16xf32> to vector<1xf32>
      %squeeze3A_203 = vector.extract %slice3A_202[0] : f32 from vector<1xf32>
      %broadcast_in_dim3A_204 = vector.broadcast %squeeze3A_203 : f32 to vector<16xf32>
      %slice3A_205 = vector.extract_strided_slice %convert_element_type3A_68 {offsets = [4], sizes = [1], strides = [1]} : vector<16xf32> to vector<1xf32>
      %squeeze3A_206 = vector.extract %slice3A_205[0] : f32 from vector<1xf32>
      %broadcast_in_dim3A_207 = vector.broadcast %squeeze3A_206 : f32 to vector<16xf32>
      %mul3A_208 = arith.mulf %broadcast_in_dim3A_204, %get3A_105 : vector<16xf32>
      %add3A_209 = arith.addf %get3A_101, %mul3A_208 : vector<16xf32>
      %mul3A_210 = arith.mulf %broadcast_in_dim3A_207, %get3A_109 : vector<16xf32>
      %add3A_211 = arith.addf %add3A_209, %mul3A_210 : vector<16xf32>
      %get3A_212 = arith.constant 4 : i32
      %get3A_213 = arith.index_cast %get3A_212 : i32 to index
      %get3A_214 = arith.index_cast %mul3A_97 : i32 to index
      %get3A_215 = tpu.vector_load %arg11[%get3A_213, %get3A_214] {strides = array<i32>} : memref<16x768xf32, #tpu.memory_space<vmem>>, vector<16xf32>,
      %get3A_216 = arith.constant 4 : i32
      %get3A_217 = arith.index_cast %get3A_216 : i32 to index
      %get3A_218 = arith.index_cast %mul3A_97 : i32 to index
      %get3A_219 = tpu.vector_load %arg14[%get3A_217, %get3A_218] {strides = array<i32>} : memref<16x768xf32, #tpu.memory_space<vmem>>, vector<16xf32>,
      %add3A_220 = arith.addf %get3A_215, %get3A_219 : vector<16xf32>
      %add3A_221 = arith.addf %add3A_220, %add3A_211 : vector<16xf32>
      %swap3A_222 = arith.constant 4 : i32
      %swap3A_223 = arith.index_cast %swap3A_222 : i32 to index
      %swap3A_224 = arith.index_cast %mul3A_97 : i32 to index
      %swap3A_225 = tpu.vector_load %arg17[%swap3A_223, %swap3A_224] {strides = array<i32>} : memref<16x768xf32, #tpu.memory_space<vmem>>, vector<16xf32>,
      tpu.vector_store %arg17[%swap3A_223, %swap3A_224], %add3A_221 {strides = array<i32>} : memref<16x768xf32, #tpu.memory_space<vmem>>, vector<16xf32>,
      %slice3A_226 = vector.extract_strided_slice %convert_element_type3A_63 {offsets = [5], sizes = [1], strides = [1]} : vector<16xf32> to vector<1xf32>
      %squeeze3A_227 = vector.extract %slice3A_226[0] : f32 from vector<1xf32>
      %broadcast_in_dim3A_228 = vector.broadcast %squeeze3A_227 : f32 to vector<16xf32>
      %slice3A_229 = vector.extract_strided_slice %convert_element_type3A_68 {offsets = [5], sizes = [1], strides = [1]} : vector<16xf32> to vector<1xf32>
      %squeeze3A_230 = vector.extract %slice3A_229[0] : f32 from vector<1xf32>
      %broadcast_in_dim3A_231 = vector.broadcast %squeeze3A_230 : f32 to vector<16xf32>
      %mul3A_232 = arith.mulf %broadcast_in_dim3A_228, %get3A_105 : vector<16xf32>
      %add3A_233 = arith.addf %get3A_101, %mul3A_232 : vector<16xf32>
      %mul3A_234 = arith.mulf %broadcast_in_dim3A_231, %get3A_109 : vector<16xf32>
      %add3A_235 = arith.addf %add3A_233, %mul3A_234 : vector<16xf32>
      %get3A_236 = arith.constant 5 : i32
      %get3A_237 = arith.index_cast %get3A_236 : i32 to index
      %get3A_238 = arith.index_cast %mul3A_97 : i32 to index
      %get3A_239 = tpu.vector_load %arg11[%get3A_237, %get3A_238] {strides = array<i32>} : memref<16x768xf32, #tpu.memory_space<vmem>>, vector<16xf32>,
      %get3A_240 = arith.constant 5 : i32
      %get3A_241 = arith.index_cast %get3A_240 : i32 to index
      %get3A_242 = arith.index_cast %mul3A_97 : i32 to index
      %get3A_243 = tpu.vector_load %arg14[%get3A_241, %get3A_242] {strides = array<i32>} : memref<16x768xf32, #tpu.memory_space<vmem>>, vector<16xf32>,
      %add3A_244 = arith.addf %get3A_239, %get3A_243 : vector<16xf32>
      %add3A_245 = arith.addf %add3A_244, %add3A_235 : vector<16xf32>
      %swap3A_246 = arith.constant 5 : i32
      %swap3A_247 = arith.index_cast %swap3A_246 : i32 to index
      %swap3A_248 = arith.index_cast %mul3A_97 : i32 to index
      %swap3A_249 = tpu.vector_load %arg17[%swap3A_247, %swap3A_248] {strides = array<i32>} : memref<16x768xf32, #tpu.memory_space<vmem>>, vector<16xf32>,
      tpu.vector_store %arg17[%swap3A_247, %swap3A_248], %add3A_245 {strides = array<i32>} : memref<16x768xf32, #tpu.memory_space<vmem>>, vector<16xf32>,
      %slice3A_250 = vector.extract_strided_slice %convert_element_type3A_63 {offsets = [6], sizes = [1], strides = [1]} : vector<16xf32> to vector<1xf32>
      %squeeze3A_251 = vector.extract %slice3A_250[0] : f32 from vector<1xf32>
      %broadcast_in_dim3A_252 = vector.broadcast %squeeze3A_251 : f32 to vector<16xf32>
      %slice3A_253 = vector.extract_strided_slice %convert_element_type3A_68 {offsets = [6], sizes = [1], strides = [1]} : vector<16xf32> to vector<1xf32>
      %squeeze3A_254 = vector.extract %slice3A_253[0] : f32 from vector<1xf32>
      %broadcast_in_dim3A_255 = vector.broadcast %squeeze3A_254 : f32 to vector<16xf32>
      %mul3A_256 = arith.mulf %broadcast_in_dim3A_252, %get3A_105 : vector<16xf32>
      %add3A_257 = arith.addf %get3A_101, %mul3A_256 : vector<16xf32>
      %mul3A_258 = arith.mulf %broadcast_in_dim3A_255, %get3A_109 : vector<16xf32>
      %add3A_259 = arith.addf %add3A_257, %mul3A_258 : vector<16xf32>
      %get3A_260 = arith.constant 6 : i32
      %get3A_261 = arith.index_cast %get3A_260 : i32 to index
      %get3A_262 = arith.index_cast %mul3A_97 : i32 to index
      %get3A_263 = tpu.vector_load %arg11[%get3A_261, %get3A_262] {strides = array<i32>} : memref<16x768xf32, #tpu.memory_space<vmem>>, vector<16xf32>,
      %get3A_264 = arith.constant 6 : i32
      %get3A_265 = arith.index_cast %get3A_264 : i32 to index
      %get3A_266 = arith.index_cast %mul3A_97 : i32 to index
      %get3A_267 = tpu.vector_load %arg14[%get3A_265, %get3A_266] {strides = array<i32>} : memref<16x768xf32, #tpu.memory_space<vmem>>, vector<16xf32>,
      %add3A_268 = arith.addf %get3A_263, %get3A_267 : vector<16xf32>
      %add3A_269 = arith.addf %add3A_268, %add3A_259 : vector<16xf32>
      %swap3A_270 = arith.constant 6 : i32
      %swap3A_271 = arith.index_cast %swap3A_270 : i32 to index
      %swap3A_272 = arith.index_cast %mul3A_97 : i32 to index
      %swap3A_273 = tpu.vector_load %arg17[%swap3A_271, %swap3A_272] {strides = array<i32>} : memref<16x768xf32, #tpu.memory_space<vmem>>, vector<16xf32>,
      tpu.vector_store %arg17[%swap3A_271, %swap3A_272], %add3A_269 {strides = array<i32>} : memref<16x768xf32, #tpu.memory_space<vmem>>, vector<16xf32>,
      %slice3A_274 = vector.extract_strided_slice %convert_element_type3A_63 {offsets = [7], sizes = [1], strides = [1]} : vector<16xf32> to vector<1xf32>
      %squeeze3A_275 = vector.extract %slice3A_274[0] : f32 from vector<1xf32>
      %broadcast_in_dim3A_276 = vector.broadcast %squeeze3A_275 : f32 to vector<16xf32>
      %slice3A_277 = vector.extract_strided_slice %convert_element_type3A_68 {offsets = [7], sizes = [1], strides = [1]} : vector<16xf32> to vector<1xf32>
      %squeeze3A_278 = vector.extract %slice3A_277[0] : f32 from vector<1xf32>
      %broadcast_in_dim3A_279 = vector.broadcast %squeeze3A_278 : f32 to vector<16xf32>
      %mul3A_280 = arith.mulf %broadcast_in_dim3A_276, %get3A_105 : vector<16xf32>
      %add3A_281 = arith.addf %get3A_101, %mul3A_280 : vector<16xf32>
      %mul3A_282 = arith.mulf %broadcast_in_dim3A_279, %get3A_109 : vector<16xf32>
      %add3A_283 = arith.addf %add3A_281, %mul3A_282 : vector<16xf32>
      %get3A_284 = arith.constant 7 : i32
      %get3A_285 = arith.index_cast %get3A_284 : i32 to index
      %get3A_286 = arith.index_cast %mul3A_97 : i32 to index
      %get3A_287 = tpu.vector_load %arg11[%get3A_285, %get3A_286] {strides = array<i32>} : memref<16x768xf32, #tpu.memory_space<vmem>>, vector<16xf32>,
      %get3A_288 = arith.constant 7 : i32
      %get3A_289 = arith.index_cast %get3A_288 : i32 to index
      %get3A_290 = arith.index_cast %mul3A_97 : i32 to index
      %get3A_291 = tpu.vector_load %arg14[%get3A_289, %get3A_290] {strides = array<i32>} : memref<16x768xf32, #tpu.memory_space<vmem>>, vector<16xf32>,
      %add3A_292 = arith.addf %get3A_287, %get3A_291 : vector<16xf32>
      %add3A_293 = arith.addf %add3A_292, %add3A_283 : vector<16xf32>
      %swap3A_294 = arith.constant 7 : i32
      %swap3A_295 = arith.index_cast %swap3A_294 : i32 to index
      %swap3A_296 = arith.index_cast %mul3A_97 : i32 to index
      %swap3A_297 = tpu.vector_load %arg17[%swap3A_295, %swap3A_296] {strides = array<i32>} : memref<16x768xf32, #tpu.memory_space<vmem>>, vector<16xf32>,
      tpu.vector_store %arg17[%swap3A_295, %swap3A_296], %add3A_293 {strides = array<i32>} : memref<16x768xf32, #tpu.memory_space<vmem>>, vector<16xf32>,
      %slice3A_298 = vector.extract_strided_slice %convert_element_type3A_63 {offsets = [8], sizes = [1], strides = [1]} : vector<16xf32> to vector<1xf32>
      %squeeze3A_299 = vector.extract %slice3A_298[0] : f32 from vector<1xf32>
      %broadcast_in_dim3A_300 = vector.broadcast %squeeze3A_299 : f32 to vector<16xf32>
      %slice3A_301 = vector.extract_strided_slice %convert_element_type3A_68 {offsets = [8], sizes = [1], strides = [1]} : vector<16xf32> to vector<1xf32>
      %squeeze3A_302 = vector.extract %slice3A_301[0] : f32 from vector<1xf32>
      %broadcast_in_dim3A_303 = vector.broadcast %squeeze3A_302 : f32 to vector<16xf32>
      %mul3A_304 = arith.mulf %broadcast_in_dim3A_300, %get3A_105 : vector<16xf32>
      %add3A_305 = arith.addf %get3A_101, %mul3A_304 : vector<16xf32>
      %mul3A_306 = arith.mulf %broadcast_in_dim3A_303, %get3A_109 : vector<16xf32>
      %add3A_307 = arith.addf %add3A_305, %mul3A_306 : vector<16xf32>
      %get3A_308 = arith.constant 8 : i32
      %get3A_309 = arith.index_cast %get3A_308 : i32 to index
      %get3A_310 = arith.index_cast %mul3A_97 : i32 to index
      %get3A_311 = tpu.vector_load %arg11[%get3A_309, %get3A_310] {strides = array<i32>} : memref<16x768xf32, #tpu.memory_space<vmem>>, vector<16xf32>,
      %get3A_312 = arith.constant 8 : i32
      %get3A_313 = arith.index_cast %get3A_312 : i32 to index
      %get3A_314 = arith.index_cast %mul3A_97 : i32 to index
      %get3A_315 = tpu.vector_load %arg14[%get3A_313, %get3A_314] {strides = array<i32>} : memref<16x768xf32, #tpu.memory_space<vmem>>, vector<16xf32>,
      %add3A_316 = arith.addf %get3A_311, %get3A_315 : vector<16xf32>
      %add3A_317 = arith.addf %add3A_316, %add3A_307 : vector<16xf32>
      %swap3A_318 = arith.constant 8 : i32
      %swap3A_319 = arith.index_cast %swap3A_318 : i32 to index
      %swap3A_320 = arith.index_cast %mul3A_97 : i32 to index
      %swap3A_321 = tpu.vector_load %arg17[%swap3A_319, %swap3A_320] {strides = array<i32>} : memref<16x768xf32, #tpu.memory_space<vmem>>, vector<16xf32>,
      tpu.vector_store %arg17[%swap3A_319, %swap3A_320], %add3A_317 {strides = array<i32>} : memref<16x768xf32, #tpu.memory_space<vmem>>, vector<16xf32>,
      %slice3A_322 = vector.extract_strided_slice %convert_element_type3A_63 {offsets = [9], sizes = [1], strides = [1]} : vector<16xf32> to vector<1xf32>
      %squeeze3A_323 = vector.extract %slice3A_322[0] : f32 from vector<1xf32>
      %broadcast_in_dim3A_324 = vector.broadcast %squeeze3A_323 : f32 to vector<16xf32>
      %slice3A_325 = vector.extract_strided_slice %convert_element_type3A_68 {offsets = [9], sizes = [1], strides = [1]} : vector<16xf32> to vector<1xf32>
      %squeeze3A_326 = vector.extract %slice3A_325[0] : f32 from vector<1xf32>
      %broadcast_in_dim3A_327 = vector.broadcast %squeeze3A_326 : f32 to vector<16xf32>
      %mul3A_328 = arith.mulf %broadcast_in_dim3A_324, %get3A_105 : vector<16xf32>
      %add3A_329 = arith.addf %get3A_101, %mul3A_328 : vector<16xf32>
      %mul3A_330 = arith.mulf %broadcast_in_dim3A_327, %get3A_109 : vector<16xf32>
      %add3A_331 = arith.addf %add3A_329, %mul3A_330 : vector<16xf32>
      %get3A_332 = arith.constant 9 : i32
      %get3A_333 = arith.index_cast %get3A_332 : i32 to index
      %get3A_334 = arith.index_cast %mul3A_97 : i32 to index
      %get3A_335 = tpu.vector_load %arg11[%get3A_333, %get3A_334] {strides = array<i32>} : memref<16x768xf32, #tpu.memory_space<vmem>>, vector<16xf32>,
      %get3A_336 = arith.constant 9 : i32
      %get3A_337 = arith.index_cast %get3A_336 : i32 to index
      %get3A_338 = arith.index_cast %mul3A_97 : i32 to index
      %get3A_339 = tpu.vector_load %arg14[%get3A_337, %get3A_338] {strides = array<i32>} : memref<16x768xf32, #tpu.memory_space<vmem>>, vector<16xf32>,
      %add3A_340 = arith.addf %get3A_335, %get3A_339 : vector<16xf32>
      %add3A_341 = arith.addf %add3A_340, %add3A_331 : vector<16xf32>
      %swap3A_342 = arith.constant 9 : i32
      %swap3A_343 = arith.index_cast %swap3A_342 : i32 to index
      %swap3A_344 = arith.index_cast %mul3A_97 : i32 to index
      %swap3A_345 = tpu.vector_load %arg17[%swap3A_343, %swap3A_344] {strides = array<i32>} : memref<16x768xf32, #tpu.memory_space<vmem>>, vector<16xf32>,
      tpu.vector_store %arg17[%swap3A_343, %swap3A_344], %add3A_341 {strides = array<i32>} : memref<16x768xf32, #tpu.memory_space<vmem>>, vector<16xf32>,
      %slice3A_346 = vector.extract_strided_slice %convert_element_type3A_63 {offsets = [10], sizes = [1], strides = [1]} : vector<16xf32> to vector<1xf32>
      %squeeze3A_347 = vector.extract %slice3A_346[0] : f32 from vector<1xf32>
      %broadcast_in_dim3A_348 = vector.broadcast %squeeze3A_347 : f32 to vector<16xf32>
      %slice3A_349 = vector.extract_strided_slice %convert_element_type3A_68 {offsets = [10], sizes = [1], strides = [1]} : vector<16xf32> to vector<1xf32>
      %squeeze3A_350 = vector.extract %slice3A_349[0] : f32 from vector<1xf32>
      %broadcast_in_dim3A_351 = vector.broadcast %squeeze3A_350 : f32 to vector<16xf32>
      %mul3A_352 = arith.mulf %broadcast_in_dim3A_348, %get3A_105 : vector<16xf32>
      %add3A_353 = arith.addf %get3A_101, %mul3A_352 : vector<16xf32>
      %mul3A_354 = arith.mulf %broadcast_in_dim3A_351, %get3A_109 : vector<16xf32>
      %add3A_355 = arith.addf %add3A_353, %mul3A_354 : vector<16xf32>
      %get3A_356 = arith.constant 10 : i32
      %get3A_357 = arith.index_cast %get3A_356 : i32 to index
      %get3A_358 = arith.index_cast %mul3A_97 : i32 to index
      %get3A_359 = tpu.vector_load %arg11[%get3A_357, %get3A_358] {strides = array<i32>} : memref<16x768xf32, #tpu.memory_space<vmem>>, vector<16xf32>,
      %get3A_360 = arith.constant 10 : i32
      %get3A_361 = arith.index_cast %get3A_360 : i32 to index
      %get3A_362 = arith.index_cast %mul3A_97 : i32 to index
      %get3A_363 = tpu.vector_load %arg14[%get3A_361, %get3A_362] {strides = array<i32>} : memref<16x768xf32, #tpu.memory_space<vmem>>, vector<16xf32>,
      %add3A_364 = arith.addf %get3A_359, %get3A_363 : vector<16xf32>
      %add3A_365 = arith.addf %add3A_364, %add3A_355 : vector<16xf32>
      %swap3A_366 = arith.constant 10 : i32
      %swap3A_367 = arith.index_cast %swap3A_366 : i32 to index
      %swap3A_368 = arith.index_cast %mul3A_97 : i32 to index
      %swap3A_369 = tpu.vector_load %arg17[%swap3A_367, %swap3A_368] {strides = array<i32>} : memref<16x768xf32, #tpu.memory_space<vmem>>, vector<16xf32>,
      tpu.vector_store %arg17[%swap3A_367, %swap3A_368], %add3A_365 {strides = array<i32>} : memref<16x768xf32, #tpu.memory_space<vmem>>, vector<16xf32>,
      %slice3A_370 = vector.extract_strided_slice %convert_element_type3A_63 {offsets = [11], sizes = [1], strides = [1]} : vector<16xf32> to vector<1xf32>
      %squeeze3A_371 = vector.extract %slice3A_370[0] : f32 from vector<1xf32>
      %broadcast_in_dim3A_372 = vector.broadcast %squeeze3A_371 : f32 to vector<16xf32>
      %slice3A_373 = vector.extract_strided_slice %convert_element_type3A_68 {offsets = [11], sizes = [1], strides = [1]} : vector<16xf32> to vector<1xf32>
      %squeeze3A_374 = vector.extract %slice3A_373[0] : f32 from vector<1xf32>
      %broadcast_in_dim3A_375 = vector.broadcast %squeeze3A_374 : f32 to vector<16xf32>
      %mul3A_376 = arith.mulf %broadcast_in_dim3A_372, %get3A_105 : vector<16xf32>
      %add3A_377 = arith.addf %get3A_101, %mul3A_376 : vector<16xf32>
      %mul3A_378 = arith.mulf %broadcast_in_dim3A_375, %get3A_109 : vector<16xf32>
      %add3A_379 = arith.addf %add3A_377, %mul3A_378 : vector<16xf32>
      %get3A_380 = arith.constant 11 : i32
      %get3A_381 = arith.index_cast %get3A_380 : i32 to index
      %get3A_382 = arith.index_cast %mul3A_97 : i32 to index
      %get3A_383 = tpu.vector_load %arg11[%get3A_381, %get3A_382] {strides = array<i32>} : memref<16x768xf32, #tpu.memory_space<vmem>>, vector<16xf32>,
      %get3A_384 = arith.constant 11 : i32
      %get3A_385 = arith.index_cast %get3A_384 : i32 to index
      %get3A_386 = arith.index_cast %mul3A_97 : i32 to index
      %get3A_387 = tpu.vector_load %arg14[%get3A_385, %get3A_386] {strides = array<i32>} : memref<16x768xf32, #tpu.memory_space<vmem>>, vector<16xf32>,
      %add3A_388 = arith.addf %get3A_383, %get3A_387 : vector<16xf32>
      %add3A_389 = arith.addf %add3A_388, %add3A_379 : vector<16xf32>
      %swap3A_390 = arith.constant 11 : i32
      %swap3A_391 = arith.index_cast %swap3A_390 : i32 to index
      %swap3A_392 = arith.index_cast %mul3A_97 : i32 to index
      %swap3A_393 = tpu.vector_load %arg17[%swap3A_391, %swap3A_392] {strides = array<i32>} : memref<16x768xf32, #tpu.memory_space<vmem>>, vector<16xf32>,
      tpu.vector_store %arg17[%swap3A_391, %swap3A_392], %add3A_389 {strides = array<i32>} : memref<16x768xf32, #tpu.memory_space<vmem>>, vector<16xf32>,
      %slice3A_394 = vector.extract_strided_slice %convert_element_type3A_63 {offsets = [12], sizes = [1], strides = [1]} : vector<16xf32> to vector<1xf32>
      %squeeze3A_395 = vector.extract %slice3A_394[0] : f32 from vector<1xf32>
      %broadcast_in_dim3A_396 = vector.broadcast %squeeze3A_395 : f32 to vector<16xf32>
      %slice3A_397 = vector.extract_strided_slice %convert_element_type3A_68 {offsets = [12], sizes = [1], strides = [1]} : vector<16xf32> to vector<1xf32>
      %squeeze3A_398 = vector.extract %slice3A_397[0] : f32 from vector<1xf32>
      %broadcast_in_dim3A_399 = vector.broadcast %squeeze3A_398 : f32 to vector<16xf32>
      %mul3A_400 = arith.mulf %broadcast_in_dim3A_396, %get3A_105 : vector<16xf32>
      %add3A_401 = arith.addf %get3A_101, %mul3A_400 : vector<16xf32>
      %mul3A_402 = arith.mulf %broadcast_in_dim3A_399, %get3A_109 : vector<16xf32>
      %add3A_403 = arith.addf %add3A_401, %mul3A_402 : vector<16xf32>
      %get3A_404 = arith.constant 12 : i32
      %get3A_405 = arith.index_cast %get3A_404 : i32 to index
      %get3A_406 = arith.index_cast %mul3A_97 : i32 to index
      %get3A_407 = tpu.vector_load %arg11[%get3A_405, %get3A_406] {strides = array<i32>} : memref<16x768xf32, #tpu.memory_space<vmem>>, vector<16xf32>,
      %get3A_408 = arith.constant 12 : i32
      %get3A_409 = arith.index_cast %get3A_408 : i32 to index
      %get3A_410 = arith.index_cast %mul3A_97 : i32 to index
      %get3A_411 = tpu.vector_load %arg14[%get3A_409, %get3A_410] {strides = array<i32>} : memref<16x768xf32, #tpu.memory_space<vmem>>, vector<16xf32>,
      %add3A_412 = arith.addf %get3A_407, %get3A_411 : vector<16xf32>
      %add3A_413 = arith.addf %add3A_412, %add3A_403 : vector<16xf32>
      %swap3A_414 = arith.constant 12 : i32
      %swap3A_415 = arith.index_cast %swap3A_414 : i32 to index
      %swap3A_416 = arith.index_cast %mul3A_97 : i32 to index
      %swap3A_417 = tpu.vector_load %arg17[%swap3A_415, %swap3A_416] {strides = array<i32>} : memref<16x768xf32, #tpu.memory_space<vmem>>, vector<16xf32>,
      tpu.vector_store %arg17[%swap3A_415, %swap3A_416], %add3A_413 {strides = array<i32>} : memref<16x768xf32, #tpu.memory_space<vmem>>, vector<16xf32>,
      %slice3A_418 = vector.extract_strided_slice %convert_element_type3A_63 {offsets = [13], sizes = [1], strides = [1]} : vector<16xf32> to vector<1xf32>
      %squeeze3A_419 = vector.extract %slice3A_418[0] : f32 from vector<1xf32>
      %broadcast_in_dim3A_420 = vector.broadcast %squeeze3A_419 : f32 to vector<16xf32>
      %slice3A_421 = vector.extract_strided_slice %convert_element_type3A_68 {offsets = [13], sizes = [1], strides = [1]} : vector<16xf32> to vector<1xf32>
      %squeeze3A_422 = vector.extract %slice3A_421[0] : f32 from vector<1xf32>
      %broadcast_in_dim3A_423 = vector.broadcast %squeeze3A_422 : f32 to vector<16xf32>
      %mul3A_424 = arith.mulf %broadcast_in_dim3A_420, %get3A_105 : vector<16xf32>
      %add3A_425 = arith.addf %get3A_101, %mul3A_424 : vector<16xf32>
      %mul3A_426 = arith.mulf %broadcast_in_dim3A_423, %get3A_109 : vector<16xf32>
      %add3A_427 = arith.addf %add3A_425, %mul3A_426 : vector<16xf32>
      %get3A_428 = arith.constant 13 : i32
      %get3A_429 = arith.index_cast %get3A_428 : i32 to index
      %get3A_430 = arith.index_cast %mul3A_97 : i32 to index
      %get3A_431 = tpu.vector_load %arg11[%get3A_429, %get3A_430] {strides = array<i32>} : memref<16x768xf32, #tpu.memory_space<vmem>>, vector<16xf32>,
      %get3A_432 = arith.constant 13 : i32
      %get3A_433 = arith.index_cast %get3A_432 : i32 to index
      %get3A_434 = arith.index_cast %mul3A_97 : i32 to index
      %get3A_435 = tpu.vector_load %arg14[%get3A_433, %get3A_434] {strides = array<i32>} : memref<16x768xf32, #tpu.memory_space<vmem>>, vector<16xf32>,
      %add3A_436 = arith.addf %get3A_431, %get3A_435 : vector<16xf32>
      %add3A_437 = arith.addf %add3A_436, %add3A_427 : vector<16xf32>
      %swap3A_438 = arith.constant 13 : i32
      %swap3A_439 = arith.index_cast %swap3A_438 : i32 to index
      %swap3A_440 = arith.index_cast %mul3A_97 : i32 to index
      %swap3A_441 = tpu.vector_load %arg17[%swap3A_439, %swap3A_440] {strides = array<i32>} : memref<16x768xf32, #tpu.memory_space<vmem>>, vector<16xf32>,
      tpu.vector_store %arg17[%swap3A_439, %swap3A_440], %add3A_437 {strides = array<i32>} : memref<16x768xf32, #tpu.memory_space<vmem>>, vector<16xf32>,
      %slice3A_442 = vector.extract_strided_slice %convert_element_type3A_63 {offsets = [14], sizes = [1], strides = [1]} : vector<16xf32> to vector<1xf32>
      %squeeze3A_443 = vector.extract %slice3A_442[0] : f32 from vector<1xf32>
      %broadcast_in_dim3A_444 = vector.broadcast %squeeze3A_443 : f32 to vector<16xf32>
      %slice3A_445 = vector.extract_strided_slice %convert_element_type3A_68 {offsets = [14], sizes = [1], strides = [1]} : vector<16xf32> to vector<1xf32>
      %squeeze3A_446 = vector.extract %slice3A_445[0] : f32 from vector<1xf32>
      %broadcast_in_dim3A_447 = vector.broadcast %squeeze3A_446 : f32 to vector<16xf32>
      %mul3A_448 = arith.mulf %broadcast_in_dim3A_444, %get3A_105 : vector<16xf32>
      %add3A_449 = arith.addf %get3A_101, %mul3A_448 : vector<16xf32>
      %mul3A_450 = arith.mulf %broadcast_in_dim3A_447, %get3A_109 : vector<16xf32>
      %add3A_451 = arith.addf %add3A_449, %mul3A_450 : vector<16xf32>
      %get3A_452 = arith.constant 14 : i32
      %get3A_453 = arith.index_cast %get3A_452 : i32 to index
      %get3A_454 = arith.index_cast %mul3A_97 : i32 to index
      %get3A_455 = tpu.vector_load %arg11[%get3A_453, %get3A_454] {strides = array<i32>} : memref<16x768xf32, #tpu.memory_space<vmem>>, vector<16xf32>,
      %get3A_456 = arith.constant 14 : i32
      %get3A_457 = arith.index_cast %get3A_456 : i32 to index
      %get3A_458 = arith.index_cast %mul3A_97 : i32 to index
      %get3A_459 = tpu.vector_load %arg14[%get3A_457, %get3A_458] {strides = array<i32>} : memref<16x768xf32, #tpu.memory_space<vmem>>, vector<16xf32>,
      %add3A_460 = arith.addf %get3A_455, %get3A_459 : vector<16xf32>
      %add3A_461 = arith.addf %add3A_460, %add3A_451 : vector<16xf32>
      %swap3A_462 = arith.constant 14 : i32
      %swap3A_463 = arith.index_cast %swap3A_462 : i32 to index
      %swap3A_464 = arith.index_cast %mul3A_97 : i32 to index
      %swap3A_465 = tpu.vector_load %arg17[%swap3A_463, %swap3A_464] {strides = array<i32>} : memref<16x768xf32, #tpu.memory_space<vmem>>, vector<16xf32>,
      tpu.vector_store %arg17[%swap3A_463, %swap3A_464], %add3A_461 {strides = array<i32>} : memref<16x768xf32, #tpu.memory_space<vmem>>, vector<16xf32>,
      %slice3A_466 = vector.extract_strided_slice %convert_element_type3A_63 {offsets = [15], sizes = [1], strides = [1]} : vector<16xf32> to vector<1xf32>
      %squeeze3A_467 = vector.extract %slice3A_466[0] : f32 from vector<1xf32>
      %broadcast_in_dim3A_468 = vector.broadcast %squeeze3A_467 : f32 to vector<16xf32>
      %slice3A_469 = vector.extract_strided_slice %convert_element_type3A_68 {offsets = [15], sizes = [1], strides = [1]} : vector<16xf32> to vector<1xf32>
      %squeeze3A_470 = vector.extract %slice3A_469[0] : f32 from vector<1xf32>
      %broadcast_in_dim3A_471 = vector.broadcast %squeeze3A_470 : f32 to vector<16xf32>
      %mul3A_472 = arith.mulf %broadcast_in_dim3A_468, %get3A_105 : vector<16xf32>
      %add3A_473 = arith.addf %get3A_101, %mul3A_472 : vector<16xf32>
      %mul3A_474 = arith.mulf %broadcast_in_dim3A_471, %get3A_109 : vector<16xf32>
      %add3A_475 = arith.addf %add3A_473, %mul3A_474 : vector<16xf32>
      %get3A_476 = arith.constant 15 : i32
      %get3A_477 = arith.index_cast %get3A_476 : i32 to index
      %get3A_478 = arith.index_cast %mul3A_97 : i32 to index
      %get3A_479 = tpu.vector_load %arg11[%get3A_477, %get3A_478] {strides = array<i32>} : memref<16x768xf32, #tpu.memory_space<vmem>>, vector<16xf32>,
      %get3A_480 = arith.constant 15 : i32
      %get3A_481 = arith.index_cast %get3A_480 : i32 to index
      %get3A_482 = arith.index_cast %mul3A_97 : i32 to index
      %get3A_483 = tpu.vector_load %arg14[%get3A_481, %get3A_482] {strides = array<i32>} : memref<16x768xf32, #tpu.memory_space<vmem>>, vector<16xf32>,
      %add3A_484 = arith.addf %get3A_479, %get3A_483 : vector<16xf32>
      %add3A_485 = arith.addf %add3A_484, %add3A_475 : vector<16xf32>
      %swap3A_486 = arith.constant 15 : i32
      %swap3A_487 = arith.index_cast %swap3A_486 : i32 to index
      %swap3A_488 = arith.index_cast %mul3A_97 : i32 to index
      %swap3A_489 = tpu.vector_load %arg17[%swap3A_487, %swap3A_488] {strides = array<i32>} : memref<16x768xf32, #tpu.memory_space<vmem>>, vector<16xf32>,
      tpu.vector_store %arg17[%swap3A_487, %swap3A_488], %add3A_485 {strides = array<i32>} : memref<16x768xf32, #tpu.memory_space<vmem>>, vector<16xf32>,
      %scan3A_490 = arith.constant 0 : i32
      scf.yield %scan3A_490 : i32
    }
    %scan3A_75 = arith.constant 48 : i32
    %add3A_76 = arith.constant 6384 : i32
    %add3A_77 = arith.addi %mul3A_2, %add3A_76 : i32
    %dma_start3A_78 = arith.constant 0 : i32
    %dma_start3A_79 = tpu.memref_slice %arg7[%add3A_77, %dma_start3A_78] : memref<204800x768xf32, #tpu.memory_space<hbm>> -> memref<16x768xf32, #tpu.memory_space<hbm>>
    %dma_start3A_80 = arith.constant 0 : i32
    %dma_start3A_81 = tpu.memref_slice %arg7[%add3A_77, %dma_start3A_80] : memref<204800x768xf32, #tpu.memory_space<hbm>> -> memref<16x768xf32, #tpu.memory_space<hbm>>
    tpu.enqueue_dma source(%arg17 : memref<16x768xf32, #tpu.memory_space<vmem>>) target(%dma_start3A_81 : memref<16x768xf32, #tpu.memory_space<hbm>>) target_semaphore(%arg23 : memref<!tpu.dma_semaphore, #tpu.memory_space<semaphore_mem>>)
    %dma_wait3A_82 = arith.constant 0 : i32
    %dma_wait3A_83 = tpu.memref_slice %arg7[%mul3A_2, %dma_wait3A_82] : memref<204800x768xf32, #tpu.memory_space<hbm>> -> memref<16x768xf32, #tpu.memory_space<hbm>>
    %dma_wait3A_84 = arith.constant 0 : i32
    %dma_wait3A_85 = tpu.memref_slice %arg7[%mul3A_2, %dma_wait3A_84] : memref<204800x768xf32, #tpu.memory_space<hbm>> -> memref<16x768xf32, #tpu.memory_space<hbm>>
    tpu.wait_dma2 semaphore(%arg23 : memref<!tpu.dma_semaphore, #tpu.memory_space<semaphore_mem>>) src(%dma_wait3A_85 : memref<16x768xf32, #tpu.memory_space<hbm>>) dst(%arg17 : memref<16x768xf32, #tpu.memory_space<vmem>>)
    %dma_wait3A_86 = arith.constant 0 : i32
    %dma_wait3A_87 = tpu.memref_slice %arg7[%mul3A_2, %dma_wait3A_86] : memref<204800x768xf32, #tpu.memory_space<hbm>> -> memref<16x768xf32, #tpu.memory_space<hbm>>
    %dma_wait3A_88 = arith.constant 0 : i32
    %dma_wait3A_89 = tpu.memref_slice %arg7[%mul3A_2, %dma_wait3A_88] : memref<204800x768xf32, #tpu.memory_space<hbm>> -> memref<16x768xf32, #tpu.memory_space<hbm>>
    tpu.wait_dma2 semaphore(%arg24 : memref<!tpu.dma_semaphore, #tpu.memory_space<semaphore_mem>>) src(%dma_wait3A_89 : memref<16x768xf32, #tpu.memory_space<hbm>>) dst(%arg18 : memref<16x768xf32, #tpu.memory_space<vmem>>)
    %dma_wait3A_90 = arith.constant 0 : i32
    %dma_wait3A_91 = tpu.memref_slice %arg7[%mul3A_2, %dma_wait3A_90] : memref<204800x768xf32, #tpu.memory_space<hbm>> -> memref<16x768xf32, #tpu.memory_space<hbm>>
    %dma_wait3A_92 = arith.constant 0 : i32
    %dma_wait3A_93 = tpu.memref_slice %arg7[%mul3A_2, %dma_wait3A_92] : memref<204800x768xf32, #tpu.memory_space<hbm>> -> memref<16x768xf32, #tpu.memory_space<hbm>>
    tpu.wait_dma2 semaphore(%arg25 : memref<!tpu.dma_semaphore, #tpu.memory_space<semaphore_mem>>) src(%dma_wait3A_93 : memref<16x768xf32, #tpu.memory_space<hbm>>) dst(%arg19 : memref<16x768xf32, #tpu.memory_space<vmem>>)
    return
  }
}

</mosaic_0001>

<sc_bundles>
// kernel: _run.3.cloned.1.call-start
scs
__scs_entry_jumppad:
0x0: {  	(pc) =	sbr.rel $0x88, $3  }
0x1: {  	(tag) =	ssettag $0x0;
	lr =	simm.s32 $0x1  }
0x2: {  	[smem:$0x3F9C] =	sst lr;
	_ =	strace $0xD0000000  }
0x3: {  	_ = 	snop  }
0x4: {  	_ = 	snop  }
0x5: {  	_ = 	snop  }
0x6: {  	_ = 	snop  }
0x7: {  	_ = 	snop  }
__scs_overlays_trampoline_lowered:
0x8: {  	[smem:$0x3FAB] =	sst s0  }
0x9: {  	[smem:$0x3FAC] =	sst s1  }
0xa: {  	[smem:$0x3FAD] =	sst s2  }
0xb: {  	[smem:$0x3FAE] =	sst s3  }
0xc: {  	[smem:$0x3FAF] =	sst s4  }
0xd: {  	[smem:$0x3FB0] =	sst s5  }
0xe: {  	[smem:$0x3FB1] =	sst s6  }
0xf: {  	[smem:$0x3FB2] =	sst s7  }
0x10: {  	[smem:$0x3FB3] =	sst s8  }
0x11: {  	[smem:$0x3FB4] =	sst s9;
	s0 =	simm.s32 @!p0 $0x0  }
0x12: {  	s1 =	sld [smem:$0x3F9A];
	s0 =	simm.s32 @p0 $0x1  }
0x13: {  	[smem:$0x3FB5] =	sst s0;
	s0 =	simm.s32 @!p1 $0x0  }
0x14: {  	s2 =	sld [smem:$0x3F99];
	s0 =	simm.s32 @p1 $0x1  }
0x15: {  	[smem:$0x3FB6] =	sst s0;
	s0 =	simm.s32 @!p2 $0x0  }
0x16: {  	s3 =	sld [smem:$0x3FDB];
	s0 =	simm.s32 @p2 $0x1  }
0x17: {  	s4 =	simm.s32 $0x1BF5;
	[smem:$0x3FB8] =	sst s0  }
0x18: {  	s0 =	sld [smem:$0x3F9B];
	_ =	swait.ge [sflag:s4], $0x0  }
0x19: {  	s7 =	sld [smem:$0x3F9C]  }
0x1a: {  	s8 =	sadd.s32 $0xFFFFE003, lr  }
0x1b: {  	s9 =	sadd.s32 $0xFFFFFEF7, lr;
	s5 =	simm.s32 $0xFFFFFFFF;
	p2 =	slt.u32 s8, $0xFFFFF086  }
0x1c: {  	p1 =	slt.u32 s9, $0xF7A;
	s5 =	simm.s32 @!p2 $0x0  }
0x1d: {  	s5 =	simm.s32 @p1 $0x1;
	p0 =	seq.s32 s7, s2  }
0x1e: {  	s7 =	smul.u32 @!p0 $0xF7A, s2;
	p2 =	seq.s32 @!p0 s5, $0x0  }
0x1f: {  	s9 =	smul.u32 $0xF7A, s1;
	s8 =	simm.s32 @!p0 $0x1BF5;
	p2 =	por !p2, p0  }
0x20: {  	[sflag:s8] =	ssyncset.s32 @!p0 $0xFFFFF086;
	s6 =	sadd.s32 @!p0 s3, s7;
	s7 =	simm.s32 @!p0 $0x108  }
0x21: {  	s3 =	sadd.s32 s3, s9;
	s6 =	sadd.s32 @!p0 $0x88, s6;
	s7 =	simm.s32 @p2 $0x1082  }
0x22: {  	[simem:s7], [sflag:s8] =	dma.local @!p0 [hbm:s6], $0xF7A  }
0x23: {  	s9 =	sor.u32 $0xD0000000, s2;
	s6 =	simm.s32 $0x108;
	_ =	swait.ge @!p0 [sflag:s8], $0x0  }
0x24: {  	s3 =	sadd.s32 $0x88, s3;
	s6 =	simm.s32 @!p1 $0x1082;
	[sflag:s4] =	ssyncset.s32 $0xFFFFF086  }
0x25: {  	[simem:s6], [sflag:s4] =	dma.local [hbm:s3], $0xF7A  }
0x26: {  	[smem:$0x3F9C] =	sst s1;
	(tag) =	ssettag s2;
	_ =	strace s9  }
0x27: {  	s1 =	sld [smem:$0x3FAC]  }
0x28: {  	s2 =	sld [smem:$0x3FAD]  }
0x29: {  	s4 =	sld [smem:$0x3FAF]  }
0x2a: {  	p0 =	seq.s32 s5, $0x0;
	s5 =	sld [smem:$0x3FB0]  }
0x2b: {  	s6 =	sld [smem:$0x3FB1]  }
0x2c: {  	s7 =	sld [smem:$0x3FB2]  }
0x2d: {  	s3 =	simm.s32 $0x108;
	s8 =	sld [smem:$0x3FB3]  }
0x2e: {  	s3 =	simm.s32 @!p0 $0x1082;
	s9 =	sld [smem:$0x3FB4]  }
0x2f: {  	lr =	sadd.s32 s0, s3;
	s0 =	sld [smem:$0x3FAB]  }
0x30: {  	s3 =	sld [smem:$0x3FAE]  }
0x31: {  	[smem:$0x3FB7] =	sst s10  }
0x32: {  	s10 =	sld [smem:$0x3FB5];
	_ =	sdelay $0x3  }
0x33: {  	p0 =	seq.s32 s10, $0x1;
	s10 =	sld [smem:$0x3FB7];
	_ =	sdelay $0x3  }
0x34: {  	[smem:$0x3FB7] =	sst s10  }
0x35: {  	s10 =	sld [smem:$0x3FB6];
	_ =	sdelay $0x3  }
0x36: {  	p1 =	seq.s32 s10, $0x1;
	s10 =	sld [smem:$0x3FB7];
	_ =	sdelay $0x3  }
0x37: {  	[smem:$0x3FB7] =	sst s10  }
0x38: {  	s10 =	sld [smem:$0x3FB8]  }
0x39: {  	_ = 	snop;
	(pc) =	sbr.ind lr, $3  }
0x3a: {  	_ = 	snop  }
0x3b: {  	_ = 	snop  }
0x3c: {  	p2 =	seq.s32 s10, $0x1;
	s10 =	sld [smem:$0x3FB7]  }
0x3d: {  	_ =	shalt  }
0x3e: {  	_ =	shalt  }
0x3f: {  	_ =	shalt  }
0x40: {  	_ =	shalt  }
0x41: {  	_ =	shalt  }
0x42: {  	_ =	shalt  }
0x43: {  	_ =	shalt  }
0x44: {  	_ =	shalt  }
0x45: {  	_ =	shalt  }
0x46: {  	_ =	shalt  }
0x47: {  	_ =	shalt  }
0x48: {  	_ =	shalt  }
0x49: {  	_ =	shalt  }
0x4a: {  	_ =	shalt  }
0x4b: {  	_ =	shalt  }
0x4c: {  	_ =	shalt  }
0x4d: {  	_ =	shalt  }
0x4e: {  	_ =	shalt  }
0x4f: {  	_ =	shalt  }
0x50: {  	_ =	shalt  }
0x51: {  	_ =	shalt  }
0x52: {  	_ =	shalt  }
0x53: {  	_ =	shalt  }
0x54: {  	_ =	shalt  }
0x55: {  	_ =	shalt  }
0x56: {  	_ =	shalt  }
0x57: {  	_ =	shalt  }
0x58: {  	_ =	shalt  }
0x59: {  	_ =	shalt  }
0x5a: {  	_ =	shalt  }
0x5b: {  	_ =	shalt  }
0x5c: {  	_ =	shalt  }
0x5d: {  	_ =	shalt  }
0x5e: {  	_ =	shalt  }
0x5f: {  	_ =	shalt  }
0x60: {  	_ =	shalt  }
0x61: {  	_ =	shalt  }
0x62: {  	_ =	shalt  }
0x63: {  	_ =	shalt  }
0x64: {  	_ =	shalt  }
0x65: {  	_ =	shalt  }
0x66: {  	_ =	shalt  }
0x67: {  	_ =	shalt  }
0x68: {  	_ =	shalt  }
0x69: {  	_ =	shalt  }
0x6a: {  	_ =	shalt  }
0x6b: {  	_ =	shalt  }
0x6c: {  	_ =	shalt  }
0x6d: {  	_ =	shalt  }
0x6e: {  	_ =	shalt  }
0x6f: {  	_ =	shalt  }
0x70: {  	_ =	shalt  }
0x71: {  	_ =	shalt  }
0x72: {  	_ =	shalt  }
0x73: {  	_ =	shalt  }
0x74: {  	_ =	shalt  }
0x75: {  	_ =	shalt  }
0x76: {  	_ =	shalt  }
0x77: {  	_ =	shalt  }
0x78: {  	_ =	shalt  }
0x79: {  	_ =	shalt  }
0x7a: {  	_ =	shalt  }
0x7b: {  	_ =	shalt  }
0x7c: {  	_ =	shalt  }
0x7d: {  	_ =	shalt  }
0x7e: {  	_ =	shalt  }
0x7f: {  	_ =	shalt  }
0x80: {  	_ =	shalt  }
0x81: {  	_ =	shalt  }
0x82: {  	_ =	shalt  }
0x83: {  	_ =	shalt  }
0x84: {  	_ =	shalt  }
0x85: {  	_ =	shalt  }
0x86: {  	_ =	shalt  }
0x87: {  	_ =	shalt  }
.Lfunc_end0:
.L_simem_size_0:
called_computation_lowered:
.L_overlay_start_0:
0x88: {  	s2 =	sld [smem:$0x3FD9]  }
0x89: {  	s3 =	sld [smem:$0x3FFE];
	_ =	sdelay $0x1  }
0x8a: {  	s1 =	srdreg.scid  }
0x8b: {  	s0 =	sand.u32 $0x1, s1  }
0x8c: {  	s18 =	sshll.u32 s0, $0xA;
	s2 =	sadd.s32 s3, s2  }
0x8d: {  	s2 =	sadd.s32 s2, s18  }
0x8e: {  	[smem:$0x3FC3] =	sst s2  }
0x8f: {  	_ = 	snop  }
0x90: {  	s2 =	sld [smem:$0x3FC9]  }
0x91: {  	s19 =	sld [smem:$0x3FC8]  }
0x92: {  	s4 =	sld [smem:$0x3FC7]  }
0x93: {  	s5 =	sld [smem:$0x3FC6]  }
0x94: {  	s6 =	sld [smem:$0x3FC5]  }
0x95: {  	s7 =	sld [smem:$0x3FD0];
	(tm) =	ssettm $0x1  }
0x96: {  	s8 =	sld [smem:$0x3FFB];
	_ =	sdelay $0x3  }
0x97: {  	_ =	strace s8  }
0x98: {  	s8 =	sld [smem:$0x3FFC];
	_ =	sdelay $0x3  }
0x99: {  	_ =	strace s8  }
0x9a: {  	s8 =	sld [smem:$0x3FFD];
	_ =	sdelay $0x3  }
0x9b: {  	_ =	strace s8  }
0x9c: {  	_ =	strace $0x8FFFFFFF  }
0x9d: {  	s20 =	sld [smem:$0x3FDB];
	_ =	sdelay $0x1  }
0x9e: {  	s9 =	simm.s32 $_scs_section_size  }
0x9f: {  	s10 =	simm.s32 $_size__tile_overlayer_lowered;
	s11 =	simm.s32 $_tile_overlayer_lowered  }
0xa0: {  	s23 =	simm.s32 $0x1BFF;
	s22 =	sshll.u32 s11, $0x1;
	s8 =	sadd.s32 s9, s20  }
0xa1: {  	s12 =	simm.s32 $0x0;
	s21 =	sshll.u32 s10, $0x1;
	s10 =	sadd.s32 s22, s8  }
0xa2: {  	[timem:s12], [sflag:s23] =	dma.local [hbm:s10], s21  }
0xa3: {  	_ =	swait.ge [sflag:s23], s21  }
0xa4: {  	s9 =	ssub.s32 $0x0, s21;
	[sflag:s23] =	ssyncset.done $0x0  }
0xa5: {  	[sflag:s23] =	ssyncadd.s32 s9;
	_ =	sdelay $0x1  }
0xa6: {  	s24 =	simm.s32 $0x1B8B  }
0xa7: {  	_ =	swait.ge [sflag:s24], $0x1  }
0xa8: {  	[sflag:s24] =	ssyncset.done $0x0  }
0xa9: {  	s25 =	simm.s32 $0x1B8E;
	[sflag:s24] =	ssyncadd.s32 $0xFFFFFFFF  }
0xaa: {  	s26 =	simm.s32 $execute0_lowered;
	[smem:$0x3FD2] =	sst s25  }
0xab: {  	s9 =	sshll.u32 s26, $0x1;
	_ =	strace $0x80000046;
	[dreg:$0x1] =	wrdreg $0xFFFFFFFF  }
0xac: {  	s28 =	simm.s32 $_size_execute0_lowered;
	s8 =	sadd.s32 s8, s9;
	[dreg:$0x0] =	wrdreg $0x0  }
0xad: {  	s9 =	sshll.u32 s28, $0x1;
	[dreg:$0x2] =	wrdreg s8  }
0xae: {  	[dreg:$0x3] =	wrdreg s9  }
0xaf: {  	[dreg:$0x4] =	wrdreg $0xC0  }
0xb0: {  	_ =	task [dreg:s12], $0x5FFFF  }
0xb1: {  	[dreg:$0x1] =	wrdreg $0xFFFFFFFF  }
0xb2: {  	[dreg:$0x0] =	wrdreg $0x60  }
0xb3: {  	[dreg:$0x2] =	wrdreg s2  }
0xb4: {  	[dreg:$0x3] =	wrdreg s19  }
0xb5: {  	[dreg:$0x4] =	wrdreg s4  }
0xb6: {  	[dreg:$0x5] =	wrdreg s5  }
0xb7: {  	[dreg:$0x6] =	wrdreg s6  }
0xb8: {  	[dreg:$0x7] =	wrdreg s7  }
0xb9: {  	[dreg:$0x8] =	wrdreg $0x9  }
0xba: {  	_ =	task.clear_ibuf [dreg:s12], $0x9FFFF;
	_ =	strace $0x90000046  }
0xbb: {  	s29 =	simm.s32 $0x9;
	_ =	strace $0x80000048  }
0xbc: {  	_ =	swait.ge [sflag:s29], $0x1  }
0xbd: {  	[sflag:s29] =	ssyncadd.s32 $0xFFFFFFFF  }
0xbe: {  	_ =	strace $0x90000048  }
0xbf: {  	_ =	sfence  }
0xc0: {  	s30 =	sld [smem:$0x0];
	_ =	sdelay $0x2  }
0xc1: {  	s31 =	sshll.u32 s1, $0xD;
	s1 =	sshrl.u32 s1, $0x2  }
0xc2: {  	s3 =	sand.u32 $0x4000, s31;
	s1 =	sadd.s32 s1, s30  }
0xc3: {  	s0 =	sor.u32 s3, s0;
	s1 =	sshll.u32 s1, $0x11  }
0xc4: {  	s0 =	sor.u32 s1, s0  }
0xc5: {  	s0 =	sadd.s32 $0x8F2B, s0  }
0xc6: {  	[sflag:s0] =	ssyncadd.remote.s32 $0x1  }
0xc7: {  	_ =	sfence.sel $0xFFFF  }
0xc8: {  	[dreg:$0x0] =	wrdreg $0xFFFFFFFF;
	(pc) =	sbr.abs _section_cstart, $3  }
0xc9: {  	[dreg:$0x1] =	wrdreg $0xFFFFFFFF  }
0xca: {  	_ =	task.clear_ibuf [dreg:s12], $0x2FFFF;
	_ =	strace $0x9FFFFFFF  }
0xcb: {  	(tm) =	ssettm $0x7FFFFFFF  }
tec
execute0_lowered:
.L_overlay_start_1:
0x0: {  	(tag) =	ssettag $0x1  }
0x1: {  	s0 =	rddreg [dreg:$0x0]  }
0x2: {  	s3 =	rddreg [dreg:$0x1]  }
0x3: {  	s1 =	rddreg [dreg:$0x2]  }
0x4: {  	s2 =	rddreg [dreg:$0x3]  }
0x5: {  	s4 =	srdreg.scid;
	s5 =	stileid.u32;
	s28 =	simm.s32 $0xEA00  }
0x6: {  	s29 =	simm.s32 $0xF200;
	s30 =	simm.s32 $0xFA00;
	s31 =	simm.s32 $0x10200  }
0x7: {  	s18 =	simm.s32 $0x1;
	s17 =	simm.s32 $0x3;
	s4 =	sand.u32 $0x1, s4  }
0x8: {  	s6 =	sshll.u32 s5, $0x1;
	s5 =	rddreg [dreg:$0x5];
	s10 =	sadd.s32 $0x100, s1  }
0x9: {  	s11 =	sadd.s32 $0x200, s1;
	s12 =	sadd.s32 $0x100, s2;
	s7 =	sor.u32 s4, s6  }
0xa: {  	s6 =	simm.s32 $0x0;
	s4 =	ssub.s32 $0x2, s4;
	s7 =	smul.u32 $0x1900, s7  }
0xb: {  	s13 =	sadd.s32 $0x200, s2;
	[smem:$0x7FF] =	sst s6;
	s8 =	sshrl.u32 s4, $0x1  }
0xc: {  	_ =	strace $0x80000047;
	s4 =	ssub.s32 s4, s8;
	s9 =	sshrl.u32 s7, $0x3  }
0xd: {  	s26 =	smax.u32 s4, $0x1;
	s0 =	sadd.s32 s0, s9;
	s25 =	smul.u32 $0x300, s9  }
0xe: {  	s3 =	sadd.s32 s3, s9;
	[dreg:$0xa] =	wrdreg s26;
	s26 =	simm.s32 $0xE200  }
0xf: {  	v2 =	vlaneseq.u32;
	s9 =	simm.s32 $0x0;
	[dreg:$0x7] =	wrdreg s0;
	s0 =	sadd.s32 s5, s25  }
0x10: {  	vm0 =	vmmov $0xffff;
	v3 =	vimm.s32 $0x0;
	v1 =	vshrl.u32 v2, $0x3;
	[dreg:$0x8] =	wrdreg s3;
	s3 =	simm.s32 $0x16A00;
	s0 =	sadd.s32 $0x95A00, s0  }
0x11: {  	v0 =	vand.u32 $0x7, v2;
	v2 =	vor.u32 $0x8, v2;
	v1 =	vmul.u32 $0x8, v1;
	s25 =	simm.s32 $0xDA00;
	[dreg:$0x9] =	wrdreg s0;
	s0 =	simm.s32 $0x2  }
.LBB2_1:
0x12: {  	[dreg:$0xb] =	wrdreg s9  }
0x13: {  	s4 =	rddreg [dreg:$0x7];
	s16 =	simm.s32 $0x7  }
0x14: {  	[tilespmem:s6], [sflag:$0x7] =	stream.linear.gather [hbm4b:s4+s6], $0x1900, $0x38;
	[tilespmem:$0x1FA00] =	vst v63  }
0x15: {  	_ =	swait.ge [sflag:s16], $0x1900  }
0x16: {  	[sflag:s16] =	ssyncset.done $0x0  }
0x17: {  	s8 =	simm.s32 $0x1900;
	s19 =	rddreg [dreg:$0x8];
	[sflag:s16] =	ssyncadd.s32 $0xFFFFE700  }
0x18: {  	[tilespmem:s8], [sflag:$0x7] =	stream.linear.gather [hbm4b:s19+s6], $0x1900, $0x38;
	[tilespmem:$0x1FA00] =	vst v63  }
0x19: {  	_ =	swait.ge [sflag:s16], $0x1900  }
0x1a: {  	[sflag:s16] =	ssyncset.done $0x0  }
0x1b: {  	[sflag:s16] =	ssyncadd.s32 $0xFFFFE700  }
0x1c: {  	s21 =	simm.s32 $0x3200;
	s20 =	rddreg [dreg:$0x4]  }
0x1d: {  	[tilespmem:s21], [sflag:$0x7] =	stream.linear.gather [hbm4b:s20+s6], $0x1800, $0x38;
	[tilespmem:$0x1FA00] =	vst v63  }
0x1e: {  	_ =	swait.ge [sflag:s16], $0x1800  }
0x1f: {  	s22 =	sand.u32 $0x70, s6;
	s23 =	sand.u32 $0x1C00, s6;
	[sflag:s16] =	ssyncset.done $0x0  }
0x20: {  	s4 =	sor.u32 s22, s23;
	[sflag:s16] =	ssyncadd.s32 $0xFFFFE800  }
0x21: {  	v4 =	vld [tilespmem:s4+$0x3200]  }
0x22: {  	v5 =	vld [tilespmem:s4+$0x3280]  }
0x23: {  	v6 =	vld [tilespmem:s4+$0x3300];
	_ =	sdelay $0x2  }
0x24: {  	s24 =	simm.s32 $0x10;
	s8 =	simm.s32 $0x80  }
0x25: {  	s9 =	sand.u32 $0x70, s24;
	s14 =	sand.u32 $0x1C00, s8;
	v7 =	vsub.f32 v5, v4  }
0x26: {  	s14 =	sor.u32 s9, s14;
	v5 =	vsub.f32 v6, v5  }
0x27: {  	s9 =	simm.s32 $0x20;
	v4 =	vld [tilespmem:s14+$0x3200];
	[tilespmem:s4+$0x3280] =	vst v7  }
.LBB2_2:
0x28: {  	p0 =	sne.s32 s9, $0x2F0;
	v6 =	vld [tilespmem:s14+$0x3280];
	[tilespmem:s4+$0x3300] =	vst v5;
	s4 =	smov.u32 s14  }
0x29: {  	v5 =	vld [tilespmem:s4+$0x3300];
	_ =	sdelay $0x1  }
.Ltmp0:
0x2a: {  	(pc) =	sbr.rel @p0 .LBB2_2-.Ltmp0, $4  }
0x2b: {  	s8 =	sadd.s32 $0x80, s8  }
0x2c: {  	s14 =	sand.u32 $0x70, s9;
	s15 =	sand.u32 $0x1C00, s8;
	v7 =	vsub.f32 v6, v4  }
0x2d: {  	s14 =	sor.u32 s14, s15;
	v5 =	vsub.f32 v5, v6  }
0x2e: {  	s9 =	sadd.s32 $0x10, s9;
	v4 =	vld [tilespmem:s14+$0x3200];
	[tilespmem:s4+$0x3280] =	vst v7  }
0x2f: {  	v6 =	vld [tilespmem:s14+$0x3280];
	[tilespmem:s4+$0x3300] =	vst v5  }
0x30: {  	v5 =	vld [tilespmem:s14+$0x3300];
	_ =	sdelay $0x3  }
0x31: {  	v4 =	vsub.f32 v6, v4  }
0x32: {  	v5 =	vsub.f32 v5, v6  }
0x33: {  	[tilespmem:s14+$0x3280] =	vst v4  }
0x34: {  	[tilespmem:s14+$0x3300] =	vst v5  }
0x35: {  	v4 =	vld [tilespmem:$0x0];
	_ =	sdelay $0x4  }
0x36: {  	v5 =	vshrl.u32 v4, $0x3  }
0x37: {  	v5 =	vmul.u32 $0x30, v5  }
0x38: {  	v4 =	vand.u32 $0x7, v4  }
0x39: {  	v4 =	vor.u32 v4, v5  }
0x3a: {  	v5 =	vperm.xlane v4, v0;
	_ =	sdelay $0x1  }
0x3b: {  	v5 =	vadd.s32 v1, v5;
	_ =	sdelay $0x3  }
0x3c: {  	s15 =	simm.s32 $0x0;
	s8 =	simm.s32 $0x4A00;
	v4 =	vperm.xlane v4, v2  }
0x3d: {  	[tilespmem:s8], [sflag:$0x1] =	stream.indirect_vreg.gather [hbm4b:s1+s15], $0x80, v5, vm0, $0xb8;
	[tilespmem:$0x1FA00] =	vst v63  }
0x3e: {  	s9 =	simm.s32 $0x5200;
	v4 =	vadd.s32 v1, v4  }
0x3f: {  	[tilespmem:s9], [sflag:$0x1] =	stream.indirect_vreg.gather [hbm4b:s10+s15], $0x80, v5, vm0, $0xb8;
	[tilespmem:$0x1FA00] =	vst v63  }
0x40: {  	s14 =	simm.s32 $0x5A00  }
0x41: {  	[tilespmem:s14], [sflag:$0x1] =	stream.indirect_vreg.gather [hbm4b:s11+s15], $0x80, v5, vm0, $0xb8;
	[tilespmem:$0x1FA00] =	vst v63  }
0x42: {  	s16 =	simm.s32 $0x6200  }
0x43: {  	[tilespmem:s16], [sflag:$0x1] =	stream.indirect_vreg.gather [hbm4b:s1+s15], $0x80, v4, vm0, $0xb8;
	[tilespmem:$0x1FA00] =	vst v63  }
0x44: {  	s19 =	simm.s32 $0x6A00  }
0x45: {  	[tilespmem:s19], [sflag:$0x1] =	stream.indirect_vreg.gather [hbm4b:s10+s15], $0x80, v4, vm0, $0xb8;
	[tilespmem:$0x1FA00] =	vst v63  }
0x46: {  	s20 =	simm.s32 $0x7200  }
0x47: {  	[tilespmem:s20], [sflag:$0x1] =	stream.indirect_vreg.gather [hbm4b:s11+s15], $0x80, v4, vm0, $0xb8;
	[tilespmem:$0x1FA00] =	vst v63  }
0x48: {  	v4 =	vld [tilespmem:$0x0];
	_ =	sdelay $0x4  }
0x49: {  	v5 =	vshrl.u32 v4, $0x3  }
0x4a: {  	v5 =	vmul.u32 $0x30, v5  }
0x4b: {  	v4 =	vand.u32 $0x7, v4  }
0x4c: {  	v4 =	vor.u32 v4, v5  }
0x4d: {  	v5 =	vperm.xlane v4, v0;
	_ =	sdelay $0x1  }
0x4e: {  	v5 =	vadd.s32 v1, v5;
	_ =	sdelay $0x3  }
0x4f: {  	v4 =	vperm.xlane v4, v2  }
0x50: {  	[tilespmem:s25], [sflag:$0x1] =	stream.indirect_vreg.gather [hbm4b:s2+s15], $0x80, v5, vm0, $0xb8;
	[tilespmem:$0x1FA00] =	vst v63  }
0x51: {  	v4 =	vadd.s32 v1, v4  }
0x52: {  	[tilespmem:s26], [sflag:$0x1] =	stream.indirect_vreg.gather [hbm4b:s12+s15], $0x80, v5, vm0, $0xb8;
	[tilespmem:$0x1FA00] =	vst v63  }
0x53: {  	_ = 	snop  }
0x54: {  	[tilespmem:s28], [sflag:$0x1] =	stream.indirect_vreg.gather [hbm4b:s13+s15], $0x80, v5, vm0, $0xb8;
	[tilespmem:$0x1FA00] =	vst v63  }
0x55: {  	_ = 	snop  }
0x56: {  	[tilespmem:s29], [sflag:$0x1] =	stream.indirect_vreg.gather [hbm4b:s2+s15], $0x80, v4, vm0, $0xb8;
	[tilespmem:$0x1FA00] =	vst v63  }
0x57: {  	_ = 	snop  }
0x58: {  	[tilespmem:s30], [sflag:$0x1] =	stream.indirect_vreg.gather [hbm4b:s12+s15], $0x80, v4, vm0, $0xb8;
	[tilespmem:$0x1FA00] =	vst v63  }
0x59: {  	_ = 	snop  }
0x5a: {  	[tilespmem:s31], [sflag:$0x1] =	stream.indirect_vreg.gather [hbm4b:s13+s15], $0x80, v4, vm0, $0xb8;
	[tilespmem:$0x1FA00] =	vst v63  }
0x5b: {  	v4 =	vld [tilespmem:$0x10];
	_ =	sdelay $0x4  }
0x5c: {  	v5 =	vshrl.u32 v4, $0x3  }
0x5d: {  	v5 =	vmul.u32 $0x30, v5  }
0x5e: {  	v4 =	vand.u32 $0x7, v4  }
0x5f: {  	v4 =	vor.u32 v4, v5  }
0x60: {  	v5 =	vperm.xlane v4, v0;
	_ =	sdelay $0x1  }
0x61: {  	v5 =	vadd.s32 v1, v5;
	_ =	sdelay $0x3  }
0x62: {  	s21 =	simm.s32 $0x7A00;
	v4 =	vperm.xlane v4, v2  }
0x63: {  	[tilespmem:s21], [sflag:$0x2] =	stream.indirect_vreg.gather [hbm4b:s1+s15], $0x80, v5, vm0, $0xb8;
	[tilespmem:$0x1FA00] =	vst v63  }
0x64: {  	s22 =	simm.s32 $0x8200;
	v4 =	vadd.s32 v1, v4  }
0x65: {  	[tilespmem:s22], [sflag:$0x2] =	stream.indirect_vreg.gather [hbm4b:s10+s15], $0x80, v5, vm0, $0xb8;
	[tilespmem:$0x1FA00] =	vst v63  }
0x66: {  	s23 =	simm.s32 $0x8A00  }
0x67: {  	[tilespmem:s23], [sflag:$0x2] =	stream.indirect_vreg.gather [hbm4b:s11+s15], $0x80, v5, vm0, $0xb8;
	[tilespmem:$0x1FA00] =	vst v63  }
0x68: {  	s24 =	simm.s32 $0x9200  }
0x69: {  	[tilespmem:s24], [sflag:$0x2] =	stream.indirect_vreg.gather [hbm4b:s1+s15], $0x80, v4, vm0, $0xb8;
	[tilespmem:$0x1FA00] =	vst v63  }
0x6a: {  	s8 =	simm.s32 $0x9A00  }
0x6b: {  	[tilespmem:s8], [sflag:$0x2] =	stream.indirect_vreg.gather [hbm4b:s10+s15], $0x80, v4, vm0, $0xb8;
	[tilespmem:$0x1FA00] =	vst v63  }
0x6c: {  	s9 =	simm.s32 $0xA200  }
0x6d: {  	[tilespmem:s9], [sflag:$0x2] =	stream.indirect_vreg.gather [hbm4b:s11+s15], $0x80, v4, vm0, $0xb8;
	[tilespmem:$0x1FA00] =	vst v63  }
0x6e: {  	v4 =	vld [tilespmem:$0x10];
	_ =	sdelay $0x4  }
0x6f: {  	v5 =	vshrl.u32 v4, $0x3  }
0x70: {  	v5 =	vmul.u32 $0x30, v5  }
0x71: {  	v4 =	vand.u32 $0x7, v4  }
0x72: {  	v4 =	vor.u32 v4, v5  }
0x73: {  	v5 =	vperm.xlane v4, v0;
	_ =	sdelay $0x1  }
0x74: {  	v5 =	vadd.s32 v1, v5;
	_ =	sdelay $0x3  }
0x75: {  	s14 =	simm.s32 $0x10A00;
	v4 =	vperm.xlane v4, v2  }
0x76: {  	[tilespmem:s14], [sflag:$0x2] =	stream.indirect_vreg.gather [hbm4b:s2+s15], $0x80, v5, vm0, $0xb8;
	[tilespmem:$0x1FA00] =	vst v63  }
0x77: {  	s16 =	simm.s32 $0x11200;
	v4 =	vadd.s32 v1, v4  }
0x78: {  	[tilespmem:s16], [sflag:$0x2] =	stream.indirect_vreg.gather [hbm4b:s12+s15], $0x80, v5, vm0, $0xb8;
	[tilespmem:$0x1FA00] =	vst v63  }
0x79: {  	s19 =	simm.s32 $0x11A00  }
0x7a: {  	[tilespmem:s19], [sflag:$0x2] =	stream.indirect_vreg.gather [hbm4b:s13+s15], $0x80, v5, vm0, $0xb8;
	[tilespmem:$0x1FA00] =	vst v63  }
0x7b: {  	s20 =	simm.s32 $0x12200  }
0x7c: {  	[tilespmem:s20], [sflag:$0x2] =	stream.indirect_vreg.gather [hbm4b:s2+s15], $0x80, v4, vm0, $0xb8;
	[tilespmem:$0x1FA00] =	vst v63  }
0x7d: {  	s21 =	simm.s32 $0x12A00  }
0x7e: {  	[tilespmem:s21], [sflag:$0x2] =	stream.indirect_vreg.gather [hbm4b:s12+s15], $0x80, v4, vm0, $0xb8;
	[tilespmem:$0x1FA00] =	vst v63  }
0x7f: {  	s22 =	simm.s32 $0x13200  }
0x80: {  	[tilespmem:s22], [sflag:$0x2] =	stream.indirect_vreg.gather [hbm4b:s13+s15], $0x80, v4, vm0, $0xb8;
	[tilespmem:$0x1FA00] =	vst v63  }
0x81: {  	v4 =	vld [tilespmem:$0x20];
	_ =	sdelay $0x4  }
0x82: {  	v5 =	vshrl.u32 v4, $0x3  }
0x83: {  	v5 =	vmul.u32 $0x30, v5  }
0x84: {  	v4 =	vand.u32 $0x7, v4  }
0x85: {  	v4 =	vor.u32 v4, v5  }
0x86: {  	v5 =	vperm.xlane v4, v0;
	_ =	sdelay $0x1  }
0x87: {  	v5 =	vadd.s32 v1, v5;
	_ =	sdelay $0x3  }
0x88: {  	s23 =	simm.s32 $0xAA00;
	v4 =	vperm.xlane v4, v2  }
0x89: {  	[tilespmem:s23], [sflag:$0x3] =	stream.indirect_vreg.gather [hbm4b:s1+s15], $0x80, v5, vm0, $0xb8;
	[tilespmem:$0x1FA00] =	vst v63  }
0x8a: {  	s24 =	simm.s32 $0xB200;
	v4 =	vadd.s32 v1, v4  }
0x8b: {  	[tilespmem:s24], [sflag:$0x3] =	stream.indirect_vreg.gather [hbm4b:s10+s15], $0x80, v5, vm0, $0xb8;
	[tilespmem:$0x1FA00] =	vst v63  }
0x8c: {  	s8 =	simm.s32 $0xBA00  }
0x8d: {  	[tilespmem:s8], [sflag:$0x3] =	stream.indirect_vreg.gather [hbm4b:s11+s15], $0x80, v5, vm0, $0xb8;
	[tilespmem:$0x1FA00] =	vst v63  }
0x8e: {  	s9 =	simm.s32 $0xC200  }
0x8f: {  	[tilespmem:s9], [sflag:$0x3] =	stream.indirect_vreg.gather [hbm4b:s1+s15], $0x80, v4, vm0, $0xb8;
	[tilespmem:$0x1FA00] =	vst v63  }
0x90: {  	s14 =	simm.s32 $0xCA00  }
0x91: {  	[tilespmem:s14], [sflag:$0x3] =	stream.indirect_vreg.gather [hbm4b:s10+s15], $0x80, v4, vm0, $0xb8;
	[tilespmem:$0x1FA00] =	vst v63  }
0x92: {  	s16 =	simm.s32 $0xD200  }
0x93: {  	[tilespmem:s16], [sflag:$0x3] =	stream.indirect_vreg.gather [hbm4b:s11+s15], $0x80, v4, vm0, $0xb8;
	[tilespmem:$0x1FA00] =	vst v63  }
0x94: {  	v4 =	vld [tilespmem:$0x20];
	_ =	sdelay $0x4  }
0x95: {  	v5 =	vshrl.u32 v4, $0x3  }
0x96: {  	v5 =	vmul.u32 $0x30, v5  }
0x97: {  	v4 =	vand.u32 $0x7, v4  }
0x98: {  	v4 =	vor.u32 v4, v5  }
0x99: {  	v5 =	vperm.xlane v4, v0;
	_ =	sdelay $0x1  }
0x9a: {  	v5 =	vadd.s32 v1, v5;
	_ =	sdelay $0x3  }
0x9b: {  	s19 =	simm.s32 $0x13A00;
	v4 =	vperm.xlane v4, v2  }
0x9c: {  	[tilespmem:s19], [sflag:$0x3] =	stream.indirect_vreg.gather [hbm4b:s2+s15], $0x80, v5, vm0, $0xb8;
	[tilespmem:$0x1FA00] =	vst v63  }
0x9d: {  	s20 =	simm.s32 $0x14200;
	v4 =	vadd.s32 v1, v4  }
0x9e: {  	[tilespmem:s20], [sflag:$0x3] =	stream.indirect_vreg.gather [hbm4b:s12+s15], $0x80, v5, vm0, $0xb8;
	[tilespmem:$0x1FA00] =	vst v63  }
0x9f: {  	s21 =	simm.s32 $0x14A00  }
0xa0: {  	[tilespmem:s21], [sflag:$0x3] =	stream.indirect_vreg.gather [hbm4b:s13+s15], $0x80, v5, vm0, $0xb8;
	[tilespmem:$0x1FA00] =	vst v63  }
0xa1: {  	s22 =	simm.s32 $0x15200  }
0xa2: {  	[tilespmem:s22], [sflag:$0x3] =	stream.indirect_vreg.gather [hbm4b:s2+s15], $0x80, v4, vm0, $0xb8;
	[tilespmem:$0x1FA00] =	vst v63  }
0xa3: {  	s23 =	simm.s32 $0x15A00  }
0xa4: {  	[tilespmem:s23], [sflag:$0x3] =	stream.indirect_vreg.gather [hbm4b:s12+s15], $0x80, v4, vm0, $0xb8;
	[tilespmem:$0x1FA00] =	vst v63  }
0xa5: {  	s24 =	simm.s32 $0x16200;
	s9 =	simm.s32 $0x0  }
0xa6: {  	[tilespmem:s24], [sflag:$0x3] =	stream.indirect_vreg.gather [hbm4b:s13+s15], $0x80, v4, vm0, $0xb8;
	[tilespmem:$0x1FA00] =	vst v63  }
.LBB2_4:
0xa7: {  	_ =	swait.ge [sflag:s18], $0x3000  }
0xa8: {  	[sflag:s18] =	ssyncset.done $0x0  }
0xa9: {  	[sflag:s18] =	ssyncadd.s32 $0xFFFFD000  }
0xaa: {  	_ =	swait.ge [sflag:s18], $0x3000  }
0xab: {  	p0 =	seq.s32 s9, $0x0;
	[sflag:s18] =	ssyncset.done $0x0  }
0xac: {  	s4 =	simm.s32 @!p0 $0x4;
	[sflag:s18] =	ssyncadd.s32 $0xFFFFD000  }
0xad: {  	_ =	swait.ge @!p0 [sflag:s4], $0x3000  }
0xae: {  	s16 =	smul.u32 $0x30, s9;
	[sflag:s4] =	ssyncset.done @!p0 $0x0  }
0xaf: {  	[sflag:s4] =	ssyncadd.s32 @!p0 $0xFFFFD000  }
0xb0: {  	v4 =	vld [tilespmem:s16+$0x1900];
	_ =	sdelay $0x4  }
0xb1: {  	s24 =	sand.u32 $0x70, s15;
	s8 =	sand.u32 $0x1C00, s15;
	vm1 =	vgt.s32 v4, $0x0  }
0xb2: {  	s14 =	sor.u32 s24, s8;
	v7 =	vsel vm1, $0x3F800000, v3  }
0xb3: {  	v39 =	vld [tilespmem:s14+$0x4C00];
	v11 =	vbroadcast v7, $0x0  }
0xb4: {  	v40 =	vld [tilespmem:s14+$0xDC00];
	v13 =	vbroadcast v7, $0x1;
	v16 =	vbroadcast v7, $0x2  }
0xb5: {  	v41 =	vld [tilespmem:s14+$0xDA80];
	v19 =	vbroadcast v7, $0x3;
	v21 =	vbroadcast v7, $0x4  }
0xb6: {  	v42 =	vld [tilespmem:s14+$0x4A80];
	v23 =	vbroadcast v7, $0x5;
	v26 =	vbroadcast v7, $0x6  }
0xb7: {  	v45 =	vld [tilespmem:s14+$0x3280];
	v28 =	vbroadcast v7, $0x7;
	v29 =	vbroadcast v7, $0x8  }
0xb8: {  	v43 =	vld [tilespmem:s14+$0x4B00];
	v30 =	vbroadcast v7, $0x9;
	v31 =	vbroadcast v7, $0xA  }
0xb9: {  	v44 =	vld [tilespmem:s14+$0xDD00];
	vm1 =	vgt.s32 v4, $0x1;
	v32 =	vbroadcast v7, $0xB;
	v33 =	vbroadcast v7, $0xC  }
0xba: {  	v37 =	vld [tilespmem:s14+$0x3200];
	v38 =	vsel vm1, $0x3F800000, v3;
	v34 =	vbroadcast v7, $0xD;
	v35 =	vbroadcast v7, $0xE  }
0xbb: {  	v61 =	vld [tilespmem:s14+$0xDB00];
	v36 =	vbroadcast v7, $0xF;
	v12 =	vbroadcast v38, $0x0  }
0xbc: {  	v49 =	vld [tilespmem:s14+$0xDA00];
	v15 =	vbroadcast v38, $0x1;
	v17 =	vbroadcast v38, $0x2  }
0xbd: {  	v51 =	vld [tilespmem:s14+$0x4D00];
	v20 =	vbroadcast v38, $0x3;
	v22 =	vbroadcast v38, $0x4  }
0xbe: {  	v56 =	vld [tilespmem:s14+$0xDB80];
	v25 =	vbroadcast v38, $0x5;
	v27 =	vbroadcast v38, $0x6  }
0xbf: {  	v58 =	vld [tilespmem:s14+$0x4B80];
	v24 =	vbroadcast v38, $0x7;
	v18 =	vbroadcast v38, $0x8  }
0xc0: {  	v52 =	vadd.f32 v40, v39;
	v40 =	vld [tilespmem:s14+$0x4A00];
	v14 =	vbroadcast v38, $0x9;
	v9 =	vbroadcast v38, $0xA  }
0xc1: {  	v60 =	vadd.f32 v61, v43;
	v43 =	vld [tilespmem:s14+$0x4C80];
	v10 =	vbroadcast v38, $0xB;
	v8 =	vbroadcast v38, $0xC  }
0xc2: {  	v61 =	vld [tilespmem:s14+$0xDC80];
	v5 =	vbroadcast v38, $0xD;
	v6 =	vbroadcast v38, $0xE  }
0xc3: {  	v4 =	vld [tilespmem:s14+$0x3300];
	v7 =	vbroadcast v38, $0xF;
	v62 =	vmul.f32 v45, v13  }
0xc4: {  	v41 =	vadd.f32 v41, v42;
	v50 =	vmul.f32 v45, v11;
	v39 =	vmul.f32 v45, v23  }
0xc5: {  	v51 =	vadd.f32 v44, v51;
	v53 =	vmul.f32 v45, v26;
	v54 =	vmul.f32 v45, v28  }
0xc6: {  	v56 =	vadd.f32 v56, v58;
	v55 =	vmul.f32 v45, v16;
	v57 =	vmul.f32 v45, v19  }
0xc7: {  	v59 =	vmul.f32 v45, v21;
	v49 =	vadd.f32 v49, v40;
	v43 =	vadd.f32 v61, v43  }
0xc8: {  	v46 =	vmul.f32 v4, v12;
	v47 =	vmul.f32 v4, v27;
	v50 =	vadd.f32 v50, v37  }
0xc9: {  	v42 =	vadd.f32 v62, v37;
	v38 =	vmul.f32 v4, v17;
	v55 =	vadd.f32 v55, v37  }
0xca: {  	v48 =	vmul.f32 v4, v20;
	v53 =	vadd.f32 v53, v37;
	v57 =	vadd.f32 v57, v37  }
0xcb: {  	v39 =	vadd.f32 v39, v37;
	v63 =	vmul.f32 v4, v15;
	v55 =	vadd.f32 v38, v55  }
0xcc: {  	v44 =	vadd.f32 v48, v57;
	v57 =	vmul.f32 v4, v25;
	v46 =	vadd.f32 v46, v50  }
0xcd: {  	v62 =	vmul.f32 v4, v22;
	v40 =	vadd.f32 v63, v42;
	v63 =	vadd.f32 v59, v37  }
0xce: {  	v61 =	vmul.f32 v45, v30;
	v47 =	vadd.f32 v47, v53;
	v48 =	vadd.f32 v57, v39  }
0xcf: {  	v38 =	vmul.f32 v45, v36;
	v41 =	vadd.f32 v41, v40;
	v42 =	vadd.f32 v62, v63  }
0xd0: {  	v39 =	vmul.f32 v45, v34;
	v44 =	vadd.f32 v56, v44;
	v60 =	vadd.f32 v60, v55  }
0xd1: {  	v40 =	vmul.f32 v45, v35;
	v62 =	vadd.f32 v49, v46;
	v49 =	vadd.f32 v51, v47;
	[tilespmem:s14+$0x16A80] =	vst v41  }
0xd2: {  	v63 =	vmul.f32 v45, v29;
	v46 =	vadd.f32 v54, v37;
	v59 =	vadd.f32 v43, v48;
	[tilespmem:s14+$0x16B00] =	vst v60  }
0xd3: {  	v47 =	vmul.f32 v45, v31;
	v43 =	vmul.f32 v45, v32;
	v48 =	vadd.f32 v52, v42;
	[tilespmem:s14+$0x16A00] =	vst v62  }
0xd4: {  	s19 =	simm.s32 $0x0;
	s8 =	simm.s32 $0x10;
	s4 =	sor.u32 s15, s15;
	v42 =	vadd.f32 v63, v37;
	v41 =	vadd.f32 v61, v37;
	v45 =	vmul.f32 v45, v33;
	[tilespmem:s14+$0x16C80] =	vst v59  }
.LBB2_5:
0xd5: {  	p1 =	sne.s32 s8, $0x2F0  }
0xd6: {  	[tilespmem:s14+$0x16C00] =	vst v48;
	v47 =	vadd.f32 v47, v37;
	v43 =	vadd.f32 v43, v37;
	s19 =	sadd.s32 $0x80, s19;
	s20 =	smov.u32 s8;
	s8 =	sadd.s32 $0x10, s8  }
0xd7: {  	v40 =	vadd.f32 v40, v37;
	s21 =	sor.u32 s19, s20;
	[tilespmem:s14+$0x16D00] =	vst v49;
	v45 =	vadd.f32 v45, v37  }
0xd8: {  	s22 =	sor.u32 $0x380, s4;
	v39 =	vadd.f32 v39, v37;
	v37 =	vadd.f32 v38, v37;
	[tilespmem:s14+$0x16B80] =	vst v44;
	v44 =	vmul.f32 v4, v24;
	s4 =	smov.u32 s21  }
0xd9: {  	v38 =	vld [tilespmem:s22+$0x4A00]  }
0xda: {  	v44 =	vadd.f32 v44, v46;
	v46 =	vld [tilespmem:s22+$0xDA00];
	_ =	sdelay $0x4  }
0xdb: {  	v38 =	vadd.f32 v46, v38;
	_ =	sdelay $0x1  }
0xdc: {  	v38 =	vadd.f32 v38, v44;
	_ =	sdelay $0x1  }
0xdd: {  	[tilespmem:s22+$0x16A00] =	vst v38  }
0xde: {  	v38 =	vld [tilespmem:s14+$0x6200]  }
0xdf: {  	v44 =	vld [tilespmem:s14+$0xF200]  }
0xe0: {  	v46 =	vld [tilespmem:s14+$0x6280]  }
0xe1: {  	v48 =	vld [tilespmem:s14+$0xF280]  }
0xe2: {  	v49 =	vmul.f32 v4, v18;
	v50 =	vld [tilespmem:s14+$0x6300]  }
0xe3: {  	v51 =	vmul.f32 v4, v14;
	v52 =	vld [tilespmem:s14+$0xF300]  }
0xe4: {  	v42 =	vadd.f32 v49, v42;
	v38 =	vadd.f32 v44, v38;
	v44 =	vld [tilespmem:s14+$0x6380]  }
0xe5: {  	v41 =	vadd.f32 v51, v41;
	v49 =	vmul.f32 v4, v9;
	v51 =	vld [tilespmem:s14+$0xF380]  }
0xe6: {  	v38 =	vadd.f32 v38, v42;
	v42 =	vadd.f32 v48, v46;
	v46 =	vld [tilespmem:s14+$0x6400]  }
0xe7: {  	v47 =	vadd.f32 v49, v47;
	v48 =	vmul.f32 v4, v10;
	v49 =	vld [tilespmem:s14+$0xF400]  }
0xe8: {  	[tilespmem:s14+$0x18200] =	vst v38;
	v38 =	vadd.f32 v42, v41;
	v41 =	vadd.f32 v52, v50;
	v42 =	vld [tilespmem:s14+$0x6480]  }
0xe9: {  	v43 =	vadd.f32 v48, v43;
	v48 =	vmul.f32 v4, v8;
	v50 =	vld [tilespmem:s14+$0x6500]  }
0xea: {  	s20 =	sand.u32 $0x70, s20;
	s21 =	sand.u32 $0x1C00, s19;
	[tilespmem:s14+$0x18280] =	vst v38;
	v38 =	vadd.f32 v41, v47;
	v41 =	vadd.f32 v51, v44;
	v44 =	vld [tilespmem:s14+$0xF500]  }
0xeb: {  	s20 =	sor.u32 s20, s21;
	v45 =	vadd.f32 v48, v45;
	v47 =	vld [tilespmem:s14+$0x6580]  }
0xec: {  	[tilespmem:s14+$0x18300] =	vst v38;
	v38 =	vadd.f32 v41, v43;
	v41 =	vadd.f32 v49, v46;
	v43 =	vld [tilespmem:s14+$0xF580]  }
0xed: {  	v46 =	vmul.f32 v4, v6  }
0xee: {  	v48 =	vld [tilespmem:s20+$0x3300];
	[tilespmem:s14+$0x18380] =	vst v38;
	v38 =	vadd.f32 v41, v45;
	v41 =	vmul.f32 v4, v7  }
0xef: {  	v40 =	vadd.f32 v46, v40;
	v44 =	vadd.f32 v44, v50  }
0xf0: {  	[tilespmem:s14+$0x18400] =	vst v38;
	v37 =	vadd.f32 v41, v37  }
0xf1: {  	v38 =	vld [tilespmem:s20+$0x4C00];
	v40 =	vadd.f32 v44, v40;
	v41 =	vadd.f32 v43, v47  }
0xf2: {  	v43 =	vld [tilespmem:s14+$0xF480]  }
0xf3: {  	v44 =	vmul.f32 v48, v12;
	v45 =	vld [tilespmem:s20+$0xDC00];
	v46 =	vmul.f32 v48, v27;
	[tilespmem:s14+$0x18500] =	vst v40;
	v37 =	vadd.f32 v41, v37  }
0xf4: {  	v41 =	vmul.f32 v48, v20;
	v40 =	vld [tilespmem:s20+$0xDA80]  }
0xf5: {  	v49 =	vmul.f32 v4, v5;
	v4 =	vmov v48;
	v47 =	vld [tilespmem:s20+$0x4A80];
	[tilespmem:s14+$0x18580] =	vst v37  }
0xf6: {  	v50 =	vld [tilespmem:s20+$0x3280]  }
0xf7: {  	v39 =	vadd.f32 v49, v39;
	v48 =	vld [tilespmem:s20+$0x4B00];
	v42 =	vadd.f32 v43, v42  }
0xf8: {  	v43 =	vld [tilespmem:s20+$0xDD00]  }
0xf9: {  	v37 =	vld [tilespmem:s20+$0x3200];
	v39 =	vadd.f32 v42, v39  }
0xfa: {  	v40 =	vadd.f32 v40, v47;
	v42 =	vld [tilespmem:s20+$0xDB00]  }
0xfb: {  	v45 =	vadd.f32 v45, v38;
	v47 =	vld [tilespmem:s20+$0xDA00];
	v49 =	vmul.f32 v50, v13;
	v38 =	vmul.f32 v50, v23;
	[tilespmem:s14+$0x18480] =	vst v39;
	s14 =	smov.u32 s20  }
0xfc: {  	v39 =	vmul.f32 v50, v11;
	v52 =	vmul.f32 v50, v28;
	v51 =	vld [tilespmem:s14+$0x4D00]  }
0xfd: {  	v54 =	vmul.f32 v50, v21;
	v55 =	vmul.f32 v50, v26;
	v53 =	vld [tilespmem:s14+$0x4A00]  }
0xfe: {  	v57 =	vmul.f32 v50, v19;
	v56 =	vadd.f32 v39, v37;
	v39 =	vmul.f32 v50, v16;
	v58 =	vld [tilespmem:s14+$0xDB80]  }
0xff: {  	v59 =	vmul.f32 v4, v17;
	v49 =	vadd.f32 v49, v37;
	v55 =	vadd.f32 v55, v37;
	v60 =	vld [tilespmem:s14+$0x4B80]  }
0x100: {  	v42 =	vadd.f32 v42, v48;
	v48 =	vadd.f32 v38, v37;
	v38 =	vmul.f32 v50, v36;
	v61 =	vld [tilespmem:s14+$0x4C80]  }
0x101: {  	v57 =	vadd.f32 v57, v37;
	v62 =	vadd.f32 v39, v37;
	v39 =	vmul.f32 v50, v34;
	v63 =	vld [tilespmem:s14+$0xDC80]  }
0x102: {  	v51 =	vadd.f32 v43, v51;
	v47 =	vadd.f32 v47, v53;
	v53 =	vmul.f32 v4, v15  }
0x103: {  	v41 =	vadd.f32 v41, v57;
	v43 =	vmul.f32 v4, v25;
	v59 =	vadd.f32 v59, v62  }
0x104: {  	v56 =	vadd.f32 v44, v56;
	v44 =	vadd.f32 v53, v49;
	v49 =	vmul.f32 v4, v22  }
0x105: {  	v43 =	vadd.f32 v43, v48;
	v53 =	vadd.f32 v54, v37  }
0x106: {  	v48 =	vadd.f32 v58, v60;
	v54 =	vadd.f32 v63, v61  }
0x107: {  	v57 =	vadd.f32 v40, v44;
	v49 =	vadd.f32 v49, v53;
	v40 =	vmul.f32 v50, v35  }
.Ltmp1:
0x108: {  	v44 =	vadd.f32 v48, v41;
	v41 =	vadd.f32 v54, v43;
	v43 =	vmul.f32 v50, v32;
	(pc) =	sbr.rel @p1 .LBB2_5-.Ltmp1, $4  }
0x109: {  	v46 =	vadd.f32 v46, v55;
	v42 =	vadd.f32 v42, v59;
	v53 =	vmul.f32 v50, v30;
	[tilespmem:s14+$0x16A80] =	vst v57  }
0x10a: {  	v54 =	vadd.f32 v47, v56;
	v48 =	vadd.f32 v45, v49;
	[tilespmem:s14+$0x16C80] =	vst v41;
	v41 =	vmul.f32 v50, v29  }
0x10b: {  	v49 =	vadd.f32 v51, v46;
	v46 =	vadd.f32 v52, v37;
	v47 =	vmul.f32 v50, v31;
	[tilespmem:s14+$0x16B00] =	vst v42  }
0x10c: {  	v45 =	vmul.f32 v50, v33;
	[tilespmem:s14+$0x16A00] =	vst v54;
	v42 =	vadd.f32 v41, v37;
	v41 =	vadd.f32 v53, v37  }
0x10d: {  	[tilespmem:s14+$0x16C00] =	vst v48  }
0x10e: {  	[tilespmem:s14+$0x16D00] =	vst v49  }
0x10f: {  	[tilespmem:s14+$0x16B80] =	vst v44;
	s4 =	sor.u32 $0x380, s4  }
0x110: {  	v11 =	vld [tilespmem:s4+$0x4A00]  }
0x111: {  	v12 =	vld [tilespmem:s4+$0xDA00];
	_ =	sdelay $0x2  }
0x112: {  	v13 =	vmul.f32 v4, v24;
	_ =	sdelay $0x1  }
0x113: {  	v13 =	vadd.f32 v13, v46;
	v11 =	vadd.f32 v12, v11;
	_ =	sdelay $0x1  }
0x114: {  	v11 =	vadd.f32 v11, v13;
	_ =	sdelay $0x1  }
0x115: {  	[tilespmem:s4+$0x16A00] =	vst v11  }
0x116: {  	v11 =	vld [tilespmem:s14+$0x6200]  }
0x117: {  	v12 =	vld [tilespmem:s14+$0xF200]  }
0x118: {  	v13 =	vld [tilespmem:s14+$0x6280]  }
0x119: {  	v15 =	vld [tilespmem:s14+$0xF280]  }
0x11a: {  	v17 =	vld [tilespmem:s14+$0x6300]  }
0x11b: {  	v16 =	vmul.f32 v4, v18;
	v18 =	vld [tilespmem:s14+$0xF300]  }
0x11c: {  	v20 =	vadd.f32 v47, v37;
	v19 =	vld [tilespmem:s14+$0xF380]  }
0x11d: {  	v9 =	vmul.f32 v4, v9;
	v16 =	vadd.f32 v16, v42;
	v11 =	vadd.f32 v12, v11;
	v12 =	vld [tilespmem:s14+$0x6380]  }
0x11e: {  	v13 =	vadd.f32 v15, v13;
	v15 =	vld [tilespmem:s14+$0xF400]  }
0x11f: {  	v14 =	vmul.f32 v4, v14;
	v9 =	vadd.f32 v9, v20;
	v11 =	vadd.f32 v11, v16;
	v16 =	vld [tilespmem:s14+$0x6400]  }
0x120: {  	v8 =	vmul.f32 v4, v8;
	v20 =	vadd.f32 v45, v37;
	v17 =	vadd.f32 v18, v17  }
0x121: {  	v10 =	vmul.f32 v4, v10;
	v14 =	vadd.f32 v14, v41;
	[tilespmem:s14+$0x18200] =	vst v11;
	v11 =	vadd.f32 v43, v37  }
0x122: {  	v8 =	vadd.f32 v8, v20;
	v9 =	vadd.f32 v17, v9  }
0x123: {  	v18 =	vld [tilespmem:s14+$0x6500];
	v10 =	vadd.f32 v10, v11;
	v11 =	vadd.f32 v19, v12  }
0x124: {  	v13 =	vadd.f32 v13, v14;
	v14 =	vld [tilespmem:s14+$0x6480];
	v15 =	vadd.f32 v15, v16  }
0x125: {  	[tilespmem:s14+$0x18300] =	vst v9;
	v12 =	vld [tilespmem:s14+$0xF500];
	v9 =	vadd.f32 v11, v10  }
0x126: {  	[tilespmem:s14+$0x18280] =	vst v13;
	v13 =	vld [tilespmem:s14+$0x6580];
	v8 =	vadd.f32 v15, v8  }
0x127: {  	v10 =	vld [tilespmem:s14+$0xF580];
	[tilespmem:s14+$0x18380] =	vst v9  }
0x128: {  	v6 =	vmul.f32 v4, v6;
	v9 =	vld [tilespmem:s14+$0xF480];
	[tilespmem:s14+$0x18400] =	vst v8;
	v8 =	vadd.f32 v40, v37  }
0x129: {  	v7 =	vmul.f32 v4, v7;
	v11 =	vadd.f32 v38, v37  }
0x12a: {  	v6 =	vadd.f32 v6, v8;
	v8 =	vadd.f32 v12, v18  }
0x12b: {  	v4 =	vmul.f32 v4, v5;
	v7 =	vadd.f32 v7, v11;
	v12 =	vadd.f32 v39, v37  }
0x12c: {  	v5 =	vadd.f32 v8, v6;
	v6 =	vadd.f32 v10, v13  }
0x12d: {  	v4 =	vadd.f32 v4, v12;
	v8 =	vadd.f32 v9, v14  }
0x12e: {  	v6 =	vadd.f32 v6, v7  }
0x12f: {  	s23 =	smul.u32 $0xC0, s9;
	[tilespmem:s14+$0x18500] =	vst v5;
	v4 =	vadd.f32 v8, v4  }
0x130: {  	[tilespmem:s14+$0x18580] =	vst v6  }
0x131: {  	[tilespmem:s14+$0x18480] =	vst v4;
	s14 =	sshra.s32 s23, $0x2  }
0x132: {  	v4 =	vld [tilespmem:s14+$0x30];
	_ =	sdelay $0x4  }
0x133: {  	v5 =	vshrl.u32 v4, $0x3  }
0x134: {  	v5 =	vmul.u32 $0x30, v5  }
0x135: {  	v4 =	vand.u32 $0x7, v4  }
0x136: {  	v4 =	vor.u32 v4, v5  }
0x137: {  	v5 =	vperm.xlane v4, v0;
	_ =	sdelay $0x1  }
0x138: {  	v5 =	vadd.s32 v1, v5;
	_ =	sdelay $0x3  }
0x139: {  	s24 =	simm.s32 $0x4A00;
	v4 =	vperm.xlane v4, v2  }
0x13a: {  	[tilespmem:s24], [sflag:$0x1] =	stream.indirect_vreg.gather [hbm4b:s1+s6], $0x80, v5, vm0, $0xb8;
	[tilespmem:$0x1FA00] =	vst v63  }
0x13b: {  	s8 =	simm.s32 $0x5200;
	v4 =	vadd.s32 v1, v4  }
0x13c: {  	[tilespmem:s8], [sflag:$0x1] =	stream.indirect_vreg.gather [hbm4b:s10+s6], $0x80, v5, vm0, $0xb8;
	[tilespmem:$0x1FA00] =	vst v63  }
0x13d: {  	s19 =	simm.s32 $0x5A00  }
0x13e: {  	[tilespmem:s19], [sflag:$0x1] =	stream.indirect_vreg.gather [hbm4b:s11+s6], $0x80, v5, vm0, $0xb8;
	[tilespmem:$0x1FA00] =	vst v63  }
0x13f: {  	s20 =	simm.s32 $0x6200  }
0x140: {  	[tilespmem:s20], [sflag:$0x1] =	stream.indirect_vreg.gather [hbm4b:s1+s6], $0x80, v4, vm0, $0xb8;
	[tilespmem:$0x1FA00] =	vst v63  }
0x141: {  	s21 =	simm.s32 $0x6A00  }
0x142: {  	[tilespmem:s21], [sflag:$0x1] =	stream.indirect_vreg.gather [hbm4b:s10+s6], $0x80, v4, vm0, $0xb8;
	[tilespmem:$0x1FA00] =	vst v63  }
0x143: {  	s22 =	simm.s32 $0x7200  }
0x144: {  	[tilespmem:s22], [sflag:$0x1] =	stream.indirect_vreg.gather [hbm4b:s11+s6], $0x80, v4, vm0, $0xb8;
	[tilespmem:$0x1FA00] =	vst v63  }
0x145: {  	v4 =	vld [tilespmem:s14+$0x30];
	_ =	sdelay $0x4  }
0x146: {  	v5 =	vshrl.u32 v4, $0x3  }
0x147: {  	v5 =	vmul.u32 $0x30, v5  }
0x148: {  	v4 =	vand.u32 $0x7, v4  }
0x149: {  	v4 =	vor.u32 v4, v5  }
0x14a: {  	v5 =	vperm.xlane v4, v0;
	_ =	sdelay $0x1  }
0x14b: {  	v5 =	vadd.s32 v1, v5;
	_ =	sdelay $0x3  }
0x14c: {  	v4 =	vperm.xlane v4, v2  }
0x14d: {  	[tilespmem:s25], [sflag:$0x1] =	stream.indirect_vreg.gather [hbm4b:s2+s6], $0x80, v5, vm0, $0xb8;
	[tilespmem:$0x1FA00] =	vst v63  }
0x14e: {  	v4 =	vadd.s32 v1, v4  }
0x14f: {  	[tilespmem:s26], [sflag:$0x1] =	stream.indirect_vreg.gather [hbm4b:s12+s6], $0x80, v5, vm0, $0xb8;
	[tilespmem:$0x1FA00] =	vst v63  }
0x150: {  	_ = 	snop  }
0x151: {  	[tilespmem:s28], [sflag:$0x1] =	stream.indirect_vreg.gather [hbm4b:s13+s6], $0x80, v5, vm0, $0xb8;
	[tilespmem:$0x1FA00] =	vst v63  }
0x152: {  	s23 =	sadd.s32 s7, s16  }
0x153: {  	[tilespmem:s29], [sflag:$0x1] =	stream.indirect_vreg.gather [hbm4b:s2+s6], $0x80, v4, vm0, $0xb8;
	[tilespmem:$0x1FA00] =	vst v63  }
0x154: {  	s4 =	sshrl.u32 s23, $0x3  }
0x155: {  	[tilespmem:s30], [sflag:$0x1] =	stream.indirect_vreg.gather [hbm4b:s12+s6], $0x80, v4, vm0, $0xb8;
	[tilespmem:$0x1FA00] =	vst v63  }
0x156: {  	s4 =	smul.u32 $0x300, s4  }
0x157: {  	[tilespmem:s31], [sflag:$0x1] =	stream.indirect_vreg.gather [hbm4b:s13+s6], $0x80, v4, vm0, $0xb8;
	[tilespmem:$0x1FA00] =	vst v63  }
0x158: {  	s4 =	sadd.s32 s5, s4  }
0x159: {  	[hbm4b:s4+s6] =	stream.linear.scatter [tilespmem:s3], [sflag:$0x4], $0x3000, $0x38;
	[tilespmem:$0x1FA00] =	vst v63  }
0x15a: {  	_ =	swait.ge [sflag:s0], $0x3000  }
0x15b: {  	[sflag:s0] =	ssyncset.done $0x0  }
0x15c: {  	[sflag:s0] =	ssyncadd.s32 $0xFFFFD000  }
0x15d: {  	_ =	swait.ge [sflag:s0], $0x3000  }
0x15e: {  	[sflag:s0] =	ssyncset.done $0x0  }
0x15f: {  	s4 =	simm.s32 @!p0 $0x5;
	[sflag:s0] =	ssyncadd.s32 $0xFFFFD000  }
0x160: {  	_ =	swait.ge @!p0 [sflag:s4], $0x3000  }
0x161: {  	[sflag:s4] =	ssyncset.done @!p0 $0x0  }
0x162: {  	[sflag:s4] =	ssyncadd.s32 @!p0 $0xFFFFD000  }
0x163: {  	v4 =	vld [tilespmem:s16+$0x1910];
	_ =	sdelay $0x4  }
0x164: {  	vm1 =	vgt.s32 v4, $0x0  }
0x165: {  	s19 =	simm.s32 $0x0;
	v7 =	vsel vm1, $0x3F800000, v3  }
0x166: {  	s24 =	sand.u32 $0x70, s19;
	s8 =	sand.u32 $0x1C00, s19;
	v11 =	vbroadcast v7, $0x0  }
0x167: {  	s4 =	sor.u32 s24, s8;
	v13 =	vbroadcast v7, $0x1;
	v16 =	vbroadcast v7, $0x2  }
0x168: {  	v58 =	vld [tilespmem:s4+$0x7C00];
	v18 =	vbroadcast v7, $0x3;
	v21 =	vbroadcast v7, $0x4  }
0x169: {  	v59 =	vld [tilespmem:s4+$0x10C00];
	v23 =	vbroadcast v7, $0x5;
	v26 =	vbroadcast v7, $0x6  }
0x16a: {  	v61 =	vld [tilespmem:s4+$0x10A80];
	v28 =	vbroadcast v7, $0x7;
	v29 =	vbroadcast v7, $0x8  }
0x16b: {  	v62 =	vld [tilespmem:s4+$0x7A80];
	v30 =	vbroadcast v7, $0x9;
	v31 =	vbroadcast v7, $0xA  }
0x16c: {  	v45 =	vld [tilespmem:s4+$0x3280];
	vm1 =	vgt.s32 v4, $0x1;
	v32 =	vbroadcast v7, $0xB;
	v33 =	vbroadcast v7, $0xC  }
0x16d: {  	v63 =	vld [tilespmem:s4+$0x7B00];
	v57 =	vsel vm1, $0x3F800000, v3;
	v34 =	vbroadcast v7, $0xD;
	v35 =	vbroadcast v7, $0xE  }
0x16e: {  	v44 =	vld [tilespmem:s4+$0x10D00];
	v36 =	vbroadcast v7, $0xF;
	v12 =	vbroadcast v57, $0x0  }
0x16f: {  	v60 =	vld [tilespmem:s4+$0x10B00];
	v14 =	vbroadcast v57, $0x1;
	v17 =	vbroadcast v57, $0x2  }
0x170: {  	v49 =	vld [tilespmem:s4+$0x10A00];
	v20 =	vbroadcast v57, $0x3;
	v22 =	vbroadcast v57, $0x4  }
0x171: {  	v51 =	vld [tilespmem:s4+$0x7D00];
	v25 =	vbroadcast v57, $0x5;
	v27 =	vbroadcast v57, $0x6  }
0x172: {  	v40 =	vld [tilespmem:s4+$0x7A00];
	v24 =	vbroadcast v57, $0x7;
	v19 =	vbroadcast v57, $0x8  }
0x173: {  	v56 =	vld [tilespmem:s4+$0x10B80];
	v15 =	vbroadcast v57, $0x9;
	v9 =	vbroadcast v57, $0xA  }
0x174: {  	v52 =	vadd.f32 v59, v58;
	v58 =	vld [tilespmem:s4+$0x7B80];
	v10 =	vbroadcast v57, $0xB;
	v8 =	vbroadcast v57, $0xC  }
0x175: {  	v4 =	vld [tilespmem:s4+$0x3300];
	v5 =	vbroadcast v57, $0xD;
	v6 =	vbroadcast v57, $0xE  }
0x176: {  	v37 =	vld [tilespmem:s4+$0x3200];
	v41 =	vadd.f32 v61, v62;
	v7 =	vbroadcast v57, $0xF;
	v61 =	vmul.f32 v45, v13  }
0x177: {  	v43 =	vadd.f32 v60, v63;
	v50 =	vmul.f32 v45, v11;
	v62 =	vmul.f32 v45, v23  }
0x178: {  	v49 =	vadd.f32 v49, v40;
	v53 =	vmul.f32 v45, v26;
	v54 =	vmul.f32 v45, v28  }
0x179: {  	v51 =	vadd.f32 v44, v51;
	v55 =	vmul.f32 v45, v16;
	v57 =	vmul.f32 v45, v18  }
0x17a: {  	v59 =	vmul.f32 v45, v21;
	v56 =	vadd.f32 v56, v58;
	v46 =	vmul.f32 v4, v12  }
0x17b: {  	v60 =	vld [tilespmem:s4+$0x7C80];
	v47 =	vmul.f32 v4, v27;
	v50 =	vadd.f32 v50, v37;
	v42 =	vadd.f32 v61, v37  }
0x17c: {  	v53 =	vadd.f32 v53, v37;
	v38 =	vmul.f32 v4, v17;
	v55 =	vadd.f32 v55, v37;
	v61 =	vld [tilespmem:s4+$0x10C80]  }
0x17d: {  	v48 =	vmul.f32 v4, v20;
	v39 =	vadd.f32 v62, v37;
	v57 =	vadd.f32 v57, v37  }
0x17e: {  	v63 =	vmul.f32 v4, v14;
	v62 =	vmul.f32 v4, v25;
	v55 =	vadd.f32 v38, v55  }
0x17f: {  	v44 =	vadd.f32 v48, v57;
	v38 =	vmul.f32 v45, v36;
	v46 =	vadd.f32 v46, v50  }
0x180: {  	v40 =	vadd.f32 v63, v42;
	v42 =	vmul.f32 v4, v22;
	v63 =	vadd.f32 v59, v37  }
0x181: {  	v48 =	vadd.f32 v62, v39;
	v39 =	vmul.f32 v45, v34;
	v62 =	vadd.f32 v61, v60  }
0x182: {  	v41 =	vadd.f32 v41, v40;
	v50 =	vadd.f32 v42, v63;
	v40 =	vmul.f32 v45, v35  }
0x183: {  	v44 =	vadd.f32 v56, v44;
	v42 =	vmul.f32 v45, v32;
	v63 =	vadd.f32 v62, v48  }
0x184: {  	v59 =	vadd.f32 v43, v55;
	v60 =	vadd.f32 v47, v53;
	v61 =	vmul.f32 v45, v30;
	[tilespmem:s4+$0x19A80] =	vst v41  }
0x185: {  	v62 =	vadd.f32 v49, v46;
	v48 =	vadd.f32 v52, v50;
	[tilespmem:s4+$0x19C80] =	vst v63;
	v63 =	vmul.f32 v45, v29  }
0x186: {  	v47 =	vmul.f32 v45, v31;
	[tilespmem:s4+$0x19B00] =	vst v59;
	v49 =	vadd.f32 v51, v60;
	v46 =	vadd.f32 v54, v37  }
0x187: {  	s20 =	sor.u32 s19, s19;
	s21 =	simm.s32 $0x10;
	s8 =	sadd.s32 $0x10, s16;
	v41 =	vadd.f32 v61, v37;
	[tilespmem:s4+$0x19A00] =	vst v62;
	v45 =	vmul.f32 v45, v33;
	v43 =	vadd.f32 v63, v37  }
.LBB2_7:
0x188: {  	p1 =	sne.s32 s21, $0x2F0  }
0x189: {  	[tilespmem:s4+$0x19C00] =	vst v48;
	v47 =	vadd.f32 v47, v37;
	v42 =	vadd.f32 v42, v37;
	s19 =	sadd.s32 $0x80, s19;
	s22 =	smov.u32 s21;
	s21 =	sadd.s32 $0x10, s21  }
0x18a: {  	v40 =	vadd.f32 v40, v37;
	s23 =	sor.u32 s19, s22;
	[tilespmem:s4+$0x19D00] =	vst v49;
	v45 =	vadd.f32 v45, v37  }
0x18b: {  	s24 =	sor.u32 $0x380, s20;
	v39 =	vadd.f32 v39, v37;
	v37 =	vadd.f32 v38, v37;
	[tilespmem:s4+$0x19B80] =	vst v44;
	v44 =	vmul.f32 v4, v24;
	s20 =	smov.u32 s23  }
0x18c: {  	v38 =	vld [tilespmem:s24+$0x7A00]  }
0x18d: {  	v44 =	vadd.f32 v44, v46;
	v46 =	vld [tilespmem:s24+$0x10A00];
	_ =	sdelay $0x4  }
0x18e: {  	v38 =	vadd.f32 v46, v38;
	_ =	sdelay $0x1  }
0x18f: {  	v38 =	vadd.f32 v38, v44;
	_ =	sdelay $0x1  }
0x190: {  	[tilespmem:s24+$0x19A00] =	vst v38  }
0x191: {  	v38 =	vld [tilespmem:s4+$0x9200]  }
0x192: {  	v44 =	vld [tilespmem:s4+$0x12200]  }
0x193: {  	v46 =	vld [tilespmem:s4+$0x9280]  }
0x194: {  	v48 =	vld [tilespmem:s4+$0x12280]  }
0x195: {  	v49 =	vmul.f32 v4, v19;
	v50 =	vld [tilespmem:s4+$0x9300]  }
0x196: {  	v51 =	vmul.f32 v4, v15;
	v52 =	vld [tilespmem:s4+$0x12300]  }
0x197: {  	v43 =	vadd.f32 v49, v43;
	v38 =	vadd.f32 v44, v38;
	v44 =	vld [tilespmem:s4+$0x9380]  }
0x198: {  	v41 =	vadd.f32 v51, v41;
	v49 =	vmul.f32 v4, v9;
	v51 =	vld [tilespmem:s4+$0x12380]  }
0x199: {  	v38 =	vadd.f32 v38, v43;
	v43 =	vadd.f32 v48, v46;
	v46 =	vld [tilespmem:s4+$0x9400]  }
0x19a: {  	v47 =	vadd.f32 v49, v47;
	v48 =	vmul.f32 v4, v10;
	v49 =	vld [tilespmem:s4+$0x12400]  }
0x19b: {  	[tilespmem:s4+$0x1B200] =	vst v38;
	v38 =	vadd.f32 v43, v41;
	v41 =	vadd.f32 v52, v50;
	v43 =	vld [tilespmem:s4+$0x9480]  }
0x19c: {  	v42 =	vadd.f32 v48, v42;
	v48 =	vmul.f32 v4, v8;
	v50 =	vld [tilespmem:s4+$0x9500]  }
0x19d: {  	s22 =	sand.u32 $0x70, s22;
	s23 =	sand.u32 $0x1C00, s19;
	[tilespmem:s4+$0x1B280] =	vst v38;
	v38 =	vadd.f32 v41, v47;
	v41 =	vadd.f32 v51, v44;
	v44 =	vld [tilespmem:s4+$0x12500]  }
0x19e: {  	s22 =	sor.u32 s22, s23;
	v45 =	vadd.f32 v48, v45;
	v47 =	vld [tilespmem:s4+$0x9580]  }
0x19f: {  	[tilespmem:s4+$0x1B300] =	vst v38;
	v38 =	vadd.f32 v41, v42;
	v41 =	vadd.f32 v49, v46;
	v42 =	vld [tilespmem:s4+$0x12580]  }
0x1a0: {  	v46 =	vmul.f32 v4, v6  }
0x1a1: {  	v48 =	vld [tilespmem:s22+$0x3300];
	[tilespmem:s4+$0x1B380] =	vst v38;
	v38 =	vadd.f32 v41, v45;
	v41 =	vmul.f32 v4, v7  }
0x1a2: {  	v40 =	vadd.f32 v46, v40;
	v44 =	vadd.f32 v44, v50  }
0x1a3: {  	[tilespmem:s4+$0x1B400] =	vst v38;
	v37 =	vadd.f32 v41, v37  }
0x1a4: {  	v38 =	vld [tilespmem:s22+$0x7C00];
	v40 =	vadd.f32 v44, v40;
	v41 =	vadd.f32 v42, v47  }
0x1a5: {  	v42 =	vld [tilespmem:s4+$0x12480]  }
0x1a6: {  	v44 =	vmul.f32 v48, v12;
	v45 =	vld [tilespmem:s22+$0x10C00];
	v46 =	vmul.f32 v48, v27;
	[tilespmem:s4+$0x1B500] =	vst v40;
	v37 =	vadd.f32 v41, v37  }
0x1a7: {  	v41 =	vmul.f32 v48, v20;
	v40 =	vld [tilespmem:s22+$0x10A80]  }
0x1a8: {  	v49 =	vmul.f32 v4, v5;
	v4 =	vmov v48;
	v47 =	vld [tilespmem:s22+$0x7A80];
	[tilespmem:s4+$0x1B580] =	vst v37  }
0x1a9: {  	v50 =	vld [tilespmem:s22+$0x3280]  }
0x1aa: {  	v39 =	vadd.f32 v49, v39;
	v48 =	vld [tilespmem:s22+$0x7B00];
	v42 =	vadd.f32 v42, v43  }
0x1ab: {  	v43 =	vld [tilespmem:s22+$0x10D00]  }
0x1ac: {  	v37 =	vld [tilespmem:s22+$0x3200];
	v39 =	vadd.f32 v42, v39  }
0x1ad: {  	v40 =	vadd.f32 v40, v47;
	v42 =	vld [tilespmem:s22+$0x10B00]  }
0x1ae: {  	v45 =	vadd.f32 v45, v38;
	v47 =	vld [tilespmem:s22+$0x10A00];
	v49 =	vmul.f32 v50, v13;
	v38 =	vmul.f32 v50, v23;
	[tilespmem:s4+$0x1B480] =	vst v39;
	s4 =	smov.u32 s22  }
0x1af: {  	v39 =	vmul.f32 v50, v11;
	v52 =	vmul.f32 v50, v28;
	v51 =	vld [tilespmem:s4+$0x7D00]  }
0x1b0: {  	v54 =	vmul.f32 v50, v21;
	v55 =	vmul.f32 v50, v26;
	v53 =	vld [tilespmem:s4+$0x7A00]  }
0x1b1: {  	v57 =	vmul.f32 v50, v18;
	v56 =	vadd.f32 v39, v37;
	v39 =	vmul.f32 v50, v16;
	v58 =	vld [tilespmem:s4+$0x10B80]  }
0x1b2: {  	v59 =	vmul.f32 v4, v17;
	v49 =	vadd.f32 v49, v37;
	v55 =	vadd.f32 v55, v37;
	v60 =	vld [tilespmem:s4+$0x7B80]  }
0x1b3: {  	v48 =	vadd.f32 v42, v48;
	v42 =	vadd.f32 v38, v37;
	v38 =	vmul.f32 v50, v36;
	v61 =	vld [tilespmem:s4+$0x7C80]  }
0x1b4: {  	v57 =	vadd.f32 v57, v37;
	v62 =	vadd.f32 v39, v37;
	v39 =	vmul.f32 v50, v34;
	v63 =	vld [tilespmem:s4+$0x10C80]  }
0x1b5: {  	v43 =	vadd.f32 v43, v51;
	v47 =	vadd.f32 v47, v53;
	v53 =	vmul.f32 v4, v14  }
0x1b6: {  	v41 =	vadd.f32 v41, v57;
	v57 =	vmul.f32 v4, v25;
	v51 =	vadd.f32 v59, v62  }
0x1b7: {  	v56 =	vadd.f32 v44, v56;
	v44 =	vadd.f32 v53, v49;
	v49 =	vmul.f32 v4, v22  }
0x1b8: {  	v42 =	vadd.f32 v57, v42;
	v53 =	vadd.f32 v54, v37  }
0x1b9: {  	v54 =	vadd.f32 v58, v60;
	v57 =	vadd.f32 v63, v61  }
0x1ba: {  	v58 =	vadd.f32 v40, v44;
	v49 =	vadd.f32 v49, v53;
	v40 =	vmul.f32 v50, v35  }
.Ltmp2:
0x1bb: {  	v44 =	vadd.f32 v54, v41;
	v41 =	vadd.f32 v57, v42;
	v42 =	vmul.f32 v50, v32;
	(pc) =	sbr.rel @p1 .LBB2_7-.Ltmp2, $4  }
0x1bc: {  	v46 =	vadd.f32 v46, v55;
	v51 =	vadd.f32 v48, v51;
	v53 =	vmul.f32 v50, v30;
	[tilespmem:s4+$0x19A80] =	vst v58  }
0x1bd: {  	v54 =	vadd.f32 v47, v56;
	v48 =	vadd.f32 v45, v49;
	[tilespmem:s4+$0x19C80] =	vst v41;
	v41 =	vmul.f32 v50, v29  }
0x1be: {  	v47 =	vmul.f32 v50, v31;
	v49 =	vadd.f32 v43, v46;
	v46 =	vadd.f32 v52, v37;
	[tilespmem:s4+$0x19B00] =	vst v51  }
0x1bf: {  	v45 =	vmul.f32 v50, v33;
	[tilespmem:s4+$0x19A00] =	vst v54;
	v43 =	vadd.f32 v41, v37;
	v41 =	vadd.f32 v53, v37  }
0x1c0: {  	[tilespmem:s4+$0x19C00] =	vst v48  }
0x1c1: {  	[tilespmem:s4+$0x19D00] =	vst v49  }
0x1c2: {  	[tilespmem:s4+$0x19B80] =	vst v44;
	s19 =	sor.u32 $0x380, s20  }
0x1c3: {  	v11 =	vld [tilespmem:s19+$0x7A00]  }
0x1c4: {  	v12 =	vld [tilespmem:s19+$0x10A00];
	_ =	sdelay $0x2  }
0x1c5: {  	v13 =	vmul.f32 v4, v24;
	_ =	sdelay $0x1  }
0x1c6: {  	v13 =	vadd.f32 v13, v46;
	v11 =	vadd.f32 v12, v11;
	_ =	sdelay $0x1  }
0x1c7: {  	v11 =	vadd.f32 v11, v13;
	_ =	sdelay $0x1  }
0x1c8: {  	[tilespmem:s19+$0x19A00] =	vst v11  }
0x1c9: {  	v11 =	vld [tilespmem:s4+$0x9200]  }
0x1ca: {  	v12 =	vld [tilespmem:s4+$0x12200]  }
0x1cb: {  	v13 =	vld [tilespmem:s4+$0x9280]  }
0x1cc: {  	v14 =	vld [tilespmem:s4+$0x12280]  }
0x1cd: {  	v17 =	vld [tilespmem:s4+$0x9300]  }
0x1ce: {  	v16 =	vmul.f32 v4, v19;
	v18 =	vld [tilespmem:s4+$0x12300]  }
0x1cf: {  	v20 =	vadd.f32 v47, v37;
	v19 =	vld [tilespmem:s4+$0x12380]  }
0x1d0: {  	v9 =	vmul.f32 v4, v9;
	v16 =	vadd.f32 v16, v43;
	v11 =	vadd.f32 v12, v11;
	v12 =	vld [tilespmem:s4+$0x9380]  }
0x1d1: {  	v13 =	vadd.f32 v14, v13;
	v14 =	vld [tilespmem:s4+$0x12400]  }
0x1d2: {  	v15 =	vmul.f32 v4, v15;
	v9 =	vadd.f32 v9, v20;
	v11 =	vadd.f32 v11, v16;
	v16 =	vld [tilespmem:s4+$0x9400]  }
0x1d3: {  	v8 =	vmul.f32 v4, v8;
	v20 =	vadd.f32 v45, v37;
	v17 =	vadd.f32 v18, v17  }
0x1d4: {  	v10 =	vmul.f32 v4, v10;
	v15 =	vadd.f32 v15, v41;
	[tilespmem:s4+$0x1B200] =	vst v11;
	v11 =	vadd.f32 v42, v37  }
0x1d5: {  	v8 =	vadd.f32 v8, v20;
	v9 =	vadd.f32 v17, v9  }
0x1d6: {  	v18 =	vld [tilespmem:s4+$0x9500];
	v10 =	vadd.f32 v10, v11;
	v11 =	vadd.f32 v19, v12  }
0x1d7: {  	v13 =	vadd.f32 v13, v15;
	v15 =	vld [tilespmem:s4+$0x9480];
	v14 =	vadd.f32 v14, v16  }
0x1d8: {  	[tilespmem:s4+$0x1B300] =	vst v9;
	v12 =	vld [tilespmem:s4+$0x12500];
	v9 =	vadd.f32 v11, v10  }
0x1d9: {  	[tilespmem:s4+$0x1B280] =	vst v13;
	v13 =	vld [tilespmem:s4+$0x9580];
	v8 =	vadd.f32 v14, v8  }
0x1da: {  	v10 =	vld [tilespmem:s4+$0x12580];
	[tilespmem:s4+$0x1B380] =	vst v9  }
0x1db: {  	v6 =	vmul.f32 v4, v6;
	v9 =	vld [tilespmem:s4+$0x12480];
	[tilespmem:s4+$0x1B400] =	vst v8;
	v8 =	vadd.f32 v40, v37  }
0x1dc: {  	v7 =	vmul.f32 v4, v7;
	v11 =	vadd.f32 v38, v37  }
0x1dd: {  	v6 =	vadd.f32 v6, v8;
	v8 =	vadd.f32 v12, v18  }
0x1de: {  	v4 =	vmul.f32 v4, v5;
	v7 =	vadd.f32 v7, v11;
	v12 =	vadd.f32 v39, v37  }
0x1df: {  	v5 =	vadd.f32 v8, v6;
	v6 =	vadd.f32 v10, v13  }
0x1e0: {  	v4 =	vadd.f32 v4, v12;
	v8 =	vadd.f32 v9, v15  }
0x1e1: {  	v6 =	vadd.f32 v6, v7  }
0x1e2: {  	[tilespmem:s4+$0x1B500] =	vst v5;
	v4 =	vadd.f32 v8, v4  }
0x1e3: {  	[tilespmem:s4+$0x1B580] =	vst v6  }
0x1e4: {  	p1 =	seq.s32 s9, $0x84;
	[tilespmem:s4+$0x1B480] =	vst v4  }
0x1e5: {  	v4 =	vld @!p1 [tilespmem:s14+$0x40];
	_ =	sdelay $0x4  }
0x1e6: {  	v5 =	vshrl.u32 @!p1 v4, $0x3  }
0x1e7: {  	v5 =	vmul.u32 @!p1 $0x30, v5  }
0x1e8: {  	v6 =	vlaneseq.u32 @!p1;
	v4 =	vand.u32 @!p1 $0x7, v4  }
0x1e9: {  	v7 =	vshrl.u32 @!p1 v6, $0x3;
	v4 =	vor.u32 @!p1 v4, v5;
	v5 =	vand.u32 @!p1 $0x7, v6  }
0x1ea: {  	v7 =	vmul.u32 @!p1 $0x8, v7;
	v8 =	vperm.xlane @!p1 v4, v5;
	_ =	sdelay $0x1  }
0x1eb: {  	v8 =	vadd.s32 @!p1 v7, v8;
	_ =	sdelay $0x2  }
0x1ec: {  	v6 =	vor.u32 @!p1 $0x8, v6  }
0x1ed: {  	vm1 =	vmmov @!p1 $0xffff;
	s19 =	simm.s32 @!p1 $0x7A00;
	s4 =	simm.s32 @!p1 $0x0;
	v4 =	vperm.xlane @!p1 v4, v6  }
0x1ee: {  	[tilespmem:s19], [sflag:$0x2] =	stream.indirect_vreg.gather @!p1 [hbm4b:s1+s4], $0x80, v8, vm1, $0xb8;
	[tilespmem:$0x1FA00] =	vst v63  }
0x1ef: {  	v4 =	vadd.s32 @!p1 v7, v4;
	s19 =	simm.s32 @!p1 $0x8200  }
0x1f0: {  	[tilespmem:s19], [sflag:$0x2] =	stream.indirect_vreg.gather @!p1 [hbm4b:s10+s4], $0x80, v8, vm1, $0xb8;
	[tilespmem:$0x1FA00] =	vst v63  }
0x1f1: {  	s19 =	simm.s32 @!p1 $0x8A00  }
0x1f2: {  	[tilespmem:s19], [sflag:$0x2] =	stream.indirect_vreg.gather @!p1 [hbm4b:s11+s4], $0x80, v8, vm1, $0xb8;
	[tilespmem:$0x1FA00] =	vst v63  }
0x1f3: {  	s19 =	simm.s32 @!p1 $0x9200  }
0x1f4: {  	[tilespmem:s19], [sflag:$0x2] =	stream.indirect_vreg.gather @!p1 [hbm4b:s1+s4], $0x80, v4, vm1, $0xb8;
	[tilespmem:$0x1FA00] =	vst v63  }
0x1f5: {  	s19 =	simm.s32 @!p1 $0x9A00  }
0x1f6: {  	[tilespmem:s19], [sflag:$0x2] =	stream.indirect_vreg.gather @!p1 [hbm4b:s10+s4], $0x80, v4, vm1, $0xb8;
	[tilespmem:$0x1FA00] =	vst v63  }
0x1f7: {  	s19 =	simm.s32 @!p1 $0xA200  }
0x1f8: {  	[tilespmem:s19], [sflag:$0x2] =	stream.indirect_vreg.gather @!p1 [hbm4b:s11+s4], $0x80, v4, vm1, $0xb8;
	[tilespmem:$0x1FA00] =	vst v63  }
0x1f9: {  	v4 =	vld @!p1 [tilespmem:s14+$0x40];
	_ =	sdelay $0x4  }
0x1fa: {  	v8 =	vshrl.u32 @!p1 v4, $0x3  }
0x1fb: {  	v8 =	vmul.u32 @!p1 $0x30, v8  }
0x1fc: {  	v4 =	vand.u32 @!p1 $0x7, v4  }
0x1fd: {  	v4 =	vor.u32 @!p1 v4, v8  }
0x1fe: {  	v5 =	vperm.xlane @!p1 v4, v5;
	_ =	sdelay $0x1  }
0x1ff: {  	v5 =	vadd.s32 @!p1 v7, v5;
	_ =	sdelay $0x3  }
0x200: {  	s19 =	simm.s32 @!p1 $0x10A00;
	v4 =	vperm.xlane @!p1 v4, v6  }
0x201: {  	[tilespmem:s19], [sflag:$0x2] =	stream.indirect_vreg.gather @!p1 [hbm4b:s2+s4], $0x80, v5, vm1, $0xb8;
	[tilespmem:$0x1FA00] =	vst v63  }
0x202: {  	v4 =	vadd.s32 @!p1 v7, v4;
	s19 =	simm.s32 @!p1 $0x11200  }
0x203: {  	[tilespmem:s19], [sflag:$0x2] =	stream.indirect_vreg.gather @!p1 [hbm4b:s12+s4], $0x80, v5, vm1, $0xb8;
	[tilespmem:$0x1FA00] =	vst v63  }
0x204: {  	s19 =	simm.s32 @!p1 $0x11A00  }
0x205: {  	[tilespmem:s19], [sflag:$0x2] =	stream.indirect_vreg.gather @!p1 [hbm4b:s13+s4], $0x80, v5, vm1, $0xb8;
	[tilespmem:$0x1FA00] =	vst v63  }
0x206: {  	s8 =	sadd.s32 s7, s8;
	s19 =	simm.s32 @!p1 $0x12200  }
0x207: {  	[tilespmem:s19], [sflag:$0x2] =	stream.indirect_vreg.gather @!p1 [hbm4b:s2+s4], $0x80, v4, vm1, $0xb8;
	[tilespmem:$0x1FA00] =	vst v63  }
0x208: {  	s8 =	sshrl.u32 s8, $0x3;
	s19 =	simm.s32 @!p1 $0x12A00  }
0x209: {  	[tilespmem:s19], [sflag:$0x2] =	stream.indirect_vreg.gather @!p1 [hbm4b:s12+s4], $0x80, v4, vm1, $0xb8;
	[tilespmem:$0x1FA00] =	vst v63  }
0x20a: {  	s8 =	smul.u32 $0x300, s8;
	s19 =	simm.s32 @!p1 $0x13200  }
0x20b: {  	[tilespmem:s19], [sflag:$0x2] =	stream.indirect_vreg.gather @!p1 [hbm4b:s13+s4], $0x80, v4, vm1, $0xb8;
	[tilespmem:$0x1FA00] =	vst v63  }
0x20c: {  	s22 =	simm.s32 $0x19A00;
	s21 =	sadd.s32 s5, s8  }
0x20d: {  	[hbm4b:s21+s6] =	stream.linear.scatter [tilespmem:s22], [sflag:$0x5], $0x3000, $0x38;
	[tilespmem:$0x1FA00] =	vst v63  }
0x20e: {  	_ =	swait.ge [sflag:s17], $0x3000  }
0x20f: {  	[sflag:s17] =	ssyncset.done $0x0  }
0x210: {  	[sflag:s17] =	ssyncadd.s32 $0xFFFFD000  }
0x211: {  	_ =	swait.ge [sflag:s17], $0x3000  }
0x212: {  	[sflag:s17] =	ssyncset.done $0x0  }
0x213: {  	s4 =	simm.s32 @!p0 $0x6;
	[sflag:s17] =	ssyncadd.s32 $0xFFFFD000  }
0x214: {  	_ =	swait.ge @!p0 [sflag:s4], $0x3000  }
0x215: {  	[sflag:s4] =	ssyncset.done @!p0 $0x0  }
0x216: {  	[sflag:s4] =	ssyncadd.s32 @!p0 $0xFFFFD000  }
0x217: {  	v4 =	vld [tilespmem:s16+$0x1920];
	_ =	sdelay $0x4  }
0x218: {  	vm2 =	vgt.s32 v4, $0x0  }
0x219: {  	s19 =	simm.s32 $0x0;
	v7 =	vsel vm2, $0x3F800000, v3  }
0x21a: {  	s23 =	sand.u32 $0x70, s19;
	s24 =	sand.u32 $0x1C00, s19;
	v11 =	vbroadcast v7, $0x0  }
0x21b: {  	s4 =	sor.u32 s23, s24;
	v13 =	vbroadcast v7, $0x1;
	v16 =	vbroadcast v7, $0x2  }
0x21c: {  	v58 =	vld [tilespmem:s4+$0xAC00];
	v18 =	vbroadcast v7, $0x3;
	v21 =	vbroadcast v7, $0x4  }
0x21d: {  	v59 =	vld [tilespmem:s4+$0x13C00];
	v23 =	vbroadcast v7, $0x5;
	v26 =	vbroadcast v7, $0x6  }
0x21e: {  	v61 =	vld [tilespmem:s4+$0x13A80];
	v28 =	vbroadcast v7, $0x7;
	v29 =	vbroadcast v7, $0x8  }
0x21f: {  	v62 =	vld [tilespmem:s4+$0xAA80];
	v30 =	vbroadcast v7, $0x9;
	v31 =	vbroadcast v7, $0xA  }
0x220: {  	v45 =	vld [tilespmem:s4+$0x3280];
	vm2 =	vgt.s32 v4, $0x1;
	v32 =	vbroadcast v7, $0xB;
	v33 =	vbroadcast v7, $0xC  }
0x221: {  	v63 =	vld [tilespmem:s4+$0xAB00];
	v57 =	vsel vm2, $0x3F800000, v3;
	v34 =	vbroadcast v7, $0xD;
	v35 =	vbroadcast v7, $0xE  }
0x222: {  	v44 =	vld [tilespmem:s4+$0x13D00];
	v36 =	vbroadcast v7, $0xF;
	v12 =	vbroadcast v57, $0x0  }
0x223: {  	v60 =	vld [tilespmem:s4+$0x13B00];
	v14 =	vbroadcast v57, $0x1;
	v17 =	vbroadcast v57, $0x2  }
0x224: {  	v49 =	vld [tilespmem:s4+$0x13A00];
	v20 =	vbroadcast v57, $0x3;
	v22 =	vbroadcast v57, $0x4  }
0x225: {  	v51 =	vld [tilespmem:s4+$0xAD00];
	v25 =	vbroadcast v57, $0x5;
	v27 =	vbroadcast v57, $0x6  }
0x226: {  	v40 =	vld [tilespmem:s4+$0xAA00];
	v24 =	vbroadcast v57, $0x7;
	v19 =	vbroadcast v57, $0x8  }
0x227: {  	v56 =	vld [tilespmem:s4+$0x13B80];
	v15 =	vbroadcast v57, $0x9;
	v9 =	vbroadcast v57, $0xA  }
0x228: {  	v52 =	vadd.f32 v59, v58;
	v58 =	vld [tilespmem:s4+$0xAB80];
	v10 =	vbroadcast v57, $0xB;
	v8 =	vbroadcast v57, $0xC  }
0x229: {  	v4 =	vld [tilespmem:s4+$0x3300];
	v5 =	vbroadcast v57, $0xD;
	v6 =	vbroadcast v57, $0xE  }
0x22a: {  	v37 =	vld [tilespmem:s4+$0x3200];
	v41 =	vadd.f32 v61, v62;
	v7 =	vbroadcast v57, $0xF;
	v61 =	vmul.f32 v45, v13  }
0x22b: {  	v43 =	vadd.f32 v60, v63;
	v50 =	vmul.f32 v45, v11;
	v62 =	vmul.f32 v45, v23  }
0x22c: {  	v49 =	vadd.f32 v49, v40;
	v53 =	vmul.f32 v45, v26;
	v54 =	vmul.f32 v45, v28  }
0x22d: {  	v51 =	vadd.f32 v44, v51;
	v55 =	vmul.f32 v45, v16;
	v57 =	vmul.f32 v45, v18  }
0x22e: {  	v59 =	vmul.f32 v45, v21;
	v56 =	vadd.f32 v56, v58;
	v46 =	vmul.f32 v4, v12  }
0x22f: {  	v60 =	vld [tilespmem:s4+$0xAC80];
	v47 =	vmul.f32 v4, v27;
	v50 =	vadd.f32 v50, v37;
	v42 =	vadd.f32 v61, v37  }
0x230: {  	v53 =	vadd.f32 v53, v37;
	v38 =	vmul.f32 v4, v17;
	v55 =	vadd.f32 v55, v37;
	v61 =	vld [tilespmem:s4+$0x13C80]  }
0x231: {  	v48 =	vmul.f32 v4, v20;
	v39 =	vadd.f32 v62, v37;
	v57 =	vadd.f32 v57, v37  }
0x232: {  	v63 =	vmul.f32 v4, v14;
	v62 =	vmul.f32 v4, v25;
	v55 =	vadd.f32 v38, v55  }
0x233: {  	v44 =	vadd.f32 v48, v57;
	v38 =	vmul.f32 v45, v36;
	v46 =	vadd.f32 v46, v50  }
0x234: {  	v40 =	vadd.f32 v63, v42;
	v42 =	vmul.f32 v4, v22;
	v63 =	vadd.f32 v59, v37  }
0x235: {  	v48 =	vadd.f32 v62, v39;
	v39 =	vmul.f32 v45, v34;
	v62 =	vadd.f32 v61, v60  }
0x236: {  	v41 =	vadd.f32 v41, v40;
	v50 =	vadd.f32 v42, v63;
	v40 =	vmul.f32 v45, v35  }
0x237: {  	v44 =	vadd.f32 v56, v44;
	v42 =	vmul.f32 v45, v32;
	v63 =	vadd.f32 v62, v48  }
0x238: {  	v59 =	vadd.f32 v43, v55;
	v60 =	vadd.f32 v47, v53;
	v61 =	vmul.f32 v45, v30;
	[tilespmem:s4+$0x1CA80] =	vst v41  }
0x239: {  	v62 =	vadd.f32 v49, v46;
	v48 =	vadd.f32 v52, v50;
	[tilespmem:s4+$0x1CC80] =	vst v63;
	v63 =	vmul.f32 v45, v29  }
0x23a: {  	v47 =	vmul.f32 v45, v31;
	[tilespmem:s4+$0x1CB00] =	vst v59;
	v49 =	vadd.f32 v51, v60;
	v46 =	vadd.f32 v54, v37  }
0x23b: {  	s20 =	simm.s32 $0x10;
	s8 =	sadd.s32 $0x20, s16;
	s16 =	sor.u32 s19, s19;
	v41 =	vadd.f32 v61, v37;
	[tilespmem:s4+$0x1CA00] =	vst v62;
	v45 =	vmul.f32 v45, v33;
	v43 =	vadd.f32 v63, v37  }
.LBB2_9:
0x23c: {  	p0 =	sne.s32 s20, $0x2F0  }
0x23d: {  	[tilespmem:s4+$0x1CC00] =	vst v48;
	v47 =	vadd.f32 v47, v37;
	v42 =	vadd.f32 v42, v37;
	s19 =	sadd.s32 $0x80, s19;
	s21 =	smov.u32 s20;
	s20 =	sadd.s32 $0x10, s20  }
0x23e: {  	v40 =	vadd.f32 v40, v37;
	s22 =	sor.u32 s19, s21;
	[tilespmem:s4+$0x1CD00] =	vst v49;
	v45 =	vadd.f32 v45, v37  }
0x23f: {  	s23 =	sor.u32 $0x380, s16;
	v39 =	vadd.f32 v39, v37;
	v37 =	vadd.f32 v38, v37;
	[tilespmem:s4+$0x1CB80] =	vst v44;
	v44 =	vmul.f32 v4, v24;
	s16 =	smov.u32 s22  }
0x240: {  	v38 =	vld [tilespmem:s23+$0xAA00]  }
0x241: {  	v44 =	vadd.f32 v44, v46;
	v46 =	vld [tilespmem:s23+$0x13A00];
	_ =	sdelay $0x4  }
0x242: {  	v38 =	vadd.f32 v46, v38;
	_ =	sdelay $0x1  }
0x243: {  	v38 =	vadd.f32 v38, v44;
	_ =	sdelay $0x1  }
0x244: {  	[tilespmem:s23+$0x1CA00] =	vst v38  }
0x245: {  	v38 =	vld [tilespmem:s4+$0xC200]  }
0x246: {  	v44 =	vld [tilespmem:s4+$0x15200]  }
0x247: {  	v46 =	vld [tilespmem:s4+$0xC280]  }
0x248: {  	v48 =	vld [tilespmem:s4+$0x15280]  }
0x249: {  	v49 =	vmul.f32 v4, v19;
	v50 =	vld [tilespmem:s4+$0xC300]  }
0x24a: {  	v51 =	vmul.f32 v4, v15;
	v52 =	vld [tilespmem:s4+$0x15300]  }
0x24b: {  	v43 =	vadd.f32 v49, v43;
	v38 =	vadd.f32 v44, v38;
	v44 =	vld [tilespmem:s4+$0xC380]  }
0x24c: {  	v41 =	vadd.f32 v51, v41;
	v49 =	vmul.f32 v4, v9;
	v51 =	vld [tilespmem:s4+$0x15380]  }
0x24d: {  	v38 =	vadd.f32 v38, v43;
	v43 =	vadd.f32 v48, v46;
	v46 =	vld [tilespmem:s4+$0xC400]  }
0x24e: {  	v47 =	vadd.f32 v49, v47;
	v48 =	vmul.f32 v4, v10;
	v49 =	vld [tilespmem:s4+$0x15400]  }
0x24f: {  	[tilespmem:s4+$0x1E200] =	vst v38;
	v38 =	vadd.f32 v43, v41;
	v41 =	vadd.f32 v52, v50;
	v43 =	vld [tilespmem:s4+$0xC480]  }
0x250: {  	v42 =	vadd.f32 v48, v42;
	v48 =	vmul.f32 v4, v8;
	v50 =	vld [tilespmem:s4+$0xC500]  }
0x251: {  	s21 =	sand.u32 $0x70, s21;
	s22 =	sand.u32 $0x1C00, s19;
	[tilespmem:s4+$0x1E280] =	vst v38;
	v38 =	vadd.f32 v41, v47;
	v41 =	vadd.f32 v51, v44;
	v44 =	vld [tilespmem:s4+$0x15500]  }
0x252: {  	s21 =	sor.u32 s21, s22;
	v45 =	vadd.f32 v48, v45;
	v47 =	vld [tilespmem:s4+$0xC580]  }
0x253: {  	[tilespmem:s4+$0x1E300] =	vst v38;
	v38 =	vadd.f32 v41, v42;
	v41 =	vadd.f32 v49, v46;
	v42 =	vld [tilespmem:s4+$0x15580]  }
0x254: {  	v46 =	vmul.f32 v4, v6  }
0x255: {  	v48 =	vld [tilespmem:s21+$0x3300];
	[tilespmem:s4+$0x1E380] =	vst v38;
	v38 =	vadd.f32 v41, v45;
	v41 =	vmul.f32 v4, v7  }
0x256: {  	v40 =	vadd.f32 v46, v40;
	v44 =	vadd.f32 v44, v50  }
0x257: {  	[tilespmem:s4+$0x1E400] =	vst v38;
	v37 =	vadd.f32 v41, v37  }
0x258: {  	v38 =	vld [tilespmem:s21+$0xAC00];
	v40 =	vadd.f32 v44, v40;
	v41 =	vadd.f32 v42, v47  }
0x259: {  	v42 =	vld [tilespmem:s4+$0x15480]  }
0x25a: {  	v44 =	vmul.f32 v48, v12;
	v45 =	vld [tilespmem:s21+$0x13C00];
	v46 =	vmul.f32 v48, v27;
	[tilespmem:s4+$0x1E500] =	vst v40;
	v37 =	vadd.f32 v41, v37  }
0x25b: {  	v41 =	vmul.f32 v48, v20;
	v40 =	vld [tilespmem:s21+$0x13A80]  }
0x25c: {  	v49 =	vmul.f32 v4, v5;
	v4 =	vmov v48;
	v47 =	vld [tilespmem:s21+$0xAA80];
	[tilespmem:s4+$0x1E580] =	vst v37  }
0x25d: {  	v50 =	vld [tilespmem:s21+$0x3280]  }
0x25e: {  	v39 =	vadd.f32 v49, v39;
	v48 =	vld [tilespmem:s21+$0xAB00];
	v42 =	vadd.f32 v42, v43  }
0x25f: {  	v43 =	vld [tilespmem:s21+$0x13D00]  }
0x260: {  	v37 =	vld [tilespmem:s21+$0x3200];
	v39 =	vadd.f32 v42, v39  }
0x261: {  	v40 =	vadd.f32 v40, v47;
	v42 =	vld [tilespmem:s21+$0x13B00]  }
0x262: {  	v45 =	vadd.f32 v45, v38;
	v47 =	vld [tilespmem:s21+$0x13A00];
	v49 =	vmul.f32 v50, v13;
	v38 =	vmul.f32 v50, v23;
	[tilespmem:s4+$0x1E480] =	vst v39;
	s4 =	smov.u32 s21  }
0x263: {  	v39 =	vmul.f32 v50, v11;
	v52 =	vmul.f32 v50, v28;
	v51 =	vld [tilespmem:s4+$0xAD00]  }
0x264: {  	v54 =	vmul.f32 v50, v21;
	v55 =	vmul.f32 v50, v26;
	v53 =	vld [tilespmem:s4+$0xAA00]  }
0x265: {  	v57 =	vmul.f32 v50, v18;
	v56 =	vadd.f32 v39, v37;
	v39 =	vmul.f32 v50, v16;
	v58 =	vld [tilespmem:s4+$0x13B80]  }
0x266: {  	v59 =	vmul.f32 v4, v17;
	v49 =	vadd.f32 v49, v37;
	v55 =	vadd.f32 v55, v37;
	v60 =	vld [tilespmem:s4+$0xAB80]  }
0x267: {  	v48 =	vadd.f32 v42, v48;
	v42 =	vadd.f32 v38, v37;
	v38 =	vmul.f32 v50, v36;
	v61 =	vld [tilespmem:s4+$0xAC80]  }
0x268: {  	v57 =	vadd.f32 v57, v37;
	v62 =	vadd.f32 v39, v37;
	v39 =	vmul.f32 v50, v34;
	v63 =	vld [tilespmem:s4+$0x13C80]  }
0x269: {  	v43 =	vadd.f32 v43, v51;
	v47 =	vadd.f32 v47, v53;
	v53 =	vmul.f32 v4, v14  }
0x26a: {  	v41 =	vadd.f32 v41, v57;
	v57 =	vmul.f32 v4, v25;
	v51 =	vadd.f32 v59, v62  }
0x26b: {  	v56 =	vadd.f32 v44, v56;
	v44 =	vadd.f32 v53, v49;
	v49 =	vmul.f32 v4, v22  }
0x26c: {  	v42 =	vadd.f32 v57, v42;
	v53 =	vadd.f32 v54, v37  }
0x26d: {  	v54 =	vadd.f32 v58, v60;
	v57 =	vadd.f32 v63, v61  }
0x26e: {  	v58 =	vadd.f32 v40, v44;
	v49 =	vadd.f32 v49, v53;
	v40 =	vmul.f32 v50, v35  }
.Ltmp3:
0x26f: {  	v44 =	vadd.f32 v54, v41;
	v41 =	vadd.f32 v57, v42;
	v42 =	vmul.f32 v50, v32;
	(pc) =	sbr.rel @p0 .LBB2_9-.Ltmp3, $4  }
0x270: {  	v46 =	vadd.f32 v46, v55;
	v51 =	vadd.f32 v48, v51;
	v53 =	vmul.f32 v50, v30;
	[tilespmem:s4+$0x1CA80] =	vst v58  }
0x271: {  	v54 =	vadd.f32 v47, v56;
	v48 =	vadd.f32 v45, v49;
	[tilespmem:s4+$0x1CC80] =	vst v41;
	v41 =	vmul.f32 v50, v29  }
0x272: {  	v47 =	vmul.f32 v50, v31;
	v49 =	vadd.f32 v43, v46;
	v46 =	vadd.f32 v52, v37;
	[tilespmem:s4+$0x1CB00] =	vst v51  }
0x273: {  	v45 =	vmul.f32 v50, v33;
	[tilespmem:s4+$0x1CA00] =	vst v54;
	v43 =	vadd.f32 v41, v37;
	v41 =	vadd.f32 v53, v37  }
0x274: {  	[tilespmem:s4+$0x1CC00] =	vst v48  }
0x275: {  	[tilespmem:s4+$0x1CD00] =	vst v49  }
0x276: {  	[tilespmem:s4+$0x1CB80] =	vst v44;
	s16 =	sor.u32 $0x380, s16  }
0x277: {  	v11 =	vld [tilespmem:s16+$0xAA00]  }
0x278: {  	v12 =	vld [tilespmem:s16+$0x13A00];
	_ =	sdelay $0x2  }
0x279: {  	v13 =	vmul.f32 v4, v24;
	_ =	sdelay $0x1  }
0x27a: {  	v13 =	vadd.f32 v13, v46;
	v11 =	vadd.f32 v12, v11;
	_ =	sdelay $0x1  }
0x27b: {  	v11 =	vadd.f32 v11, v13;
	_ =	sdelay $0x1  }
0x27c: {  	[tilespmem:s16+$0x1CA00] =	vst v11  }
0x27d: {  	v11 =	vld [tilespmem:s4+$0xC200]  }
0x27e: {  	v34 =	vld [tilespmem:s4+$0x15200]  }
0x27f: {  	v35 =	vld [tilespmem:s4+$0xC280]  }
0x280: {  	v14 =	vld [tilespmem:s4+$0x15280]  }
0x281: {  	v17 =	vld [tilespmem:s4+$0xC300]  }
0x282: {  	v16 =	vmul.f32 v4, v19;
	v18 =	vld [tilespmem:s4+$0x15300]  }
0x283: {  	v15 =	vmul.f32 v4, v15;
	v20 =	vadd.f32 v47, v37;
	v36 =	vld [tilespmem:s4+$0xC380]  }
0x284: {  	v9 =	vmul.f32 v4, v9;
	v48 =	vadd.f32 v42, v37;
	v16 =	vadd.f32 v16, v43;
	v43 =	vld [tilespmem:s4+$0x15380]  }
0x285: {  	v10 =	vmul.f32 v4, v10;
	v8 =	vmul.f32 v4, v8;
	v57 =	vadd.f32 v40, v37;
	v44 =	vld [tilespmem:s4+$0xC400]  }
0x286: {  	v6 =	vmul.f32 v4, v6;
	v59 =	vadd.f32 v38, v37;
	v61 =	vadd.f32 v39, v37;
	v46 =	vld [tilespmem:s4+$0x15400]  }
0x287: {  	v7 =	vmul.f32 v4, v7;
	v51 =	vadd.f32 v45, v37;
	v15 =	vadd.f32 v15, v41;
	v49 =	vld [tilespmem:s4+$0xC480]  }
0x288: {  	v4 =	vmul.f32 v4, v5;
	v9 =	vadd.f32 v9, v20;
	v10 =	vadd.f32 v10, v48;
	v50 =	vld [tilespmem:s4+$0xC500]  }
0x289: {  	v6 =	vadd.f32 v6, v57;
	v7 =	vadd.f32 v7, v59;
	v53 =	vld [tilespmem:s4+$0x15500]  }
0x28a: {  	v4 =	vadd.f32 v4, v61;
	v54 =	vld [tilespmem:s4+$0xC580];
	v11 =	vadd.f32 v34, v11  }
0x28b: {  	v8 =	vadd.f32 v8, v51;
	v56 =	vld [tilespmem:s4+$0x15580];
	v13 =	vadd.f32 v14, v35  }
0x28c: {  	v58 =	vld [tilespmem:s4+$0x15480];
	v17 =	vadd.f32 v18, v17;
	v11 =	vadd.f32 v11, v16  }
0x28d: {  	v52 =	vadd.f32 v43, v36;
	v13 =	vadd.f32 v13, v15  }
0x28e: {  	v14 =	vadd.f32 v46, v44;
	v9 =	vadd.f32 v17, v9;
	[tilespmem:s4+$0x1E200] =	vst v11  }
0x28f: {  	v60 =	vadd.f32 v53, v50;
	v55 =	vadd.f32 v52, v10;
	[tilespmem:s4+$0x1E280] =	vst v13  }
0x290: {  	v62 =	vadd.f32 v56, v54;
	v8 =	vadd.f32 v14, v8;
	[tilespmem:s4+$0x1E300] =	vst v9  }
0x291: {  	v63 =	vadd.f32 v58, v49;
	v5 =	vadd.f32 v60, v6;
	[tilespmem:s4+$0x1E380] =	vst v55  }
0x292: {  	v6 =	vadd.f32 v62, v7;
	[tilespmem:s4+$0x1E400] =	vst v8  }
0x293: {  	v4 =	vadd.f32 v63, v4;
	[tilespmem:s4+$0x1E500] =	vst v5  }
0x294: {  	[tilespmem:s4+$0x1E580] =	vst v6  }
0x295: {  	[tilespmem:s4+$0x1E480] =	vst v4  }
0x296: {  	v4 =	vld @!p1 [tilespmem:s14+$0x50];
	_ =	sdelay $0x4  }
0x297: {  	v5 =	vshrl.u32 @!p1 v4, $0x3  }
0x298: {  	v5 =	vmul.u32 @!p1 $0x30, v5  }
0x299: {  	v6 =	vlaneseq.u32 @!p1;
	v4 =	vand.u32 @!p1 $0x7, v4  }
0x29a: {  	v7 =	vshrl.u32 @!p1 v6, $0x3;
	v4 =	vor.u32 @!p1 v4, v5;
	v5 =	vand.u32 @!p1 $0x7, v6  }
0x29b: {  	v7 =	vmul.u32 @!p1 $0x8, v7;
	v8 =	vperm.xlane @!p1 v4, v5;
	_ =	sdelay $0x1  }
0x29c: {  	v8 =	vadd.s32 @!p1 v7, v8;
	_ =	sdelay $0x2  }
0x29d: {  	v6 =	vor.u32 @!p1 $0x8, v6  }
0x29e: {  	s16 =	simm.s32 @!p1 $0xAA00;
	s4 =	simm.s32 @!p1 $0x0;
	v4 =	vperm.xlane @!p1 v4, v6  }
0x29f: {  	[tilespmem:s16], [sflag:$0x3] =	stream.indirect_vreg.gather @!p1 [hbm4b:s1+s4], $0x80, v8, vm1, $0xb8;
	[tilespmem:$0x1FA00] =	vst v63  }
0x2a0: {  	v4 =	vadd.s32 @!p1 v7, v4;
	s16 =	simm.s32 @!p1 $0xB200  }
0x2a1: {  	[tilespmem:s16], [sflag:$0x3] =	stream.indirect_vreg.gather @!p1 [hbm4b:s10+s4], $0x80, v8, vm1, $0xb8;
	[tilespmem:$0x1FA00] =	vst v63  }
0x2a2: {  	s16 =	simm.s32 @!p1 $0xBA00  }
0x2a3: {  	[tilespmem:s16], [sflag:$0x3] =	stream.indirect_vreg.gather @!p1 [hbm4b:s11+s4], $0x80, v8, vm1, $0xb8;
	[tilespmem:$0x1FA00] =	vst v63  }
0x2a4: {  	s16 =	simm.s32 @!p1 $0xC200  }
0x2a5: {  	[tilespmem:s16], [sflag:$0x3] =	stream.indirect_vreg.gather @!p1 [hbm4b:s1+s4], $0x80, v4, vm1, $0xb8;
	[tilespmem:$0x1FA00] =	vst v63  }
0x2a6: {  	s16 =	simm.s32 @!p1 $0xCA00  }
0x2a7: {  	[tilespmem:s16], [sflag:$0x3] =	stream.indirect_vreg.gather @!p1 [hbm4b:s10+s4], $0x80, v4, vm1, $0xb8;
	[tilespmem:$0x1FA00] =	vst v63  }
0x2a8: {  	s16 =	simm.s32 @!p1 $0xD200  }
0x2a9: {  	[tilespmem:s16], [sflag:$0x3] =	stream.indirect_vreg.gather @!p1 [hbm4b:s11+s4], $0x80, v4, vm1, $0xb8;
	[tilespmem:$0x1FA00] =	vst v63  }
0x2aa: {  	v4 =	vld @!p1 [tilespmem:s14+$0x50];
	_ =	sdelay $0x4  }
0x2ab: {  	v8 =	vshrl.u32 @!p1 v4, $0x3  }
0x2ac: {  	v8 =	vmul.u32 @!p1 $0x30, v8  }
0x2ad: {  	v4 =	vand.u32 @!p1 $0x7, v4  }
0x2ae: {  	v4 =	vor.u32 @!p1 v4, v8  }
0x2af: {  	v5 =	vperm.xlane @!p1 v4, v5;
	_ =	sdelay $0x1  }
0x2b0: {  	v5 =	vadd.s32 @!p1 v7, v5;
	_ =	sdelay $0x3  }
0x2b1: {  	s14 =	simm.s32 @!p1 $0x13A00;
	v4 =	vperm.xlane @!p1 v4, v6  }
0x2b2: {  	[tilespmem:s14], [sflag:$0x3] =	stream.indirect_vreg.gather @!p1 [hbm4b:s2+s4], $0x80, v5, vm1, $0xb8;
	[tilespmem:$0x1FA00] =	vst v63  }
0x2b3: {  	v4 =	vadd.s32 @!p1 v7, v4;
	s14 =	simm.s32 @!p1 $0x14200  }
0x2b4: {  	[tilespmem:s14], [sflag:$0x3] =	stream.indirect_vreg.gather @!p1 [hbm4b:s12+s4], $0x80, v5, vm1, $0xb8;
	[tilespmem:$0x1FA00] =	vst v63  }
0x2b5: {  	s14 =	simm.s32 @!p1 $0x14A00  }
0x2b6: {  	[tilespmem:s14], [sflag:$0x3] =	stream.indirect_vreg.gather @!p1 [hbm4b:s13+s4], $0x80, v5, vm1, $0xb8;
	[tilespmem:$0x1FA00] =	vst v63  }
0x2b7: {  	s9 =	sadd.s32 $0x1, s9;
	s14 =	simm.s32 @!p1 $0x15200  }
0x2b8: {  	[tilespmem:s14], [sflag:$0x3] =	stream.indirect_vreg.gather @!p1 [hbm4b:s2+s4], $0x80, v4, vm1, $0xb8;
	[tilespmem:$0x1FA00] =	vst v63  }
0x2b9: {  	s8 =	sadd.s32 s7, s8;
	p0 =	sne.s32 s9, $0x85;
	s14 =	simm.s32 @!p1 $0x15A00  }
0x2ba: {  	[tilespmem:s14], [sflag:$0x3] =	stream.indirect_vreg.gather @!p1 [hbm4b:s12+s4], $0x80, v4, vm1, $0xb8;
	[tilespmem:$0x1FA00] =	vst v63  }
.Ltmp4:
0x2bb: {  	s8 =	sshrl.u32 s8, $0x3;
	(pc) =	sbr.rel @p0 .LBB2_4-.Ltmp4, $4  }
0x2bc: {  	s8 =	smul.u32 $0x300, s8;
	s14 =	simm.s32 @!p1 $0x16200  }
0x2bd: {  	[tilespmem:s14], [sflag:$0x3] =	stream.indirect_vreg.gather @!p1 [hbm4b:s13+s4], $0x80, v4, vm1, $0xb8;
	[tilespmem:$0x1FA00] =	vst v63  }
0x2be: {  	s24 =	simm.s32 $0x1CA00;
	s23 =	sadd.s32 s5, s8  }
0x2bf: {  	[hbm4b:s23+s6] =	stream.linear.scatter [tilespmem:s24], [sflag:$0x6], $0x3000, $0x38;
	[tilespmem:$0x1FA00] =	vst v63  }
0x2c0: {  	_ =	swait.ge [sflag:s18], $0x3000  }
0x2c1: {  	[sflag:s18] =	ssyncset.done $0x0  }
0x2c2: {  	[sflag:s18] =	ssyncadd.s32 $0xFFFFD000  }
0x2c3: {  	_ =	swait.ge [sflag:s18], $0x3000  }
0x2c4: {  	[sflag:s18] =	ssyncset.done $0x0  }
0x2c5: {  	s20 =	simm.s32 $0x4;
	[sflag:s18] =	ssyncadd.s32 $0xFFFFD000  }
0x2c6: {  	_ =	swait.ge [sflag:s20], $0x3000  }
0x2c7: {  	[sflag:s20] =	ssyncset.done $0x0  }
0x2c8: {  	[sflag:s20] =	ssyncadd.s32 $0xFFFFD000  }
0x2c9: {  	v4 =	vld [tilespmem:$0x31F0];
	_ =	sdelay $0x3  }
0x2ca: {  	s8 =	simm.s32 $0x0  }
0x2cb: {  	s4 =	sand.u32 $0x70, s8;
	s9 =	sand.u32 $0x1C00, s8;
	vm1 =	vgt.s32 v4, $0x0  }
0x2cc: {  	s4 =	sor.u32 s4, s9;
	v7 =	vsel vm1, $0x3F800000, v3  }
0x2cd: {  	v39 =	vld [tilespmem:s4+$0x4C00];
	v11 =	vbroadcast v7, $0x0  }
0x2ce: {  	v40 =	vld [tilespmem:s4+$0xDC00];
	v13 =	vbroadcast v7, $0x1;
	v16 =	vbroadcast v7, $0x2  }
0x2cf: {  	v41 =	vld [tilespmem:s4+$0xDA80];
	v18 =	vbroadcast v7, $0x3;
	v21 =	vbroadcast v7, $0x4  }
0x2d0: {  	v42 =	vld [tilespmem:s4+$0x4A80];
	v23 =	vbroadcast v7, $0x5;
	v26 =	vbroadcast v7, $0x6  }
0x2d1: {  	v45 =	vld [tilespmem:s4+$0x3280];
	v28 =	vbroadcast v7, $0x7;
	v29 =	vbroadcast v7, $0x8  }
0x2d2: {  	v43 =	vld [tilespmem:s4+$0x4B00];
	v30 =	vbroadcast v7, $0x9;
	v31 =	vbroadcast v7, $0xA  }
0x2d3: {  	v44 =	vld [tilespmem:s4+$0xDD00];
	vm1 =	vgt.s32 v4, $0x1;
	v32 =	vbroadcast v7, $0xB;
	v33 =	vbroadcast v7, $0xC  }
0x2d4: {  	v37 =	vld [tilespmem:s4+$0x3200];
	v38 =	vsel vm1, $0x3F800000, v3;
	v34 =	vbroadcast v7, $0xD;
	v35 =	vbroadcast v7, $0xE  }
0x2d5: {  	v61 =	vld [tilespmem:s4+$0xDB00];
	v36 =	vbroadcast v7, $0xF;
	v12 =	vbroadcast v38, $0x0  }
0x2d6: {  	v49 =	vld [tilespmem:s4+$0xDA00];
	v14 =	vbroadcast v38, $0x1;
	v17 =	vbroadcast v38, $0x2  }
0x2d7: {  	v51 =	vld [tilespmem:s4+$0x4D00];
	v20 =	vbroadcast v38, $0x3;
	v22 =	vbroadcast v38, $0x4  }
0x2d8: {  	v56 =	vld [tilespmem:s4+$0xDB80];
	v25 =	vbroadcast v38, $0x5;
	v27 =	vbroadcast v38, $0x6  }
0x2d9: {  	v58 =	vld [tilespmem:s4+$0x4B80];
	v24 =	vbroadcast v38, $0x7;
	v19 =	vbroadcast v38, $0x8  }
0x2da: {  	v52 =	vadd.f32 v40, v39;
	v40 =	vld [tilespmem:s4+$0x4A00];
	v15 =	vbroadcast v38, $0x9;
	v9 =	vbroadcast v38, $0xA  }
0x2db: {  	v60 =	vadd.f32 v61, v43;
	v43 =	vld [tilespmem:s4+$0x4C80];
	v10 =	vbroadcast v38, $0xB;
	v8 =	vbroadcast v38, $0xC  }
0x2dc: {  	v61 =	vld [tilespmem:s4+$0xDC80];
	v5 =	vbroadcast v38, $0xD;
	v6 =	vbroadcast v38, $0xE  }
0x2dd: {  	v4 =	vld [tilespmem:s4+$0x3300];
	v7 =	vbroadcast v38, $0xF;
	v62 =	vmul.f32 v45, v13  }
0x2de: {  	v41 =	vadd.f32 v41, v42;
	v50 =	vmul.f32 v45, v11;
	v39 =	vmul.f32 v45, v23  }
0x2df: {  	v51 =	vadd.f32 v44, v51;
	v53 =	vmul.f32 v45, v26;
	v54 =	vmul.f32 v45, v28  }
0x2e0: {  	v56 =	vadd.f32 v56, v58;
	v55 =	vmul.f32 v45, v16;
	v57 =	vmul.f32 v45, v18  }
0x2e1: {  	v59 =	vmul.f32 v45, v21;
	v49 =	vadd.f32 v49, v40;
	v43 =	vadd.f32 v61, v43  }
0x2e2: {  	v46 =	vmul.f32 v4, v12;
	v47 =	vmul.f32 v4, v27;
	v50 =	vadd.f32 v50, v37  }
0x2e3: {  	v42 =	vadd.f32 v62, v37;
	v38 =	vmul.f32 v4, v17;
	v55 =	vadd.f32 v55, v37  }
0x2e4: {  	v48 =	vmul.f32 v4, v20;
	v53 =	vadd.f32 v53, v37;
	v57 =	vadd.f32 v57, v37  }
0x2e5: {  	v39 =	vadd.f32 v39, v37;
	v63 =	vmul.f32 v4, v14;
	v55 =	vadd.f32 v38, v55  }
0x2e6: {  	v44 =	vadd.f32 v48, v57;
	v57 =	vmul.f32 v4, v25;
	v46 =	vadd.f32 v46, v50  }
0x2e7: {  	v62 =	vmul.f32 v4, v22;
	v40 =	vadd.f32 v63, v42;
	v63 =	vadd.f32 v59, v37  }
0x2e8: {  	v61 =	vmul.f32 v45, v30;
	v47 =	vadd.f32 v47, v53;
	v48 =	vadd.f32 v57, v39  }
0x2e9: {  	v38 =	vmul.f32 v45, v36;
	v41 =	vadd.f32 v41, v40;
	v42 =	vadd.f32 v62, v63  }
0x2ea: {  	v39 =	vmul.f32 v45, v34;
	v44 =	vadd.f32 v56, v44;
	v60 =	vadd.f32 v60, v55  }
0x2eb: {  	v40 =	vmul.f32 v45, v35;
	v62 =	vadd.f32 v49, v46;
	v49 =	vadd.f32 v51, v47;
	[tilespmem:s4+$0x16A80] =	vst v41  }
0x2ec: {  	v63 =	vmul.f32 v45, v29;
	v46 =	vadd.f32 v54, v37;
	v59 =	vadd.f32 v43, v48;
	[tilespmem:s4+$0x16B00] =	vst v60  }
0x2ed: {  	v47 =	vmul.f32 v45, v31;
	v43 =	vmul.f32 v45, v32;
	v48 =	vadd.f32 v52, v42;
	[tilespmem:s4+$0x16A00] =	vst v62  }
0x2ee: {  	s14 =	simm.s32 $0x10;
	s9 =	sor.u32 s8, s8;
	v42 =	vadd.f32 v63, v37;
	v41 =	vadd.f32 v61, v37;
	v45 =	vmul.f32 v45, v33;
	[tilespmem:s4+$0x16C80] =	vst v59  }
.LBB2_12:
0x2ef: {  	p0 =	sne.s32 s14, $0x2F0  }
0x2f0: {  	[tilespmem:s4+$0x16C00] =	vst v48;
	v47 =	vadd.f32 v47, v37;
	v43 =	vadd.f32 v43, v37;
	s8 =	sadd.s32 $0x80, s8;
	s15 =	smov.u32 s14;
	s14 =	sadd.s32 $0x10, s14  }
0x2f1: {  	v40 =	vadd.f32 v40, v37;
	s16 =	sor.u32 s8, s15;
	[tilespmem:s4+$0x16D00] =	vst v49;
	v45 =	vadd.f32 v45, v37  }
0x2f2: {  	s19 =	sor.u32 $0x380, s9;
	v39 =	vadd.f32 v39, v37;
	v37 =	vadd.f32 v38, v37;
	[tilespmem:s4+$0x16B80] =	vst v44;
	v44 =	vmul.f32 v4, v24;
	s9 =	smov.u32 s16  }
0x2f3: {  	v38 =	vld [tilespmem:s19+$0x4A00]  }
0x2f4: {  	v44 =	vadd.f32 v44, v46;
	v46 =	vld [tilespmem:s19+$0xDA00];
	_ =	sdelay $0x4  }
0x2f5: {  	v38 =	vadd.f32 v46, v38;
	_ =	sdelay $0x1  }
0x2f6: {  	v38 =	vadd.f32 v38, v44;
	_ =	sdelay $0x1  }
0x2f7: {  	[tilespmem:s19+$0x16A00] =	vst v38  }
0x2f8: {  	v38 =	vld [tilespmem:s4+$0x6200]  }
0x2f9: {  	v44 =	vld [tilespmem:s4+$0xF200]  }
0x2fa: {  	v46 =	vld [tilespmem:s4+$0x6280]  }
0x2fb: {  	v48 =	vld [tilespmem:s4+$0xF280]  }
0x2fc: {  	v49 =	vmul.f32 v4, v19;
	v50 =	vld [tilespmem:s4+$0x6300]  }
0x2fd: {  	v51 =	vmul.f32 v4, v15;
	v52 =	vld [tilespmem:s4+$0xF300]  }
0x2fe: {  	v42 =	vadd.f32 v49, v42;
	v38 =	vadd.f32 v44, v38;
	v44 =	vld [tilespmem:s4+$0x6380]  }
0x2ff: {  	v41 =	vadd.f32 v51, v41;
	v49 =	vmul.f32 v4, v9;
	v51 =	vld [tilespmem:s4+$0xF380]  }
0x300: {  	v38 =	vadd.f32 v38, v42;
	v42 =	vadd.f32 v48, v46;
	v46 =	vld [tilespmem:s4+$0x6400]  }
0x301: {  	v47 =	vadd.f32 v49, v47;
	v48 =	vmul.f32 v4, v10;
	v49 =	vld [tilespmem:s4+$0xF400]  }
0x302: {  	[tilespmem:s4+$0x18200] =	vst v38;
	v38 =	vadd.f32 v42, v41;
	v41 =	vadd.f32 v52, v50;
	v42 =	vld [tilespmem:s4+$0x6480]  }
0x303: {  	v43 =	vadd.f32 v48, v43;
	v48 =	vmul.f32 v4, v8;
	v50 =	vld [tilespmem:s4+$0x6500]  }
0x304: {  	s15 =	sand.u32 $0x70, s15;
	s16 =	sand.u32 $0x1C00, s8;
	[tilespmem:s4+$0x18280] =	vst v38;
	v38 =	vadd.f32 v41, v47;
	v41 =	vadd.f32 v51, v44;
	v44 =	vld [tilespmem:s4+$0xF500]  }
0x305: {  	s15 =	sor.u32 s15, s16;
	v45 =	vadd.f32 v48, v45;
	v47 =	vld [tilespmem:s4+$0x6580]  }
0x306: {  	[tilespmem:s4+$0x18300] =	vst v38;
	v38 =	vadd.f32 v41, v43;
	v41 =	vadd.f32 v49, v46;
	v43 =	vld [tilespmem:s4+$0xF580]  }
0x307: {  	v46 =	vmul.f32 v4, v6  }
0x308: {  	v48 =	vld [tilespmem:s15+$0x3300];
	[tilespmem:s4+$0x18380] =	vst v38;
	v38 =	vadd.f32 v41, v45;
	v41 =	vmul.f32 v4, v7  }
0x309: {  	v40 =	vadd.f32 v46, v40;
	v44 =	vadd.f32 v44, v50  }
0x30a: {  	[tilespmem:s4+$0x18400] =	vst v38;
	v37 =	vadd.f32 v41, v37  }
0x30b: {  	v38 =	vld [tilespmem:s15+$0x4C00];
	v40 =	vadd.f32 v44, v40;
	v41 =	vadd.f32 v43, v47  }
0x30c: {  	v43 =	vld [tilespmem:s4+$0xF480]  }
0x30d: {  	v44 =	vmul.f32 v48, v12;
	v45 =	vld [tilespmem:s15+$0xDC00];
	v46 =	vmul.f32 v48, v27;
	[tilespmem:s4+$0x18500] =	vst v40;
	v37 =	vadd.f32 v41, v37  }
0x30e: {  	v41 =	vmul.f32 v48, v20;
	v40 =	vld [tilespmem:s15+$0xDA80]  }
0x30f: {  	v49 =	vmul.f32 v4, v5;
	v4 =	vmov v48;
	v47 =	vld [tilespmem:s15+$0x4A80];
	[tilespmem:s4+$0x18580] =	vst v37  }
0x310: {  	v50 =	vld [tilespmem:s15+$0x3280]  }
0x311: {  	v39 =	vadd.f32 v49, v39;
	v48 =	vld [tilespmem:s15+$0x4B00];
	v42 =	vadd.f32 v43, v42  }
0x312: {  	v43 =	vld [tilespmem:s15+$0xDD00]  }
0x313: {  	v37 =	vld [tilespmem:s15+$0x3200];
	v39 =	vadd.f32 v42, v39  }
0x314: {  	v40 =	vadd.f32 v40, v47;
	v42 =	vld [tilespmem:s15+$0xDB00]  }
0x315: {  	v45 =	vadd.f32 v45, v38;
	v47 =	vld [tilespmem:s15+$0xDA00];
	v49 =	vmul.f32 v50, v13;
	v38 =	vmul.f32 v50, v23;
	[tilespmem:s4+$0x18480] =	vst v39;
	s4 =	smov.u32 s15  }
0x316: {  	v39 =	vmul.f32 v50, v11;
	v52 =	vmul.f32 v50, v28;
	v51 =	vld [tilespmem:s4+$0x4D00]  }
0x317: {  	v54 =	vmul.f32 v50, v21;
	v55 =	vmul.f32 v50, v26;
	v53 =	vld [tilespmem:s4+$0x4A00]  }
0x318: {  	v57 =	vmul.f32 v50, v18;
	v56 =	vadd.f32 v39, v37;
	v39 =	vmul.f32 v50, v16;
	v58 =	vld [tilespmem:s4+$0xDB80]  }
0x319: {  	v59 =	vmul.f32 v4, v17;
	v49 =	vadd.f32 v49, v37;
	v55 =	vadd.f32 v55, v37;
	v60 =	vld [tilespmem:s4+$0x4B80]  }
0x31a: {  	v42 =	vadd.f32 v42, v48;
	v48 =	vadd.f32 v38, v37;
	v38 =	vmul.f32 v50, v36;
	v61 =	vld [tilespmem:s4+$0x4C80]  }
0x31b: {  	v57 =	vadd.f32 v57, v37;
	v62 =	vadd.f32 v39, v37;
	v39 =	vmul.f32 v50, v34;
	v63 =	vld [tilespmem:s4+$0xDC80]  }
0x31c: {  	v51 =	vadd.f32 v43, v51;
	v47 =	vadd.f32 v47, v53;
	v53 =	vmul.f32 v4, v14  }
0x31d: {  	v41 =	vadd.f32 v41, v57;
	v43 =	vmul.f32 v4, v25;
	v59 =	vadd.f32 v59, v62  }
0x31e: {  	v56 =	vadd.f32 v44, v56;
	v44 =	vadd.f32 v53, v49;
	v49 =	vmul.f32 v4, v22  }
0x31f: {  	v43 =	vadd.f32 v43, v48;
	v53 =	vadd.f32 v54, v37  }
0x320: {  	v48 =	vadd.f32 v58, v60;
	v54 =	vadd.f32 v63, v61  }
0x321: {  	v57 =	vadd.f32 v40, v44;
	v49 =	vadd.f32 v49, v53;
	v40 =	vmul.f32 v50, v35  }
.Ltmp5:
0x322: {  	v44 =	vadd.f32 v48, v41;
	v41 =	vadd.f32 v54, v43;
	v43 =	vmul.f32 v50, v32;
	(pc) =	sbr.rel @p0 .LBB2_12-.Ltmp5, $4  }
0x323: {  	v46 =	vadd.f32 v46, v55;
	v42 =	vadd.f32 v42, v59;
	v53 =	vmul.f32 v50, v30;
	[tilespmem:s4+$0x16A80] =	vst v57  }
0x324: {  	v54 =	vadd.f32 v47, v56;
	v48 =	vadd.f32 v45, v49;
	[tilespmem:s4+$0x16C80] =	vst v41;
	v41 =	vmul.f32 v50, v29  }
0x325: {  	v49 =	vadd.f32 v51, v46;
	v46 =	vadd.f32 v52, v37;
	v47 =	vmul.f32 v50, v31;
	[tilespmem:s4+$0x16B00] =	vst v42  }
0x326: {  	v45 =	vmul.f32 v50, v33;
	[tilespmem:s4+$0x16A00] =	vst v54;
	v42 =	vadd.f32 v41, v37;
	v41 =	vadd.f32 v53, v37  }
0x327: {  	[tilespmem:s4+$0x16C00] =	vst v48  }
0x328: {  	[tilespmem:s4+$0x16D00] =	vst v49  }
0x329: {  	[tilespmem:s4+$0x16B80] =	vst v44;
	s8 =	sor.u32 $0x380, s9  }
0x32a: {  	v11 =	vld [tilespmem:s8+$0x4A00]  }
0x32b: {  	v12 =	vld [tilespmem:s8+$0xDA00];
	_ =	sdelay $0x2  }
0x32c: {  	v13 =	vmul.f32 v4, v24;
	_ =	sdelay $0x1  }
0x32d: {  	v13 =	vadd.f32 v13, v46;
	v11 =	vadd.f32 v12, v11;
	_ =	sdelay $0x1  }
0x32e: {  	v11 =	vadd.f32 v11, v13;
	_ =	sdelay $0x1  }
0x32f: {  	[tilespmem:s8+$0x16A00] =	vst v11  }
0x330: {  	v11 =	vld [tilespmem:s4+$0x6200]  }
0x331: {  	v34 =	vld [tilespmem:s4+$0xF200]  }
0x332: {  	v35 =	vld [tilespmem:s4+$0x6280]  }
0x333: {  	v14 =	vld [tilespmem:s4+$0xF280]  }
0x334: {  	v17 =	vld [tilespmem:s4+$0x6300]  }
0x335: {  	v16 =	vmul.f32 v4, v19;
	v18 =	vld [tilespmem:s4+$0xF300]  }
0x336: {  	v15 =	vmul.f32 v4, v15;
	v20 =	vadd.f32 v47, v37;
	v36 =	vld [tilespmem:s4+$0x6380]  }
0x337: {  	v9 =	vmul.f32 v4, v9;
	v48 =	vadd.f32 v43, v37;
	v16 =	vadd.f32 v16, v42;
	v42 =	vld [tilespmem:s4+$0xF380]  }
0x338: {  	v10 =	vmul.f32 v4, v10;
	v8 =	vmul.f32 v4, v8;
	v57 =	vadd.f32 v40, v37;
	v44 =	vld [tilespmem:s4+$0x6400]  }
0x339: {  	v6 =	vmul.f32 v4, v6;
	v59 =	vadd.f32 v38, v37;
	v61 =	vadd.f32 v39, v37;
	v46 =	vld [tilespmem:s4+$0xF400]  }
0x33a: {  	v7 =	vmul.f32 v4, v7;
	v51 =	vadd.f32 v45, v37;
	v15 =	vadd.f32 v15, v41;
	v49 =	vld [tilespmem:s4+$0x6480]  }
0x33b: {  	v4 =	vmul.f32 v4, v5;
	v9 =	vadd.f32 v9, v20;
	v10 =	vadd.f32 v10, v48;
	v50 =	vld [tilespmem:s4+$0x6500]  }
0x33c: {  	v6 =	vadd.f32 v6, v57;
	v7 =	vadd.f32 v7, v59;
	v53 =	vld [tilespmem:s4+$0xF500]  }
0x33d: {  	v4 =	vadd.f32 v4, v61;
	v54 =	vld [tilespmem:s4+$0x6580];
	v11 =	vadd.f32 v34, v11  }
0x33e: {  	v8 =	vadd.f32 v8, v51;
	v56 =	vld [tilespmem:s4+$0xF580];
	v13 =	vadd.f32 v14, v35  }
0x33f: {  	v58 =	vld [tilespmem:s4+$0xF480];
	v17 =	vadd.f32 v18, v17;
	v11 =	vadd.f32 v11, v16  }
0x340: {  	v52 =	vadd.f32 v42, v36;
	v13 =	vadd.f32 v13, v15  }
0x341: {  	v14 =	vadd.f32 v46, v44;
	v9 =	vadd.f32 v17, v9;
	[tilespmem:s4+$0x18200] =	vst v11  }
0x342: {  	v60 =	vadd.f32 v53, v50;
	v55 =	vadd.f32 v52, v10;
	[tilespmem:s4+$0x18280] =	vst v13  }
0x343: {  	v62 =	vadd.f32 v56, v54;
	v8 =	vadd.f32 v14, v8;
	[tilespmem:s4+$0x18300] =	vst v9  }
0x344: {  	v63 =	vadd.f32 v58, v49;
	v5 =	vadd.f32 v60, v6;
	[tilespmem:s4+$0x18380] =	vst v55  }
0x345: {  	v6 =	vadd.f32 v62, v7;
	[tilespmem:s4+$0x18400] =	vst v8  }
0x346: {  	v4 =	vadd.f32 v63, v4;
	[tilespmem:s4+$0x18500] =	vst v5  }
0x347: {  	[tilespmem:s4+$0x18580] =	vst v6  }
0x348: {  	s19 =	rddreg [dreg:$0x9];
	[tilespmem:s4+$0x18480] =	vst v4  }
0x349: {  	[hbm4b:s19+s6] =	stream.linear.scatter [tilespmem:s3], [sflag:$0x4], $0x3000, $0x38;
	[tilespmem:$0x1FA00] =	vst v63  }
0x34a: {  	_ =	swait.ge [sflag:s20], $0x3000  }
0x34b: {  	[sflag:s20] =	ssyncset.done $0x0  }
0x34c: {  	s21 =	simm.s32 $0x5;
	[sflag:s20] =	ssyncadd.s32 $0xFFFFD000  }
0x34d: {  	_ =	swait.ge [sflag:s21], $0x3000  }
0x34e: {  	[sflag:s21] =	ssyncset.done $0x0  }
0x34f: {  	s22 =	simm.s32 $0x6;
	[sflag:s21] =	ssyncadd.s32 $0xFFFFD000  }
0x350: {  	_ =	swait.ge [sflag:s22], $0x3000  }
0x351: {  	s23 =	rddreg [dreg:$0xb]  }
0x352: {  	s24 =	rddreg [dreg:$0xa];
	s9 =	sadd.s32 $0x1, s23  }
0x353: {  	p0 =	sne.s32 s9, s24  }
.Ltmp6:
0x354: {  	_ = 	snop;
	(pc) =	sbr.rel @p0 .LBB2_1-.Ltmp6, $3  }
0x355: {  	_ =	sdelay $0x1  }
0x356: {  	[sflag:s22] =	ssyncset.done $0x0  }
0x357: {  	[sflag:s22] =	ssyncadd.s32 $0xFFFFD000  }
0x358: {  	_ =	sfence.sel $0x180000  }
0x359: {  	[bflag:$0x0] =	sbarrier.arrive $0xFFFF  }
0x35a: {  	_ =	strace $0x90000047  }
0x35b: {  	s0 =	stileid.u32;
	[bflag:$0x2] =	sbarrier.arrive $0xFFFF  }
0x35c: {  	p0 =	sne.s32 s0, $0x0;
	s0 =	rddreg [dreg:$0x6]  }
0x35d: {  	s0 =	sadd.s32 @!p0 $0x100000, s0  }
0x35e: {  	[sflag:s0] =	ssyncadd.tile.s32 @!p0 $0x1;
	_ =	shalt  }
.Lfunc_end2:
_tile_overlayer_lowered:
.L_overlay_start_2:
0x35f: {  	(tag) =	ssettag $0x2  }
0x360: {  	s0 =	rddreg [dreg:$0x0];
	s2 =	stileid.u32  }
0x361: {  	s1 =	rddreg [dreg:$0x1];
	p0 =	sne.s32 s2, $0x0  }
0x362: {  	s3 =	rddreg [dreg:$0x2];
	[bflag:$0x3] =	sbarrier.arrive $0xFFFF;
	s2 =	simm.s32 @!p0 $0x1C07  }
0x363: {  	[timem:s3], [sflag:s2] =	dma.local @!p0 [hbm:s0], s1  }
0x364: {  	s0 =	simm.s32 @!p0 $0x7  }
0x365: {  	_ =	swait.ge @!p0 [sflag:s0], s1  }
0x366: {  	s1 =	ssub.s32 @!p0 $0x0, s1;
	[sflag:s0] =	ssyncset.done @!p0 $0x0  }
0x367: {  	[sflag:s0] =	ssyncadd.s32 @!p0 s1  }
0x368: {  	[bflag:$0x3] =	sbarrier.arrive $0xFFFF  }
0x369: {  	_ =	shalt  }

</sc_bundles>
